<compile_context>
chip_gen: v7x
topology: tpu7x:2x2x1
jax: 0.10.2.dev20260603
libtpu: 0.0.44.dev20260713+nightly
codegen_flags: <defaults>
</compile_context>

<pallas_src>
import jax
import jax.numpy as jnp
from jax import lax
from jax.experimental import pallas as pl
from jax.experimental.pallas import tpu as pltpu
from jax.experimental.pallas import tpu_sc as plsc

B, T, DIM = 1024, 200, 64
_NW = 32
_RPW = B // _NW
_HALF = T // 2
_NV = DIM // 16
_NB = 4


def _fused_body(x_hbm, table_hbm, segtab_hbm, pos_hbm, gamma_hbm,
                beta_hbm, out_hbm, idx_all, seg_all, rows0, rows1, rows2,
                rows3, outa, outb, pos_v, segtab_v, gb_v,
                sg0, sg1, sg2, sg3, soa, sob):
    wid = lax.axis_index("s") * 2 + lax.axis_index("c")
    b0 = wid * _RPW
    rows = [rows0, rows1, rows2, rows3]
    sem_g = [sg0, sg1, sg2, sg3]
    outs = [outa, outb]
    sem_o = [soa, sob]

    pltpu.sync_copy(pos_hbm.at[pl.ds(0, T)], pos_v)
    pltpu.sync_copy(segtab_hbm, segtab_v)
    pltpu.sync_copy(gamma_hbm, gb_v.at[0])
    pltpu.sync_copy(beta_hbm, gb_v.at[1])
    pltpu.sync_copy(x_hbm.at[pl.ds(b0, _RPW)], idx_all.at[:, pl.ds(0, T)])

    def unpack_row(r, _):
        @plsc.parallel_loop(0, 208, 16)
        def _unpack(c):
            w = idx_all[r, pl.ds(c, 16)]
            idx_all[r, pl.ds(c, 16)] = w & 131071
            seg_all[r, pl.ds(c, 16)] = (w >> 17).astype(jnp.float32)
        return ()

    lax.fori_loop(0, _RPW, unpack_row, ())

    s0 = [segtab_v[0, pl.ds(16 * j, 16)] for j in range(_NV)]
    sd = [segtab_v[1, pl.ds(16 * j, 16)] - s0[j] for j in range(_NV)]
    gam = [gb_v[0, pl.ds(16 * j, 16)] for j in range(_NV)]
    bet = [gb_v[1, pl.ds(16 * j, 16)] for j in range(_NV)]

    @plsc.parallel_loop(0, T, unroll=2)
    def _posadd(t):
        for j in range(_NV):
            pos_v[t, pl.ds(16 * j, 16)] = pos_v[t, pl.ds(16 * j, 16)] + s0[j]

    _dn = lax.GatherDimensionNumbers(offset_dims=(), collapsed_slice_dims=(0,),
                                     start_index_map=(0,))
    _lane0 = jnp.zeros((16, 1), jnp.int32)
    _lane15 = jnp.full((16, 1), 15, jnp.int32)

    def _shuf(v, lane_idx):
        return lax.gather(v, lane_idx, _dn, slice_sizes=(1,),
                          mode=lax.GatherScatterMode.PROMISE_IN_BOUNDS)

    def gather_cps(r, rows_buf, sem):
        return (pltpu.make_async_copy(table_hbm.at[idx_all.at[r, pl.ds(0, 96)]],
                                      rows_buf.at[pl.ds(0, 96)], sem),
                pltpu.make_async_copy(table_hbm.at[idx_all.at[r, pl.ds(96, 104)]],
                                      rows_buf.at[pl.ds(96, 104)], sem))

    def fire_gather(r, rows_buf, sem):
        for cp in gather_cps(r, rows_buf, sem):
            cp.start()

    def wait_gather(r, rows_buf, sem):
        for cp in gather_cps(r, rows_buf, sem):
            cp.wait()

    def compute_row(r, rows_buf, out_buf):
        @plsc.parallel_loop(0, T, unroll=4)
        def token_body(t):
            f = _shuf(seg_all[r, pl.ds(t, 16)], _lane0)
            e = [rows_buf[t, pl.ds(16 * j, 16)] + pos_v[t, pl.ds(16 * j, 16)]
                 + f * sd[j] for j in range(_NV)]
            tot = _shuf(plsc.cumsum(e[0] + e[1] + e[2] + e[3]), _lane15)
            totq = _shuf(plsc.cumsum(e[0] * e[0] + e[1] * e[1]
                                     + e[2] * e[2] + e[3] * e[3]), _lane15)
            mean = tot * (1.0 / DIM)
            v16 = totq * (1.0 / DIM) - mean * mean + 1e-5
            seed = plsc.bitcast(
                jnp.int32(0x5F3759DF) - (plsc.bitcast(v16, jnp.int32) >> 1),
                jnp.float32)
            half = v16 * 0.5
            r0 = seed * (1.5 - half * seed * seed)
            rs = r0 * (1.5 - half * r0 * r0)
            mrs = mean * rs
            for j in range(_NV):
                gs = gam[j] * rs
                out_buf[t, pl.ds(16 * j, 16)] = e[j] * gs + (bet[j] - mrs * gam[j])

    for k in range(_NB):
        fire_gather(k, rows[k], sem_g[k])

    def quad_body(i, _):
        for k in range(_NB):
            r = _NB * i + k
            o = k % 2
            wait_gather(r, rows[k], sem_g[k])
            if k >= 2:
                pltpu.make_async_copy(outs[o], out_hbm.at[b0 + r - 2],
                                      sem_o[o]).wait()
            else:
                @pl.when(i > 0)
                def _():
                    pltpu.make_async_copy(outs[o], out_hbm.at[b0 + r - 2],
                                          sem_o[o]).wait()
            compute_row(r, rows[k], outs[o])
            pltpu.async_copy(outs[o], out_hbm.at[b0 + r], sem_o[o])

            @pl.when(r + _NB < _RPW)
            def _():
                fire_gather(r + _NB, rows[k], sem_g[k])
        return ()

    lax.fori_loop(0, _RPW // _NB, quad_body, ())

    pltpu.make_async_copy(outs[0], out_hbm.at[b0 + _RPW - 2], sem_o[0]).wait()
    pltpu.make_async_copy(outs[1], out_hbm.at[b0 + _RPW - 1], sem_o[1]).wait()


def kernel(x, segment, tok_table, seg_table, pos_table, gamma, beta):
    packed = x.astype(jnp.int32) | (segment.astype(jnp.int32) << 17)
    mesh = plsc.VectorSubcoreMesh(core_axis_name="c", subcore_axis_name="s")
    fused = pl.kernel(
        _fused_body,
        out_type=jax.ShapeDtypeStruct((B, T, DIM), jnp.float32),
        mesh=mesh,
        scratch_types=[
            pltpu.VMEM((_RPW, 216), jnp.int32),
            pltpu.VMEM((_RPW, 216), jnp.float32),
            pltpu.VMEM((T, DIM), jnp.float32),
            pltpu.VMEM((T, DIM), jnp.float32),
            pltpu.VMEM((T, DIM), jnp.float32),
            pltpu.VMEM((T, DIM), jnp.float32),
            pltpu.VMEM((T, DIM), jnp.float32),
            pltpu.VMEM((T, DIM), jnp.float32),
            pltpu.VMEM((T, DIM), jnp.float32),
            pltpu.VMEM((2, DIM), jnp.float32),
            pltpu.VMEM((2, DIM), jnp.float32),
            pltpu.SemaphoreType.DMA,
            pltpu.SemaphoreType.DMA,
            pltpu.SemaphoreType.DMA,
            pltpu.SemaphoreType.DMA,
            pltpu.SemaphoreType.DMA,
            pltpu.SemaphoreType.DMA,
        ],
        compiler_params=pltpu.CompilerParams(use_tc_tiling_on_sc=False,
                                             needs_layout_passes=False),
    )
    return fused(packed, tok_table, seg_table, pos_table, gamma, beta)

# --- scband reference (transcript-rebuilt; emitter-appended) ---
"""Pipeline reference for scband-bertembedding-16166256902549 (READ-ONLY COPY).

The authoritative reference and input builder live on the scoring server;
editing this copy changes nothing except your own understanding.
"""

import jax, jax.numpy as jnp
import numpy as np

VOCAB = 100000
N_SEG = 2
MAX_LEN = 512
DIM = 64
B, T = 1024, 200


def setup_inputs(seed: int = 0) -> dict:
    key = jax.random.key(seed)
    k1, k2, k3, k4, k5 = jax.random.split(key, 5)
    x = jax.random.randint(k1, (B, T), 0, VOCAB, dtype=jnp.int64 if jax.config.jax_enable_x64 else jnp.int32)
    segment = jax.random.randint(k2, (B, T), 0, N_SEG, dtype=jnp.int64 if jax.config.jax_enable_x64 else jnp.int32)
    tok_table = jax.random.normal(k3, (VOCAB, DIM), dtype=jnp.float32) * 0.02
    seg_table = jax.random.normal(k4, (N_SEG, DIM), dtype=jnp.float32) * 0.02
    pos_table = jax.random.normal(k5, (MAX_LEN, DIM), dtype=jnp.float32) * 0.02
    gamma = jnp.ones((DIM,), dtype=jnp.float32)
    beta = jnp.zeros((DIM,), dtype=jnp.float32)
    return {"x": x, "segment": segment, "tok_table": tok_table, "seg_table": seg_table, "pos_table": pos_table, "gamma": gamma, "beta": beta}


def reference(x, segment, tok_table, seg_table, pos_table, gamma, beta):
    T_ = x.shape[1]
    emb = jnp.take(tok_table, x, axis=0) + jnp.take(seg_table, segment, axis=0) + jnp.take(pos_table, jnp.arange(T_), axis=0)[None, :, :]
    # dropout is identity in eval mode
    mean = jnp.mean(emb, axis=-1, keepdims=True)
    var = jnp.var(emb, axis=-1, keepdims=True)
    out = (emb - mean) / jnp.sqrt(var + 1e-5) * gamma + beta
    return out

if __name__ == "__main__":
    import jax
    _d = setup_inputs()
    print(jax.jit(kernel)(*tuple(_d.values())))

</pallas_src>

<mosaic_0001>
#map = affine_map<(d0, d1) -> (0, 0)>
#map1 = affine_map<(d0, d1) -> (0)>
#map2 = affine_map<(d0, d1) -> (0, 0, 0)>
module attributes {stable_mosaic.version = 14 : i64} {
  func.func @_fused_body(%arg0: i32, %arg1: i32, %arg2: memref<1024x200xi32, #tpu.memory_space<hbm>>, %arg3: memref<100000x64xf32, #tpu.memory_space<hbm>>, %arg4: memref<2x64xf32, #tpu.memory_space<hbm>>, %arg5: memref<512x64xf32, #tpu.memory_space<hbm>>, %arg6: memref<64xf32, #tpu.memory_space<hbm>>, %arg7: memref<64xf32, #tpu.memory_space<hbm>>, %arg8: memref<1024x200x64xf32, #tpu.memory_space<hbm>>, %arg9: memref<32x216xi32, #tpu.memory_space<vmem>>, %arg10: memref<32x216xf32, #tpu.memory_space<vmem>>, %arg11: memref<200x64xf32, #tpu.memory_space<vmem>>, %arg12: memref<200x64xf32, #tpu.memory_space<vmem>>, %arg13: memref<200x64xf32, #tpu.memory_space<vmem>>, %arg14: memref<200x64xf32, #tpu.memory_space<vmem>>, %arg15: memref<200x64xf32, #tpu.memory_space<vmem>>, %arg16: memref<200x64xf32, #tpu.memory_space<vmem>>, %arg17: memref<200x64xf32, #tpu.memory_space<vmem>>, %arg18: memref<2x64xf32, #tpu.memory_space<vmem>>, %arg19: memref<2x64xf32, #tpu.memory_space<vmem>>, %arg20: memref<!tpu.dma_semaphore, #tpu.memory_space<semaphore_mem>>, %arg21: memref<!tpu.dma_semaphore, #tpu.memory_space<semaphore_mem>>, %arg22: memref<!tpu.dma_semaphore, #tpu.memory_space<semaphore_mem>>, %arg23: memref<!tpu.dma_semaphore, #tpu.memory_space<semaphore_mem>>, %arg24: memref<!tpu.dma_semaphore, #tpu.memory_space<semaphore_mem>>, %arg25: memref<!tpu.dma_semaphore, #tpu.memory_space<semaphore_mem>>) attributes {dimension_semantics = [#tpu.dimension_semantics<core_parallel>, #tpu.dimension_semantics<subcore_parallel>], iteration_bounds = array<i64: 2, 16>, scalar_prefetch = 0 : i64, scratch_operands = 17 : i64, tpu.core_type = #tpu.core_type<sc_vector_subcore>, window_params = [{transform_indices = #map}, {transform_indices = #map}, {transform_indices = #map}, {transform_indices = #map}, {transform_indices = #map1}, {transform_indices = #map1}, {transform_indices = #map2}]} {
    %mul3A = arith.constant 2 : i32
    %mul3A_0 = arith.muli %arg1, %mul3A : i32
    %add3A = arith.addi %mul3A_0, %arg0 : i32
    %mul3A_1 = arith.constant 32 : i32
    %mul3A_2 = arith.muli %add3A, %mul3A_1 : i32
    "tpu.region"() ({
      %run_scoped3A_186 = tpu.sem_alloc : memref<!tpu.dma_semaphore, #tpu.memory_space<semaphore_mem>>
      %dma_start3A_187 = arith.constant 0 : i32
      %dma_start3A_188 = arith.constant 0 : i32
      %dma_start3A_189 = tpu.memref_slice %arg5[%dma_start3A_187, %dma_start3A_188] : memref<512x64xf32, #tpu.memory_space<hbm>> -> memref<200x64xf32, #tpu.memory_space<hbm>>
      %dma_start3A_190 = arith.constant 0 : i32
      %dma_start3A_191 = arith.constant 0 : i32
      %dma_start3A_192 = tpu.memref_slice %arg5[%dma_start3A_190, %dma_start3A_191] : memref<512x64xf32, #tpu.memory_space<hbm>> -> memref<200x64xf32, #tpu.memory_space<hbm>>
      tpu.enqueue_dma source(%dma_start3A_192 : memref<200x64xf32, #tpu.memory_space<hbm>>) target(%arg17 : memref<200x64xf32, #tpu.memory_space<vmem>>) target_semaphore(%run_scoped3A_186 : memref<!tpu.dma_semaphore, #tpu.memory_space<semaphore_mem>>)
      %dma_wait3A_193 = arith.constant 0 : i32
      %dma_wait3A_194 = arith.constant 0 : i32
      %dma_wait3A_195 = tpu.memref_slice %arg5[%dma_wait3A_193, %dma_wait3A_194] : memref<512x64xf32, #tpu.memory_space<hbm>> -> memref<200x64xf32, #tpu.memory_space<hbm>>
      %dma_wait3A_196 = arith.constant 0 : i32
      %dma_wait3A_197 = arith.constant 0 : i32
      %dma_wait3A_198 = tpu.memref_slice %arg5[%dma_wait3A_196, %dma_wait3A_197] : memref<512x64xf32, #tpu.memory_space<hbm>> -> memref<200x64xf32, #tpu.memory_space<hbm>>
      tpu.wait_dma2 semaphore(%run_scoped3A_186 : memref<!tpu.dma_semaphore, #tpu.memory_space<semaphore_mem>>) src(%dma_wait3A_198 : memref<200x64xf32, #tpu.memory_space<hbm>>) dst(%arg17 : memref<200x64xf32, #tpu.memory_space<vmem>>)
      tpu.yield
    }) : () -> ()
    "tpu.region"() ({
      %run_scoped3A_186 = tpu.sem_alloc : memref<!tpu.dma_semaphore, #tpu.memory_space<semaphore_mem>>
      tpu.enqueue_dma source(%arg4 : memref<2x64xf32, #tpu.memory_space<hbm>>) target(%arg18 : memref<2x64xf32, #tpu.memory_space<vmem>>) target_semaphore(%run_scoped3A_186 : memref<!tpu.dma_semaphore, #tpu.memory_space<semaphore_mem>>)
      tpu.wait_dma2 semaphore(%run_scoped3A_186 : memref<!tpu.dma_semaphore, #tpu.memory_space<semaphore_mem>>) src(%arg4 : memref<2x64xf32, #tpu.memory_space<hbm>>) dst(%arg18 : memref<2x64xf32, #tpu.memory_space<vmem>>)
      tpu.yield
    }) : () -> ()
    %run_scoped3A = arith.constant 0 : i32
    "tpu.region"() ({
      %run_scoped3A_186 = tpu.sem_alloc : memref<!tpu.dma_semaphore, #tpu.memory_space<semaphore_mem>>
      %dma_start3A_187 = arith.constant 0 : i32
      %dma_start3A_188 = tpu.memref_slice %arg19[%run_scoped3A, %dma_start3A_187] : memref<2x64xf32, #tpu.memory_space<vmem>> -> memref<1x64xf32, #tpu.memory_space<vmem>>
      %dma_start3A_189 = tpu.memref_squeeze %dma_start3A_188 : memref<1x64xf32, #tpu.memory_space<vmem>> -> memref<64xf32, #tpu.memory_space<vmem>>
      %dma_start3A_190 = arith.constant 0 : i32
      %dma_start3A_191 = tpu.memref_slice %arg19[%run_scoped3A, %dma_start3A_190] : memref<2x64xf32, #tpu.memory_space<vmem>> -> memref<1x64xf32, #tpu.memory_space<vmem>>
      %dma_start3A_192 = tpu.memref_squeeze %dma_start3A_191 : memref<1x64xf32, #tpu.memory_space<vmem>> -> memref<64xf32, #tpu.memory_space<vmem>>
      tpu.enqueue_dma source(%arg6 : memref<64xf32, #tpu.memory_space<hbm>>) target(%dma_start3A_192 : memref<64xf32, #tpu.memory_space<vmem>>) target_semaphore(%run_scoped3A_186 : memref<!tpu.dma_semaphore, #tpu.memory_space<semaphore_mem>>)
      %dma_wait3A_193 = arith.constant 0 : i32
      %dma_wait3A_194 = tpu.memref_slice %arg19[%run_scoped3A, %dma_wait3A_193] : memref<2x64xf32, #tpu.memory_space<vmem>> -> memref<1x64xf32, #tpu.memory_space<vmem>>
      %dma_wait3A_195 = tpu.memref_squeeze %dma_wait3A_194 : memref<1x64xf32, #tpu.memory_space<vmem>> -> memref<64xf32, #tpu.memory_space<vmem>>
      %dma_wait3A_196 = arith.constant 0 : i32
      %dma_wait3A_197 = tpu.memref_slice %arg19[%run_scoped3A, %dma_wait3A_196] : memref<2x64xf32, #tpu.memory_space<vmem>> -> memref<1x64xf32, #tpu.memory_space<vmem>>
      %dma_wait3A_198 = tpu.memref_squeeze %dma_wait3A_197 : memref<1x64xf32, #tpu.memory_space<vmem>> -> memref<64xf32, #tpu.memory_space<vmem>>
      tpu.wait_dma2 semaphore(%run_scoped3A_186 : memref<!tpu.dma_semaphore, #tpu.memory_space<semaphore_mem>>) src(%arg6 : memref<64xf32, #tpu.memory_space<hbm>>) dst(%dma_wait3A_198 : memref<64xf32, #tpu.memory_space<vmem>>)
      tpu.yield
    }) : () -> ()
    %run_scoped3A_3 = arith.constant 1 : i32
    "tpu.region"() ({
      %run_scoped3A_186 = tpu.sem_alloc : memref<!tpu.dma_semaphore, #tpu.memory_space<semaphore_mem>>
      %dma_start3A_187 = arith.constant 0 : i32
      %dma_start3A_188 = tpu.memref_slice %arg19[%run_scoped3A_3, %dma_start3A_187] : memref<2x64xf32, #tpu.memory_space<vmem>> -> memref<1x64xf32, #tpu.memory_space<vmem>>
      %dma_start3A_189 = tpu.memref_squeeze %dma_start3A_188 : memref<1x64xf32, #tpu.memory_space<vmem>> -> memref<64xf32, #tpu.memory_space<vmem>>
      %dma_start3A_190 = arith.constant 0 : i32
      %dma_start3A_191 = tpu.memref_slice %arg19[%run_scoped3A_3, %dma_start3A_190] : memref<2x64xf32, #tpu.memory_space<vmem>> -> memref<1x64xf32, #tpu.memory_space<vmem>>
      %dma_start3A_192 = tpu.memref_squeeze %dma_start3A_191 : memref<1x64xf32, #tpu.memory_space<vmem>> -> memref<64xf32, #tpu.memory_space<vmem>>
      tpu.enqueue_dma source(%arg7 : memref<64xf32, #tpu.memory_space<hbm>>) target(%dma_start3A_192 : memref<64xf32, #tpu.memory_space<vmem>>) target_semaphore(%run_scoped3A_186 : memref<!tpu.dma_semaphore, #tpu.memory_space<semaphore_mem>>)
      %dma_wait3A_193 = arith.constant 0 : i32
      %dma_wait3A_194 = tpu.memref_slice %arg19[%run_scoped3A_3, %dma_wait3A_193] : memref<2x64xf32, #tpu.memory_space<vmem>> -> memref<1x64xf32, #tpu.memory_space<vmem>>
      %dma_wait3A_195 = tpu.memref_squeeze %dma_wait3A_194 : memref<1x64xf32, #tpu.memory_space<vmem>> -> memref<64xf32, #tpu.memory_space<vmem>>
      %dma_wait3A_196 = arith.constant 0 : i32
      %dma_wait3A_197 = tpu.memref_slice %arg19[%run_scoped3A_3, %dma_wait3A_196] : memref<2x64xf32, #tpu.memory_space<vmem>> -> memref<1x64xf32, #tpu.memory_space<vmem>>
      %dma_wait3A_198 = tpu.memref_squeeze %dma_wait3A_197 : memref<1x64xf32, #tpu.memory_space<vmem>> -> memref<64xf32, #tpu.memory_space<vmem>>
      tpu.wait_dma2 semaphore(%run_scoped3A_186 : memref<!tpu.dma_semaphore, #tpu.memory_space<semaphore_mem>>) src(%arg7 : memref<64xf32, #tpu.memory_space<hbm>>) dst(%dma_wait3A_198 : memref<64xf32, #tpu.memory_space<vmem>>)
      tpu.yield
    }) : () -> ()
    "tpu.region"() ({
      %run_scoped3A_186 = tpu.sem_alloc : memref<!tpu.dma_semaphore, #tpu.memory_space<semaphore_mem>>
      %dma_start3A_187 = arith.constant 0 : i32
      %dma_start3A_188 = arith.constant 0 : i32
      %dma_start3A_189 = tpu.memref_slice %arg9[%dma_start3A_187, %dma_start3A_188] : memref<32x216xi32, #tpu.memory_space<vmem>> -> memref<32x200xi32, #tpu.memory_space<vmem>>
      %dma_start3A_190 = arith.constant 0 : i32
      %dma_start3A_191 = tpu.memref_slice %arg2[%mul3A_2, %dma_start3A_190] : memref<1024x200xi32, #tpu.memory_space<hbm>> -> memref<32x200xi32, #tpu.memory_space<hbm>>
      %dma_start3A_192 = arith.constant 0 : i32
      %dma_start3A_193 = arith.constant 0 : i32
      %dma_start3A_194 = tpu.memref_slice %arg9[%dma_start3A_192, %dma_start3A_193] : memref<32x216xi32, #tpu.memory_space<vmem>> -> memref<32x200xi32, #tpu.memory_space<vmem>>
      %dma_start3A_195 = arith.constant 0 : i32
      %dma_start3A_196 = tpu.memref_slice %arg2[%mul3A_2, %dma_start3A_195] : memref<1024x200xi32, #tpu.memory_space<hbm>> -> memref<32x200xi32, #tpu.memory_space<hbm>>
      tpu.enqueue_dma source(%dma_start3A_196 : memref<32x200xi32, #tpu.memory_space<hbm>>) target(%dma_start3A_194 : memref<32x200xi32, #tpu.memory_space<vmem>>) target_semaphore(%run_scoped3A_186 : memref<!tpu.dma_semaphore, #tpu.memory_space<semaphore_mem>>)
      %dma_wait3A_197 = arith.constant 0 : i32
      %dma_wait3A_198 = arith.constant 0 : i32
      %dma_wait3A_199 = tpu.memref_slice %arg9[%dma_wait3A_197, %dma_wait3A_198] : memref<32x216xi32, #tpu.memory_space<vmem>> -> memref<32x200xi32, #tpu.memory_space<vmem>>
      %dma_wait3A_200 = arith.constant 0 : i32
      %dma_wait3A_201 = tpu.memref_slice %arg2[%mul3A_2, %dma_wait3A_200] : memref<1024x200xi32, #tpu.memory_space<hbm>> -> memref<32x200xi32, #tpu.memory_space<hbm>>
      %dma_wait3A_202 = arith.constant 0 : i32
      %dma_wait3A_203 = arith.constant 0 : i32
      %dma_wait3A_204 = tpu.memref_slice %arg9[%dma_wait3A_202, %dma_wait3A_203] : memref<32x216xi32, #tpu.memory_space<vmem>> -> memref<32x200xi32, #tpu.memory_space<vmem>>
      %dma_wait3A_205 = arith.constant 0 : i32
      %dma_wait3A_206 = tpu.memref_slice %arg2[%mul3A_2, %dma_wait3A_205] : memref<1024x200xi32, #tpu.memory_space<hbm>> -> memref<32x200xi32, #tpu.memory_space<hbm>>
      tpu.wait_dma2 semaphore(%run_scoped3A_186 : memref<!tpu.dma_semaphore, #tpu.memory_space<semaphore_mem>>) src(%dma_wait3A_206 : memref<32x200xi32, #tpu.memory_space<hbm>>) dst(%dma_wait3A_204 : memref<32x200xi32, #tpu.memory_space<vmem>>)
      tpu.yield
    }) : () -> ()
    %scan3A = arith.constant 0 : i32
    %scan3A_4 = arith.constant 32 : i32
    %scan3A_5 = arith.addi %scan3A, %scan3A_4 : i32
    %scan3A_6 = arith.constant 1 : i32
    scf.for %scan3A_186 = %scan3A to %scan3A_5 step %scan3A_6  : i32 {
      %parallel_loop3A_187 = arith.constant 0 : i32
      %parallel_loop3A_188 = arith.constant 208 : i32
      %parallel_loop3A_189 = arith.constant 16 : i32
      scf.for %parallel_loop3A_190 = %parallel_loop3A_187 to %parallel_loop3A_188 step %parallel_loop3A_189  : i32 {
        %parallel_loop3A_191 = arith.index_cast %scan3A_186 : i32 to index
        %parallel_loop3A_192 = arith.index_cast %parallel_loop3A_190 : i32 to index
        %parallel_loop3A_193 = tpu.vector_load %arg9[%parallel_loop3A_191, %parallel_loop3A_192] {strides = array<i32>} : memref<32x216xi32, #tpu.memory_space<vmem>>, vector<16xi32>,
        %parallel_loop3A_194 = arith.constant 131071 : i32
        %parallel_loop3A_195 = vector.broadcast %parallel_loop3A_194 : i32 to vector<16xi32>
        %parallel_loop3A_196 = arith.andi %parallel_loop3A_193, %parallel_loop3A_195 : vector<16xi32>
        %parallel_loop3A_197 = arith.index_cast %scan3A_186 : i32 to index
        %parallel_loop3A_198 = arith.index_cast %parallel_loop3A_190 : i32 to index
        %parallel_loop3A_199 = tpu.vector_load %arg9[%parallel_loop3A_197, %parallel_loop3A_198] {strides = array<i32>} : memref<32x216xi32, #tpu.memory_space<vmem>>, vector<16xi32>,
        tpu.vector_store %arg9[%parallel_loop3A_197, %parallel_loop3A_198], %parallel_loop3A_196 {strides = array<i32>} : memref<32x216xi32, #tpu.memory_space<vmem>>, vector<16xi32>,
        %parallel_loop3A_200 = arith.constant 17 : i32
        %parallel_loop3A_201 = vector.broadcast %parallel_loop3A_200 : i32 to vector<16xi32>
        %parallel_loop3A_202 = arith.shrsi %parallel_loop3A_193, %parallel_loop3A_201 : vector<16xi32>
        %parallel_loop3A_203 = arith.sitofp %parallel_loop3A_202 : vector<16xi32> to vector<16xf32>
        %parallel_loop3A_204 = arith.index_cast %scan3A_186 : i32 to index
        %parallel_loop3A_205 = arith.index_cast %parallel_loop3A_190 : i32 to index
        %parallel_loop3A_206 = tpu.vector_load %arg10[%parallel_loop3A_204, %parallel_loop3A_205] {strides = array<i32>} : memref<32x216xf32, #tpu.memory_space<vmem>>, vector<16xf32>,
        tpu.vector_store %arg10[%parallel_loop3A_204, %parallel_loop3A_205], %parallel_loop3A_203 {strides = array<i32>} : memref<32x216xf32, #tpu.memory_space<vmem>>, vector<16xf32>,
      } {sc.loop_unroll_factor = 1 : i64, sc.parallel_access}
    }
    %scan3A_7 = arith.constant 32 : i32
    %get3A = arith.constant 0 : i32
    %get3A_8 = arith.index_cast %get3A : i32 to index
    %get3A_9 = arith.constant 0 : index
    %get3A_10 = tpu.vector_load %arg18[%get3A_8, %get3A_9] {strides = array<i32>} : memref<2x64xf32, #tpu.memory_space<vmem>>, vector<16xf32>,
    %get3A_11 = arith.constant 0 : i32
    %get3A_12 = arith.index_cast %get3A_11 : i32 to index
    %get3A_13 = arith.constant 16 : index
    %get3A_14 = tpu.vector_load %arg18[%get3A_12, %get3A_13] {strides = array<i32>} : memref<2x64xf32, #tpu.memory_space<vmem>>, vector<16xf32>,
    %get3A_15 = arith.constant 0 : i32
    %get3A_16 = arith.index_cast %get3A_15 : i32 to index
    %get3A_17 = arith.constant 32 : index
    %get3A_18 = tpu.vector_load %arg18[%get3A_16, %get3A_17] {strides = array<i32>} : memref<2x64xf32, #tpu.memory_space<vmem>>, vector<16xf32>,
    %get3A_19 = arith.constant 0 : i32
    %get3A_20 = arith.index_cast %get3A_19 : i32 to index
    %get3A_21 = arith.constant 48 : index
    %get3A_22 = tpu.vector_load %arg18[%get3A_20, %get3A_21] {strides = array<i32>} : memref<2x64xf32, #tpu.memory_space<vmem>>, vector<16xf32>,
    %get3A_23 = arith.constant 1 : i32
    %get3A_24 = arith.index_cast %get3A_23 : i32 to index
    %get3A_25 = arith.constant 0 : index
    %get3A_26 = tpu.vector_load %arg18[%get3A_24, %get3A_25] {strides = array<i32>} : memref<2x64xf32, #tpu.memory_space<vmem>>, vector<16xf32>,
    %sub3A = arith.subf %get3A_26, %get3A_10 : vector<16xf32>
    %get3A_27 = arith.constant 1 : i32
    %get3A_28 = arith.index_cast %get3A_27 : i32 to index
    %get3A_29 = arith.constant 16 : index
    %get3A_30 = tpu.vector_load %arg18[%get3A_28, %get3A_29] {strides = array<i32>} : memref<2x64xf32, #tpu.memory_space<vmem>>, vector<16xf32>,
    %sub3A_31 = arith.subf %get3A_30, %get3A_14 : vector<16xf32>
    %get3A_32 = arith.constant 1 : i32
    %get3A_33 = arith.index_cast %get3A_32 : i32 to index
    %get3A_34 = arith.constant 32 : index
    %get3A_35 = tpu.vector_load %arg18[%get3A_33, %get3A_34] {strides = array<i32>} : memref<2x64xf32, #tpu.memory_space<vmem>>, vector<16xf32>,
    %sub3A_36 = arith.subf %get3A_35, %get3A_18 : vector<16xf32>
    %get3A_37 = arith.constant 1 : i32
    %get3A_38 = arith.index_cast %get3A_37 : i32 to index
    %get3A_39 = arith.constant 48 : index
    %get3A_40 = tpu.vector_load %arg18[%get3A_38, %get3A_39] {strides = array<i32>} : memref<2x64xf32, #tpu.memory_space<vmem>>, vector<16xf32>,
    %sub3A_41 = arith.subf %get3A_40, %get3A_22 : vector<16xf32>
    %get3A_42 = arith.constant 0 : i32
    %get3A_43 = arith.index_cast %get3A_42 : i32 to index
    %get3A_44 = arith.constant 0 : index
    %get3A_45 = tpu.vector_load %arg19[%get3A_43, %get3A_44] {strides = array<i32>} : memref<2x64xf32, #tpu.memory_space<vmem>>, vector<16xf32>,
    %get3A_46 = arith.constant 0 : i32
    %get3A_47 = arith.index_cast %get3A_46 : i32 to index
    %get3A_48 = arith.constant 16 : index
    %get3A_49 = tpu.vector_load %arg19[%get3A_47, %get3A_48] {strides = array<i32>} : memref<2x64xf32, #tpu.memory_space<vmem>>, vector<16xf32>,
    %get3A_50 = arith.constant 0 : i32
    %get3A_51 = arith.index_cast %get3A_50 : i32 to index
    %get3A_52 = arith.constant 32 : index
    %get3A_53 = tpu.vector_load %arg19[%get3A_51, %get3A_52] {strides = array<i32>} : memref<2x64xf32, #tpu.memory_space<vmem>>, vector<16xf32>,
    %get3A_54 = arith.constant 0 : i32
    %get3A_55 = arith.index_cast %get3A_54 : i32 to index
    %get3A_56 = arith.constant 48 : index
    %get3A_57 = tpu.vector_load %arg19[%get3A_55, %get3A_56] {strides = array<i32>} : memref<2x64xf32, #tpu.memory_space<vmem>>, vector<16xf32>,
    %get3A_58 = arith.constant 1 : i32
    %get3A_59 = arith.index_cast %get3A_58 : i32 to index
    %get3A_60 = arith.constant 0 : index
    %get3A_61 = tpu.vector_load %arg19[%get3A_59, %get3A_60] {strides = array<i32>} : memref<2x64xf32, #tpu.memory_space<vmem>>, vector<16xf32>,
    %get3A_62 = arith.constant 1 : i32
    %get3A_63 = arith.index_cast %get3A_62 : i32 to index
    %get3A_64 = arith.constant 16 : index
    %get3A_65 = tpu.vector_load %arg19[%get3A_63, %get3A_64] {strides = array<i32>} : memref<2x64xf32, #tpu.memory_space<vmem>>, vector<16xf32>,
    %get3A_66 = arith.constant 1 : i32
    %get3A_67 = arith.index_cast %get3A_66 : i32 to index
    %get3A_68 = arith.constant 32 : index
    %get3A_69 = tpu.vector_load %arg19[%get3A_67, %get3A_68] {strides = array<i32>} : memref<2x64xf32, #tpu.memory_space<vmem>>, vector<16xf32>,
    %get3A_70 = arith.constant 1 : i32
    %get3A_71 = arith.index_cast %get3A_70 : i32 to index
    %get3A_72 = arith.constant 48 : index
    %get3A_73 = tpu.vector_load %arg19[%get3A_71, %get3A_72] {strides = array<i32>} : memref<2x64xf32, #tpu.memory_space<vmem>>, vector<16xf32>,
    %parallel_loop3A = arith.constant 0 : i32
    %parallel_loop3A_74 = arith.constant 200 : i32
    %parallel_loop3A_75 = arith.constant 1 : i32
    scf.for %parallel_loop3A_186 = %parallel_loop3A to %parallel_loop3A_74 step %parallel_loop3A_75  : i32 {
      %parallel_loop3A_187 = arith.index_cast %parallel_loop3A_186 : i32 to index
      %parallel_loop3A_188 = arith.constant 0 : index
      %parallel_loop3A_189 = tpu.vector_load %arg17[%parallel_loop3A_187, %parallel_loop3A_188] {strides = array<i32>} : memref<200x64xf32, #tpu.memory_space<vmem>>, vector<16xf32>,
      %parallel_loop3A_190 = arith.addf %parallel_loop3A_189, %get3A_10 : vector<16xf32>
      %parallel_loop3A_191 = arith.index_cast %parallel_loop3A_186 : i32 to index
      %parallel_loop3A_192 = arith.constant 0 : index
      %parallel_loop3A_193 = tpu.vector_load %arg17[%parallel_loop3A_191, %parallel_loop3A_192] {strides = array<i32>} : memref<200x64xf32, #tpu.memory_space<vmem>>, vector<16xf32>,
      tpu.vector_store %arg17[%parallel_loop3A_191, %parallel_loop3A_192], %parallel_loop3A_190 {strides = array<i32>} : memref<200x64xf32, #tpu.memory_space<vmem>>, vector<16xf32>,
      %parallel_loop3A_194 = arith.index_cast %parallel_loop3A_186 : i32 to index
      %parallel_loop3A_195 = arith.constant 16 : index
      %parallel_loop3A_196 = tpu.vector_load %arg17[%parallel_loop3A_194, %parallel_loop3A_195] {strides = array<i32>} : memref<200x64xf32, #tpu.memory_space<vmem>>, vector<16xf32>,
      %parallel_loop3A_197 = arith.addf %parallel_loop3A_196, %get3A_14 : vector<16xf32>
      %parallel_loop3A_198 = arith.index_cast %parallel_loop3A_186 : i32 to index
      %parallel_loop3A_199 = arith.constant 16 : index
      %parallel_loop3A_200 = tpu.vector_load %arg17[%parallel_loop3A_198, %parallel_loop3A_199] {strides = array<i32>} : memref<200x64xf32, #tpu.memory_space<vmem>>, vector<16xf32>,
      tpu.vector_store %arg17[%parallel_loop3A_198, %parallel_loop3A_199], %parallel_loop3A_197 {strides = array<i32>} : memref<200x64xf32, #tpu.memory_space<vmem>>, vector<16xf32>,
      %parallel_loop3A_201 = arith.index_cast %parallel_loop3A_186 : i32 to index
      %parallel_loop3A_202 = arith.constant 32 : index
      %parallel_loop3A_203 = tpu.vector_load %arg17[%parallel_loop3A_201, %parallel_loop3A_202] {strides = array<i32>} : memref<200x64xf32, #tpu.memory_space<vmem>>, vector<16xf32>,
      %parallel_loop3A_204 = arith.addf %parallel_loop3A_203, %get3A_18 : vector<16xf32>
      %parallel_loop3A_205 = arith.index_cast %parallel_loop3A_186 : i32 to index
      %parallel_loop3A_206 = arith.constant 32 : index
      %parallel_loop3A_207 = tpu.vector_load %arg17[%parallel_loop3A_205, %parallel_loop3A_206] {strides = array<i32>} : memref<200x64xf32, #tpu.memory_space<vmem>>, vector<16xf32>,
      tpu.vector_store %arg17[%parallel_loop3A_205, %parallel_loop3A_206], %parallel_loop3A_204 {strides = array<i32>} : memref<200x64xf32, #tpu.memory_space<vmem>>, vector<16xf32>,
      %parallel_loop3A_208 = arith.index_cast %parallel_loop3A_186 : i32 to index
      %parallel_loop3A_209 = arith.constant 48 : index
      %parallel_loop3A_210 = tpu.vector_load %arg17[%parallel_loop3A_208, %parallel_loop3A_209] {strides = array<i32>} : memref<200x64xf32, #tpu.memory_space<vmem>>, vector<16xf32>,
      %parallel_loop3A_211 = arith.addf %parallel_loop3A_210, %get3A_22 : vector<16xf32>
      %parallel_loop3A_212 = arith.index_cast %parallel_loop3A_186 : i32 to index
      %parallel_loop3A_213 = arith.constant 48 : index
      %parallel_loop3A_214 = tpu.vector_load %arg17[%parallel_loop3A_212, %parallel_loop3A_213] {strides = array<i32>} : memref<200x64xf32, #tpu.memory_space<vmem>>, vector<16xf32>,
      tpu.vector_store %arg17[%parallel_loop3A_212, %parallel_loop3A_213], %parallel_loop3A_211 {strides = array<i32>} : memref<200x64xf32, #tpu.memory_space<vmem>>, vector<16xf32>,
    } {sc.loop_unroll_factor = 2 : i64, sc.parallel_access}
    %broadcast_in_dim3A = arith.constant 0 : i32
    %broadcast_in_dim3A_76 = vector.broadcast %broadcast_in_dim3A : i32 to vector<16x1xi32>
    %broadcast_in_dim3A_77 = arith.constant 15 : i32
    %broadcast_in_dim3A_78 = vector.broadcast %broadcast_in_dim3A_77 : i32 to vector<16x1xi32>
    %dma_start3A = arith.constant 0 : i32
    %dma_start3A_79 = arith.constant 0 : i32
    %dma_start3A_80 = arith.constant 0 : i32
    %dma_start3A_81 = tpu.memref_slice %arg11[%dma_start3A_79, %dma_start3A_80] : memref<200x64xf32, #tpu.memory_space<vmem>> -> memref<96x64xf32, #tpu.memory_space<vmem>>
    %dma_start3A_82 = arith.constant 0 : i32
    %dma_start3A_83 = tpu.memref_slice %arg9[%dma_start3A, %dma_start3A_82] : memref<32x216xi32, #tpu.memory_space<vmem>> -> memref<1x96xi32, #tpu.memory_space<vmem>>
    %dma_start3A_84 = tpu.memref_squeeze %dma_start3A_83 : memref<1x96xi32, #tpu.memory_space<vmem>> -> memref<96xi32, #tpu.memory_space<vmem>>
    %dma_start3A_85 = arith.constant 0 : i32
    %dma_start3A_86 = arith.constant 0 : i32
    %dma_start3A_87 = tpu.memref_slice %arg3[%dma_start3A_85, %dma_start3A_86] : memref<100000x64xf32, #tpu.memory_space<hbm>> -> memref<100000x64xf32, #tpu.memory_space<hbm>>
    tpu.enqueue_indirect_dma source(%dma_start3A_87 : memref<100000x64xf32, #tpu.memory_space<hbm>>) target(%dma_start3A_81 : memref<96x64xf32, #tpu.memory_space<vmem>>) offsets(%dma_start3A_84 : memref<96xi32, #tpu.memory_space<vmem>>) semaphore(%arg20 : memref<!tpu.dma_semaphore, #tpu.memory_space<semaphore_mem>>)
    %dma_start3A_88 = arith.constant 0 : i32
    %dma_start3A_89 = arith.constant 96 : i32
    %dma_start3A_90 = arith.constant 0 : i32
    %dma_start3A_91 = tpu.memref_slice %arg11[%dma_start3A_89, %dma_start3A_90] : memref<200x64xf32, #tpu.memory_space<vmem>> -> memref<104x64xf32, #tpu.memory_space<vmem>>
    %dma_start3A_92 = arith.constant 96 : i32
    %dma_start3A_93 = tpu.memref_slice %arg9[%dma_start3A_88, %dma_start3A_92] : memref<32x216xi32, #tpu.memory_space<vmem>> -> memref<1x104xi32, #tpu.memory_space<vmem>>
    %dma_start3A_94 = tpu.memref_squeeze %dma_start3A_93 : memref<1x104xi32, #tpu.memory_space<vmem>> -> memref<104xi32, #tpu.memory_space<vmem>>
    %dma_start3A_95 = arith.constant 0 : i32
    %dma_start3A_96 = arith.constant 0 : i32
    %dma_start3A_97 = tpu.memref_slice %arg3[%dma_start3A_95, %dma_start3A_96] : memref<100000x64xf32, #tpu.memory_space<hbm>> -> memref<100000x64xf32, #tpu.memory_space<hbm>>
    tpu.enqueue_indirect_dma source(%dma_start3A_97 : memref<100000x64xf32, #tpu.memory_space<hbm>>) target(%dma_start3A_91 : memref<104x64xf32, #tpu.memory_space<vmem>>) offsets(%dma_start3A_94 : memref<104xi32, #tpu.memory_space<vmem>>) semaphore(%arg20 : memref<!tpu.dma_semaphore, #tpu.memory_space<semaphore_mem>>)
    %dma_start3A_98 = arith.constant 1 : i32
    %dma_start3A_99 = arith.constant 0 : i32
    %dma_start3A_100 = arith.constant 0 : i32
    %dma_start3A_101 = tpu.memref_slice %arg12[%dma_start3A_99, %dma_start3A_100] : memref<200x64xf32, #tpu.memory_space<vmem>> -> memref<96x64xf32, #tpu.memory_space<vmem>>
    %dma_start3A_102 = arith.constant 0 : i32
    %dma_start3A_103 = tpu.memref_slice %arg9[%dma_start3A_98, %dma_start3A_102] : memref<32x216xi32, #tpu.memory_space<vmem>> -> memref<1x96xi32, #tpu.memory_space<vmem>>
    %dma_start3A_104 = tpu.memref_squeeze %dma_start3A_103 : memref<1x96xi32, #tpu.memory_space<vmem>> -> memref<96xi32, #tpu.memory_space<vmem>>
    %dma_start3A_105 = arith.constant 0 : i32
    %dma_start3A_106 = arith.constant 0 : i32
    %dma_start3A_107 = tpu.memref_slice %arg3[%dma_start3A_105, %dma_start3A_106] : memref<100000x64xf32, #tpu.memory_space<hbm>> -> memref<100000x64xf32, #tpu.memory_space<hbm>>
    tpu.enqueue_indirect_dma source(%dma_start3A_107 : memref<100000x64xf32, #tpu.memory_space<hbm>>) target(%dma_start3A_101 : memref<96x64xf32, #tpu.memory_space<vmem>>) offsets(%dma_start3A_104 : memref<96xi32, #tpu.memory_space<vmem>>) semaphore(%arg21 : memref<!tpu.dma_semaphore, #tpu.memory_space<semaphore_mem>>)
    %dma_start3A_108 = arith.constant 1 : i32
    %dma_start3A_109 = arith.constant 96 : i32
    %dma_start3A_110 = arith.constant 0 : i32
    %dma_start3A_111 = tpu.memref_slice %arg12[%dma_start3A_109, %dma_start3A_110] : memref<200x64xf32, #tpu.memory_space<vmem>> -> memref<104x64xf32, #tpu.memory_space<vmem>>
    %dma_start3A_112 = arith.constant 96 : i32
    %dma_start3A_113 = tpu.memref_slice %arg9[%dma_start3A_108, %dma_start3A_112] : memref<32x216xi32, #tpu.memory_space<vmem>> -> memref<1x104xi32, #tpu.memory_space<vmem>>
    %dma_start3A_114 = tpu.memref_squeeze %dma_start3A_113 : memref<1x104xi32, #tpu.memory_space<vmem>> -> memref<104xi32, #tpu.memory_space<vmem>>
    %dma_start3A_115 = arith.constant 0 : i32
    %dma_start3A_116 = arith.constant 0 : i32
    %dma_start3A_117 = tpu.memref_slice %arg3[%dma_start3A_115, %dma_start3A_116] : memref<100000x64xf32, #tpu.memory_space<hbm>> -> memref<100000x64xf32, #tpu.memory_space<hbm>>
    tpu.enqueue_indirect_dma source(%dma_start3A_117 : memref<100000x64xf32, #tpu.memory_space<hbm>>) target(%dma_start3A_111 : memref<104x64xf32, #tpu.memory_space<vmem>>) offsets(%dma_start3A_114 : memref<104xi32, #tpu.memory_space<vmem>>) semaphore(%arg21 : memref<!tpu.dma_semaphore, #tpu.memory_space<semaphore_mem>>)
    %dma_start3A_118 = arith.constant 2 : i32
    %dma_start3A_119 = arith.constant 0 : i32
    %dma_start3A_120 = arith.constant 0 : i32
    %dma_start3A_121 = tpu.memref_slice %arg13[%dma_start3A_119, %dma_start3A_120] : memref<200x64xf32, #tpu.memory_space<vmem>> -> memref<96x64xf32, #tpu.memory_space<vmem>>
    %dma_start3A_122 = arith.constant 0 : i32
    %dma_start3A_123 = tpu.memref_slice %arg9[%dma_start3A_118, %dma_start3A_122] : memref<32x216xi32, #tpu.memory_space<vmem>> -> memref<1x96xi32, #tpu.memory_space<vmem>>
    %dma_start3A_124 = tpu.memref_squeeze %dma_start3A_123 : memref<1x96xi32, #tpu.memory_space<vmem>> -> memref<96xi32, #tpu.memory_space<vmem>>
    %dma_start3A_125 = arith.constant 0 : i32
    %dma_start3A_126 = arith.constant 0 : i32
    %dma_start3A_127 = tpu.memref_slice %arg3[%dma_start3A_125, %dma_start3A_126] : memref<100000x64xf32, #tpu.memory_space<hbm>> -> memref<100000x64xf32, #tpu.memory_space<hbm>>
    tpu.enqueue_indirect_dma source(%dma_start3A_127 : memref<100000x64xf32, #tpu.memory_space<hbm>>) target(%dma_start3A_121 : memref<96x64xf32, #tpu.memory_space<vmem>>) offsets(%dma_start3A_124 : memref<96xi32, #tpu.memory_space<vmem>>) semaphore(%arg22 : memref<!tpu.dma_semaphore, #tpu.memory_space<semaphore_mem>>)
    %dma_start3A_128 = arith.constant 2 : i32
    %dma_start3A_129 = arith.constant 96 : i32
    %dma_start3A_130 = arith.constant 0 : i32
    %dma_start3A_131 = tpu.memref_slice %arg13[%dma_start3A_129, %dma_start3A_130] : memref<200x64xf32, #tpu.memory_space<vmem>> -> memref<104x64xf32, #tpu.memory_space<vmem>>
    %dma_start3A_132 = arith.constant 96 : i32
    %dma_start3A_133 = tpu.memref_slice %arg9[%dma_start3A_128, %dma_start3A_132] : memref<32x216xi32, #tpu.memory_space<vmem>> -> memref<1x104xi32, #tpu.memory_space<vmem>>
    %dma_start3A_134 = tpu.memref_squeeze %dma_start3A_133 : memref<1x104xi32, #tpu.memory_space<vmem>> -> memref<104xi32, #tpu.memory_space<vmem>>
    %dma_start3A_135 = arith.constant 0 : i32
    %dma_start3A_136 = arith.constant 0 : i32
    %dma_start3A_137 = tpu.memref_slice %arg3[%dma_start3A_135, %dma_start3A_136] : memref<100000x64xf32, #tpu.memory_space<hbm>> -> memref<100000x64xf32, #tpu.memory_space<hbm>>
    tpu.enqueue_indirect_dma source(%dma_start3A_137 : memref<100000x64xf32, #tpu.memory_space<hbm>>) target(%dma_start3A_131 : memref<104x64xf32, #tpu.memory_space<vmem>>) offsets(%dma_start3A_134 : memref<104xi32, #tpu.memory_space<vmem>>) semaphore(%arg22 : memref<!tpu.dma_semaphore, #tpu.memory_space<semaphore_mem>>)
    %dma_start3A_138 = arith.constant 3 : i32
    %dma_start3A_139 = arith.constant 0 : i32
    %dma_start3A_140 = arith.constant 0 : i32
    %dma_start3A_141 = tpu.memref_slice %arg14[%dma_start3A_139, %dma_start3A_140] : memref<200x64xf32, #tpu.memory_space<vmem>> -> memref<96x64xf32, #tpu.memory_space<vmem>>
    %dma_start3A_142 = arith.constant 0 : i32
    %dma_start3A_143 = tpu.memref_slice %arg9[%dma_start3A_138, %dma_start3A_142] : memref<32x216xi32, #tpu.memory_space<vmem>> -> memref<1x96xi32, #tpu.memory_space<vmem>>
    %dma_start3A_144 = tpu.memref_squeeze %dma_start3A_143 : memref<1x96xi32, #tpu.memory_space<vmem>> -> memref<96xi32, #tpu.memory_space<vmem>>
    %dma_start3A_145 = arith.constant 0 : i32
    %dma_start3A_146 = arith.constant 0 : i32
    %dma_start3A_147 = tpu.memref_slice %arg3[%dma_start3A_145, %dma_start3A_146] : memref<100000x64xf32, #tpu.memory_space<hbm>> -> memref<100000x64xf32, #tpu.memory_space<hbm>>
    tpu.enqueue_indirect_dma source(%dma_start3A_147 : memref<100000x64xf32, #tpu.memory_space<hbm>>) target(%dma_start3A_141 : memref<96x64xf32, #tpu.memory_space<vmem>>) offsets(%dma_start3A_144 : memref<96xi32, #tpu.memory_space<vmem>>) semaphore(%arg23 : memref<!tpu.dma_semaphore, #tpu.memory_space<semaphore_mem>>)
    %dma_start3A_148 = arith.constant 3 : i32
    %dma_start3A_149 = arith.constant 96 : i32
    %dma_start3A_150 = arith.constant 0 : i32
    %dma_start3A_151 = tpu.memref_slice %arg14[%dma_start3A_149, %dma_start3A_150] : memref<200x64xf32, #tpu.memory_space<vmem>> -> memref<104x64xf32, #tpu.memory_space<vmem>>
    %dma_start3A_152 = arith.constant 96 : i32
    %dma_start3A_153 = tpu.memref_slice %arg9[%dma_start3A_148, %dma_start3A_152] : memref<32x216xi32, #tpu.memory_space<vmem>> -> memref<1x104xi32, #tpu.memory_space<vmem>>
    %dma_start3A_154 = tpu.memref_squeeze %dma_start3A_153 : memref<1x104xi32, #tpu.memory_space<vmem>> -> memref<104xi32, #tpu.memory_space<vmem>>
    %dma_start3A_155 = arith.constant 0 : i32
    %dma_start3A_156 = arith.constant 0 : i32
    %dma_start3A_157 = tpu.memref_slice %arg3[%dma_start3A_155, %dma_start3A_156] : memref<100000x64xf32, #tpu.memory_space<hbm>> -> memref<100000x64xf32, #tpu.memory_space<hbm>>
    tpu.enqueue_indirect_dma source(%dma_start3A_157 : memref<100000x64xf32, #tpu.memory_space<hbm>>) target(%dma_start3A_151 : memref<104x64xf32, #tpu.memory_space<vmem>>) offsets(%dma_start3A_154 : memref<104xi32, #tpu.memory_space<vmem>>) semaphore(%arg23 : memref<!tpu.dma_semaphore, #tpu.memory_space<semaphore_mem>>)
    %scan3A_158 = arith.constant 0 : i32
    %scan3A_159 = arith.constant 8 : i32
    %scan3A_160 = arith.addi %scan3A_158, %scan3A_159 : i32
    %scan3A_161 = arith.constant 1 : i32
    scf.for %scan3A_186 = %scan3A_158 to %scan3A_160 step %scan3A_161  : i32 {
      %mul3A_187 = arith.constant 4 : i32
      %mul3A_188 = arith.muli %mul3A_187, %scan3A_186 : i32
      %add3A_189 = arith.constant 0 : i32
      %add3A_190 = arith.addi %mul3A_188, %add3A_189 : i32
      %dma_wait3A_191 = arith.constant 0 : i32
      %dma_wait3A_192 = arith.constant 0 : i32
      %dma_wait3A_193 = tpu.memref_slice %arg11[%dma_wait3A_191, %dma_wait3A_192] : memref<200x64xf32, #tpu.memory_space<vmem>> -> memref<96x64xf32, #tpu.memory_space<vmem>>
      %dma_wait3A_194 = arith.constant 0 : i32
      %dma_wait3A_195 = tpu.memref_slice %arg9[%add3A_190, %dma_wait3A_194] : memref<32x216xi32, #tpu.memory_space<vmem>> -> memref<1x96xi32, #tpu.memory_space<vmem>>
      %dma_wait3A_196 = tpu.memref_squeeze %dma_wait3A_195 : memref<1x96xi32, #tpu.memory_space<vmem>> -> memref<96xi32, #tpu.memory_space<vmem>>
      %dma_wait3A_197 = arith.constant 0 : i32
      %dma_wait3A_198 = arith.constant 0 : i32
      %dma_wait3A_199 = tpu.memref_slice %arg3[%dma_wait3A_197, %dma_wait3A_198] : memref<100000x64xf32, #tpu.memory_space<hbm>> -> memref<100000x64xf32, #tpu.memory_space<hbm>>
      tpu.wait_indirect_dma semaphore(%arg20 : memref<!tpu.dma_semaphore, #tpu.memory_space<semaphore_mem>>) src(%dma_wait3A_199 : memref<100000x64xf32, #tpu.memory_space<hbm>>) dst(%dma_wait3A_193 : memref<96x64xf32, #tpu.memory_space<vmem>>)
      %dma_wait3A_200 = arith.constant 96 : i32
      %dma_wait3A_201 = arith.constant 0 : i32
      %dma_wait3A_202 = tpu.memref_slice %arg11[%dma_wait3A_200, %dma_wait3A_201] : memref<200x64xf32, #tpu.memory_space<vmem>> -> memref<104x64xf32, #tpu.memory_space<vmem>>
      %dma_wait3A_203 = arith.constant 96 : i32
      %dma_wait3A_204 = tpu.memref_slice %arg9[%add3A_190, %dma_wait3A_203] : memref<32x216xi32, #tpu.memory_space<vmem>> -> memref<1x104xi32, #tpu.memory_space<vmem>>
      %dma_wait3A_205 = tpu.memref_squeeze %dma_wait3A_204 : memref<1x104xi32, #tpu.memory_space<vmem>> -> memref<104xi32, #tpu.memory_space<vmem>>
      %dma_wait3A_206 = arith.constant 0 : i32
      %dma_wait3A_207 = arith.constant 0 : i32
      %dma_wait3A_208 = tpu.memref_slice %arg3[%dma_wait3A_206, %dma_wait3A_207] : memref<100000x64xf32, #tpu.memory_space<hbm>> -> memref<100000x64xf32, #tpu.memory_space<hbm>>
      tpu.wait_indirect_dma semaphore(%arg20 : memref<!tpu.dma_semaphore, #tpu.memory_space<semaphore_mem>>) src(%dma_wait3A_208 : memref<100000x64xf32, #tpu.memory_space<hbm>>) dst(%dma_wait3A_202 : memref<104x64xf32, #tpu.memory_space<vmem>>)
      %gt3A = arith.constant 0 : i32
      %gt3A_209 = arith.cmpi sgt, %scan3A_186, %gt3A : i32
      %convert_element_type3A = arith.extui %gt3A_209 : i1 to i32
      %cond3A = arith.constant 0 : i32
      %cond3A_210 = arith.cmpi ne, %convert_element_type3A, %cond3A : i32
      scf.if %cond3A_210 {
        %add3A_379 = arith.addi %mul3A_2, %add3A_190 : i32
        %sub3A_380 = arith.constant 2 : i32
        %sub3A_381 = arith.subi %add3A_379, %sub3A_380 : i32
        %dma_wait3A_382 = arith.constant 0 : i32
        %dma_wait3A_383 = arith.constant 0 : i32
        %dma_wait3A_384 = tpu.memref_slice %arg8[%sub3A_381, %dma_wait3A_382, %dma_wait3A_383] : memref<1024x200x64xf32, #tpu.memory_space<hbm>> -> memref<1x200x64xf32, #tpu.memory_space<hbm>>
        %dma_wait3A_385 = tpu.memref_squeeze %dma_wait3A_384 : memref<1x200x64xf32, #tpu.memory_space<hbm>> -> memref<200x64xf32, #tpu.memory_space<hbm>>
        %dma_wait3A_386 = arith.constant 0 : i32
        %dma_wait3A_387 = arith.constant 0 : i32
        %dma_wait3A_388 = tpu.memref_slice %arg8[%sub3A_381, %dma_wait3A_386, %dma_wait3A_387] : memref<1024x200x64xf32, #tpu.memory_space<hbm>> -> memref<1x200x64xf32, #tpu.memory_space<hbm>>
        %dma_wait3A_389 = tpu.memref_squeeze %dma_wait3A_388 : memref<1x200x64xf32, #tpu.memory_space<hbm>> -> memref<200x64xf32, #tpu.memory_space<hbm>>
        tpu.wait_dma2 semaphore(%arg24 : memref<!tpu.dma_semaphore, #tpu.memory_space<semaphore_mem>>) src(%arg15 : memref<200x64xf32, #tpu.memory_space<vmem>>) dst(%dma_wait3A_389 : memref<200x64xf32, #tpu.memory_space<hbm>>)
      } else {
      }
      %parallel_loop3A_211 = arith.constant 0 : i32
      %parallel_loop3A_212 = arith.constant 200 : i32
      %parallel_loop3A_213 = arith.constant 1 : i32
      scf.for %parallel_loop3A_379 = %parallel_loop3A_211 to %parallel_loop3A_212 step %parallel_loop3A_213  : i32 {
        %parallel_loop3A_380 = arith.index_cast %add3A_190 : i32 to index
        %parallel_loop3A_381 = arith.index_cast %parallel_loop3A_379 : i32 to index
        %parallel_loop3A_382 = tpu.vector_load %arg10[%parallel_loop3A_380, %parallel_loop3A_381] {strides = array<i32>} : memref<32x216xf32, #tpu.memory_space<vmem>>, vector<16xf32>,
        %parallel_loop3A_383 = vector.shape_cast %broadcast_in_dim3A_76 : vector<16x1xi32> to vector<16xi32>
        %parallel_loop3A_384 = tpu.dynamic_gather %parallel_loop3A_382[%parallel_loop3A_383] in [0] : vector<16xf32>, vector<16xi32> -> vector<16xf32>
        %parallel_loop3A_385 = arith.index_cast %parallel_loop3A_379 : i32 to index
        %parallel_loop3A_386 = arith.constant 0 : index
        %parallel_loop3A_387 = tpu.vector_load %arg11[%parallel_loop3A_385, %parallel_loop3A_386] {strides = array<i32>} : memref<200x64xf32, #tpu.memory_space<vmem>>, vector<16xf32>,
        %parallel_loop3A_388 = arith.index_cast %parallel_loop3A_379 : i32 to index
        %parallel_loop3A_389 = arith.constant 0 : index
        %parallel_loop3A_390 = tpu.vector_load %arg17[%parallel_loop3A_388, %parallel_loop3A_389] {strides = array<i32>} : memref<200x64xf32, #tpu.memory_space<vmem>>, vector<16xf32>,
        %parallel_loop3A_391 = arith.addf %parallel_loop3A_387, %parallel_loop3A_390 : vector<16xf32>
        %parallel_loop3A_392 = arith.mulf %parallel_loop3A_384, %sub3A : vector<16xf32>
        %parallel_loop3A_393 = arith.addf %parallel_loop3A_391, %parallel_loop3A_392 : vector<16xf32>
        %parallel_loop3A_394 = arith.index_cast %parallel_loop3A_379 : i32 to index
        %parallel_loop3A_395 = arith.constant 16 : index
        %parallel_loop3A_396 = tpu.vector_load %arg11[%parallel_loop3A_394, %parallel_loop3A_395] {strides = array<i32>} : memref<200x64xf32, #tpu.memory_space<vmem>>, vector<16xf32>,
        %parallel_loop3A_397 = arith.index_cast %parallel_loop3A_379 : i32 to index
        %parallel_loop3A_398 = arith.constant 16 : index
        %parallel_loop3A_399 = tpu.vector_load %arg17[%parallel_loop3A_397, %parallel_loop3A_398] {strides = array<i32>} : memref<200x64xf32, #tpu.memory_space<vmem>>, vector<16xf32>,
        %parallel_loop3A_400 = arith.addf %parallel_loop3A_396, %parallel_loop3A_399 : vector<16xf32>
        %parallel_loop3A_401 = arith.mulf %parallel_loop3A_384, %sub3A_31 : vector<16xf32>
        %parallel_loop3A_402 = arith.addf %parallel_loop3A_400, %parallel_loop3A_401 : vector<16xf32>
        %parallel_loop3A_403 = arith.index_cast %parallel_loop3A_379 : i32 to index
        %parallel_loop3A_404 = arith.constant 32 : index
        %parallel_loop3A_405 = tpu.vector_load %arg11[%parallel_loop3A_403, %parallel_loop3A_404] {strides = array<i32>} : memref<200x64xf32, #tpu.memory_space<vmem>>, vector<16xf32>,
        %parallel_loop3A_406 = arith.index_cast %parallel_loop3A_379 : i32 to index
        %parallel_loop3A_407 = arith.constant 32 : index
        %parallel_loop3A_408 = tpu.vector_load %arg17[%parallel_loop3A_406, %parallel_loop3A_407] {strides = array<i32>} : memref<200x64xf32, #tpu.memory_space<vmem>>, vector<16xf32>,
        %parallel_loop3A_409 = arith.addf %parallel_loop3A_405, %parallel_loop3A_408 : vector<16xf32>
        %parallel_loop3A_410 = arith.mulf %parallel_loop3A_384, %sub3A_36 : vector<16xf32>
        %parallel_loop3A_411 = arith.addf %parallel_loop3A_409, %parallel_loop3A_410 : vector<16xf32>
        %parallel_loop3A_412 = arith.index_cast %parallel_loop3A_379 : i32 to index
        %parallel_loop3A_413 = arith.constant 48 : index
        %parallel_loop3A_414 = tpu.vector_load %arg11[%parallel_loop3A_412, %parallel_loop3A_413] {strides = array<i32>} : memref<200x64xf32, #tpu.memory_space<vmem>>, vector<16xf32>,
        %parallel_loop3A_415 = arith.index_cast %parallel_loop3A_379 : i32 to index
        %parallel_loop3A_416 = arith.constant 48 : index
        %parallel_loop3A_417 = tpu.vector_load %arg17[%parallel_loop3A_415, %parallel_loop3A_416] {strides = array<i32>} : memref<200x64xf32, #tpu.memory_space<vmem>>, vector<16xf32>,
        %parallel_loop3A_418 = arith.addf %parallel_loop3A_414, %parallel_loop3A_417 : vector<16xf32>
        %parallel_loop3A_419 = arith.mulf %parallel_loop3A_384, %sub3A_41 : vector<16xf32>
        %parallel_loop3A_420 = arith.addf %parallel_loop3A_418, %parallel_loop3A_419 : vector<16xf32>
        %parallel_loop3A_421 = arith.addf %parallel_loop3A_393, %parallel_loop3A_402 : vector<16xf32>
        %parallel_loop3A_422 = arith.addf %parallel_loop3A_421, %parallel_loop3A_411 : vector<16xf32>
        %parallel_loop3A_423 = arith.addf %parallel_loop3A_422, %parallel_loop3A_420 : vector<16xf32>
        %parallel_loop3A_424 = arith.constant true
        %parallel_loop3A_425 = vector.broadcast %parallel_loop3A_424 : i1 to vector<16xi1>
        %parallel_loop3A_426 = tpu.scan <sum>, %parallel_loop3A_423 masked %parallel_loop3A_425 : vector<16xf32>, vector<16xi1> -> vector<16xf32>
        %parallel_loop3A_427 = vector.shape_cast %broadcast_in_dim3A_78 : vector<16x1xi32> to vector<16xi32>
        %parallel_loop3A_428 = tpu.dynamic_gather %parallel_loop3A_426[%parallel_loop3A_427] in [0] : vector<16xf32>, vector<16xi32> -> vector<16xf32>
        %parallel_loop3A_429 = arith.mulf %parallel_loop3A_393, %parallel_loop3A_393 : vector<16xf32>
        %parallel_loop3A_430 = arith.mulf %parallel_loop3A_402, %parallel_loop3A_402 : vector<16xf32>
        %parallel_loop3A_431 = arith.addf %parallel_loop3A_429, %parallel_loop3A_430 : vector<16xf32>
        %parallel_loop3A_432 = arith.mulf %parallel_loop3A_411, %parallel_loop3A_411 : vector<16xf32>
        %parallel_loop3A_433 = arith.addf %parallel_loop3A_431, %parallel_loop3A_432 : vector<16xf32>
        %parallel_loop3A_434 = arith.mulf %parallel_loop3A_420, %parallel_loop3A_420 : vector<16xf32>
        %parallel_loop3A_435 = arith.addf %parallel_loop3A_433, %parallel_loop3A_434 : vector<16xf32>
        %parallel_loop3A_436 = arith.constant true
        %parallel_loop3A_437 = vector.broadcast %parallel_loop3A_436 : i1 to vector<16xi1>
        %parallel_loop3A_438 = tpu.scan <sum>, %parallel_loop3A_435 masked %parallel_loop3A_437 : vector<16xf32>, vector<16xi1> -> vector<16xf32>
        %parallel_loop3A_439 = vector.shape_cast %broadcast_in_dim3A_78 : vector<16x1xi32> to vector<16xi32>
        %parallel_loop3A_440 = tpu.dynamic_gather %parallel_loop3A_438[%parallel_loop3A_439] in [0] : vector<16xf32>, vector<16xi32> -> vector<16xf32>
        %parallel_loop3A_441 = arith.constant 1.562500e-02 : f32
        %parallel_loop3A_442 = vector.broadcast %parallel_loop3A_441 : f32 to vector<16xf32>
        %parallel_loop3A_443 = arith.mulf %parallel_loop3A_428, %parallel_loop3A_442 : vector<16xf32>
        %parallel_loop3A_444 = arith.constant 1.562500e-02 : f32
        %parallel_loop3A_445 = vector.broadcast %parallel_loop3A_444 : f32 to vector<16xf32>
        %parallel_loop3A_446 = arith.mulf %parallel_loop3A_440, %parallel_loop3A_445 : vector<16xf32>
        %parallel_loop3A_447 = arith.mulf %parallel_loop3A_443, %parallel_loop3A_443 : vector<16xf32>
        %parallel_loop3A_448 = arith.subf %parallel_loop3A_446, %parallel_loop3A_447 : vector<16xf32>
        %parallel_loop3A_449 = arith.constant 9.99999974E-6 : f32
        %parallel_loop3A_450 = vector.broadcast %parallel_loop3A_449 : f32 to vector<16xf32>
        %parallel_loop3A_451 = arith.addf %parallel_loop3A_448, %parallel_loop3A_450 : vector<16xf32>
        %parallel_loop3A_452 = vector.bitcast %parallel_loop3A_451 : vector<16xf32> to vector<16xi32>
        %parallel_loop3A_453 = arith.constant 1 : i32
        %parallel_loop3A_454 = vector.broadcast %parallel_loop3A_453 : i32 to vector<16xi32>
        %parallel_loop3A_455 = arith.shrsi %parallel_loop3A_452, %parallel_loop3A_454 : vector<16xi32>
        %parallel_loop3A_456 = arith.constant 1597463007 : i32
        %parallel_loop3A_457 = vector.broadcast %parallel_loop3A_456 : i32 to vector<16xi32>
        %parallel_loop3A_458 = arith.subi %parallel_loop3A_457, %parallel_loop3A_455 : vector<16xi32>
        %parallel_loop3A_459 = vector.bitcast %parallel_loop3A_458 : vector<16xi32> to vector<16xf32>
        %parallel_loop3A_460 = arith.constant 5.000000e-01 : f32
        %parallel_loop3A_461 = vector.broadcast %parallel_loop3A_460 : f32 to vector<16xf32>
        %parallel_loop3A_462 = arith.mulf %parallel_loop3A_451, %parallel_loop3A_461 : vector<16xf32>
        %parallel_loop3A_463 = arith.mulf %parallel_loop3A_462, %parallel_loop3A_459 : vector<16xf32>
        %parallel_loop3A_464 = arith.mulf %parallel_loop3A_463, %parallel_loop3A_459 : vector<16xf32>
        %parallel_loop3A_465 = arith.constant 1.500000e+00 : f32
        %parallel_loop3A_466 = vector.broadcast %parallel_loop3A_465 : f32 to vector<16xf32>
        %parallel_loop3A_467 = arith.subf %parallel_loop3A_466, %parallel_loop3A_464 : vector<16xf32>
        %parallel_loop3A_468 = arith.mulf %parallel_loop3A_459, %parallel_loop3A_467 : vector<16xf32>
        %parallel_loop3A_469 = arith.mulf %parallel_loop3A_462, %parallel_loop3A_468 : vector<16xf32>
        %parallel_loop3A_470 = arith.mulf %parallel_loop3A_469, %parallel_loop3A_468 : vector<16xf32>
        %parallel_loop3A_471 = arith.constant 1.500000e+00 : f32
        %parallel_loop3A_472 = vector.broadcast %parallel_loop3A_471 : f32 to vector<16xf32>
        %parallel_loop3A_473 = arith.subf %parallel_loop3A_472, %parallel_loop3A_470 : vector<16xf32>
        %parallel_loop3A_474 = arith.mulf %parallel_loop3A_468, %parallel_loop3A_473 : vector<16xf32>
        %parallel_loop3A_475 = arith.mulf %parallel_loop3A_443, %parallel_loop3A_474 : vector<16xf32>
        %parallel_loop3A_476 = arith.mulf %get3A_45, %parallel_loop3A_474 : vector<16xf32>
        %parallel_loop3A_477 = arith.mulf %parallel_loop3A_393, %parallel_loop3A_476 : vector<16xf32>
        %parallel_loop3A_478 = arith.mulf %parallel_loop3A_475, %get3A_45 : vector<16xf32>
        %parallel_loop3A_479 = arith.subf %get3A_61, %parallel_loop3A_478 : vector<16xf32>
        %parallel_loop3A_480 = arith.addf %parallel_loop3A_477, %parallel_loop3A_479 : vector<16xf32>
        %parallel_loop3A_481 = arith.index_cast %parallel_loop3A_379 : i32 to index
        %parallel_loop3A_482 = arith.constant 0 : index
        %parallel_loop3A_483 = tpu.vector_load %arg15[%parallel_loop3A_481, %parallel_loop3A_482] {strides = array<i32>} : memref<200x64xf32, #tpu.memory_space<vmem>>, vector<16xf32>,
        tpu.vector_store %arg15[%parallel_loop3A_481, %parallel_loop3A_482], %parallel_loop3A_480 {strides = array<i32>} : memref<200x64xf32, #tpu.memory_space<vmem>>, vector<16xf32>,
        %parallel_loop3A_484 = arith.mulf %get3A_49, %parallel_loop3A_474 : vector<16xf32>
        %parallel_loop3A_485 = arith.mulf %parallel_loop3A_402, %parallel_loop3A_484 : vector<16xf32>
        %parallel_loop3A_486 = arith.mulf %parallel_loop3A_475, %get3A_49 : vector<16xf32>
        %parallel_loop3A_487 = arith.subf %get3A_65, %parallel_loop3A_486 : vector<16xf32>
        %parallel_loop3A_488 = arith.addf %parallel_loop3A_485, %parallel_loop3A_487 : vector<16xf32>
        %parallel_loop3A_489 = arith.index_cast %parallel_loop3A_379 : i32 to index
        %parallel_loop3A_490 = arith.constant 16 : index
        %parallel_loop3A_491 = tpu.vector_load %arg15[%parallel_loop3A_489, %parallel_loop3A_490] {strides = array<i32>} : memref<200x64xf32, #tpu.memory_space<vmem>>, vector<16xf32>,
        tpu.vector_store %arg15[%parallel_loop3A_489, %parallel_loop3A_490], %parallel_loop3A_488 {strides = array<i32>} : memref<200x64xf32, #tpu.memory_space<vmem>>, vector<16xf32>,
        %parallel_loop3A_492 = arith.mulf %get3A_53, %parallel_loop3A_474 : vector<16xf32>
        %parallel_loop3A_493 = arith.mulf %parallel_loop3A_411, %parallel_loop3A_492 : vector<16xf32>
        %parallel_loop3A_494 = arith.mulf %parallel_loop3A_475, %get3A_53 : vector<16xf32>
        %parallel_loop3A_495 = arith.subf %get3A_69, %parallel_loop3A_494 : vector<16xf32>
        %parallel_loop3A_496 = arith.addf %parallel_loop3A_493, %parallel_loop3A_495 : vector<16xf32>
        %parallel_loop3A_497 = arith.index_cast %parallel_loop3A_379 : i32 to index
        %parallel_loop3A_498 = arith.constant 32 : index
        %parallel_loop3A_499 = tpu.vector_load %arg15[%parallel_loop3A_497, %parallel_loop3A_498] {strides = array<i32>} : memref<200x64xf32, #tpu.memory_space<vmem>>, vector<16xf32>,
        tpu.vector_store %arg15[%parallel_loop3A_497, %parallel_loop3A_498], %parallel_loop3A_496 {strides = array<i32>} : memref<200x64xf32, #tpu.memory_space<vmem>>, vector<16xf32>,
        %parallel_loop3A_500 = arith.mulf %get3A_57, %parallel_loop3A_474 : vector<16xf32>
        %parallel_loop3A_501 = arith.mulf %parallel_loop3A_420, %parallel_loop3A_500 : vector<16xf32>
        %parallel_loop3A_502 = arith.mulf %parallel_loop3A_475, %get3A_57 : vector<16xf32>
        %parallel_loop3A_503 = arith.subf %get3A_73, %parallel_loop3A_502 : vector<16xf32>
        %parallel_loop3A_504 = arith.addf %parallel_loop3A_501, %parallel_loop3A_503 : vector<16xf32>
        %parallel_loop3A_505 = arith.index_cast %parallel_loop3A_379 : i32 to index
        %parallel_loop3A_506 = arith.constant 48 : index
        %parallel_loop3A_507 = tpu.vector_load %arg15[%parallel_loop3A_505, %parallel_loop3A_506] {strides = array<i32>} : memref<200x64xf32, #tpu.memory_space<vmem>>, vector<16xf32>,
        tpu.vector_store %arg15[%parallel_loop3A_505, %parallel_loop3A_506], %parallel_loop3A_504 {strides = array<i32>} : memref<200x64xf32, #tpu.memory_space<vmem>>, vector<16xf32>,
      } {sc.loop_unroll_factor = 4 : i64, sc.parallel_access}
      %add3A_214 = arith.addi %mul3A_2, %add3A_190 : i32
      %dma_start3A_215 = arith.constant 0 : i32
      %dma_start3A_216 = arith.constant 0 : i32
      %dma_start3A_217 = tpu.memref_slice %arg8[%add3A_214, %dma_start3A_215, %dma_start3A_216] : memref<1024x200x64xf32, #tpu.memory_space<hbm>> -> memref<1x200x64xf32, #tpu.memory_space<hbm>>
      %dma_start3A_218 = tpu.memref_squeeze %dma_start3A_217 : memref<1x200x64xf32, #tpu.memory_space<hbm>> -> memref<200x64xf32, #tpu.memory_space<hbm>>
      %dma_start3A_219 = arith.constant 0 : i32
      %dma_start3A_220 = arith.constant 0 : i32
      %dma_start3A_221 = tpu.memref_slice %arg8[%add3A_214, %dma_start3A_219, %dma_start3A_220] : memref<1024x200x64xf32, #tpu.memory_space<hbm>> -> memref<1x200x64xf32, #tpu.memory_space<hbm>>
      %dma_start3A_222 = tpu.memref_squeeze %dma_start3A_221 : memref<1x200x64xf32, #tpu.memory_space<hbm>> -> memref<200x64xf32, #tpu.memory_space<hbm>>
      tpu.enqueue_dma source(%arg15 : memref<200x64xf32, #tpu.memory_space<vmem>>) target(%dma_start3A_222 : memref<200x64xf32, #tpu.memory_space<hbm>>) target_semaphore(%arg24 : memref<!tpu.dma_semaphore, #tpu.memory_space<semaphore_mem>>)
      %add3A_223 = arith.constant 4 : i32
      %add3A_224 = arith.addi %add3A_190, %add3A_223 : i32
      %lt3A = arith.constant 32 : i32
      %lt3A_225 = arith.cmpi slt, %add3A_224, %lt3A : i32
      %convert_element_type3A_226 = arith.extui %lt3A_225 : i1 to i32
      %cond3A_227 = arith.constant 0 : i32
      %cond3A_228 = arith.cmpi ne, %convert_element_type3A_226, %cond3A_227 : i32
      scf.if %cond3A_228 {
        %add3A_379 = arith.constant 4 : i32
        %add3A_380 = arith.addi %add3A_190, %add3A_379 : i32
        %dma_start3A_381 = arith.constant 0 : i32
        %dma_start3A_382 = arith.constant 0 : i32
        %dma_start3A_383 = tpu.memref_slice %arg11[%dma_start3A_381, %dma_start3A_382] : memref<200x64xf32, #tpu.memory_space<vmem>> -> memref<96x64xf32, #tpu.memory_space<vmem>>
        %dma_start3A_384 = arith.constant 0 : i32
        %dma_start3A_385 = tpu.memref_slice %arg9[%add3A_380, %dma_start3A_384] : memref<32x216xi32, #tpu.memory_space<vmem>> -> memref<1x96xi32, #tpu.memory_space<vmem>>
        %dma_start3A_386 = tpu.memref_squeeze %dma_start3A_385 : memref<1x96xi32, #tpu.memory_space<vmem>> -> memref<96xi32, #tpu.memory_space<vmem>>
        %dma_start3A_387 = arith.constant 0 : i32
        %dma_start3A_388 = arith.constant 0 : i32
        %dma_start3A_389 = tpu.memref_slice %arg3[%dma_start3A_387, %dma_start3A_388] : memref<100000x64xf32, #tpu.memory_space<hbm>> -> memref<100000x64xf32, #tpu.memory_space<hbm>>
        tpu.enqueue_indirect_dma source(%dma_start3A_389 : memref<100000x64xf32, #tpu.memory_space<hbm>>) target(%dma_start3A_383 : memref<96x64xf32, #tpu.memory_space<vmem>>) offsets(%dma_start3A_386 : memref<96xi32, #tpu.memory_space<vmem>>) semaphore(%arg20 : memref<!tpu.dma_semaphore, #tpu.memory_space<semaphore_mem>>)
        %dma_start3A_390 = arith.constant 96 : i32
        %dma_start3A_391 = arith.constant 0 : i32
        %dma_start3A_392 = tpu.memref_slice %arg11[%dma_start3A_390, %dma_start3A_391] : memref<200x64xf32, #tpu.memory_space<vmem>> -> memref<104x64xf32, #tpu.memory_space<vmem>>
        %dma_start3A_393 = arith.constant 96 : i32
        %dma_start3A_394 = tpu.memref_slice %arg9[%add3A_380, %dma_start3A_393] : memref<32x216xi32, #tpu.memory_space<vmem>> -> memref<1x104xi32, #tpu.memory_space<vmem>>
        %dma_start3A_395 = tpu.memref_squeeze %dma_start3A_394 : memref<1x104xi32, #tpu.memory_space<vmem>> -> memref<104xi32, #tpu.memory_space<vmem>>
        %dma_start3A_396 = arith.constant 0 : i32
        %dma_start3A_397 = arith.constant 0 : i32
        %dma_start3A_398 = tpu.memref_slice %arg3[%dma_start3A_396, %dma_start3A_397] : memref<100000x64xf32, #tpu.memory_space<hbm>> -> memref<100000x64xf32, #tpu.memory_space<hbm>>
        tpu.enqueue_indirect_dma source(%dma_start3A_398 : memref<100000x64xf32, #tpu.memory_space<hbm>>) target(%dma_start3A_392 : memref<104x64xf32, #tpu.memory_space<vmem>>) offsets(%dma_start3A_395 : memref<104xi32, #tpu.memory_space<vmem>>) semaphore(%arg20 : memref<!tpu.dma_semaphore, #tpu.memory_space<semaphore_mem>>)
      } else {
      }
      %mul3A_229 = arith.constant 4 : i32
      %mul3A_230 = arith.muli %mul3A_229, %scan3A_186 : i32
      %add3A_231 = arith.constant 1 : i32
      %add3A_232 = arith.addi %mul3A_230, %add3A_231 : i32
      %dma_wait3A_233 = arith.constant 0 : i32
      %dma_wait3A_234 = arith.constant 0 : i32
      %dma_wait3A_235 = tpu.memref_slice %arg12[%dma_wait3A_233, %dma_wait3A_234] : memref<200x64xf32, #tpu.memory_space<vmem>> -> memref<96x64xf32, #tpu.memory_space<vmem>>
      %dma_wait3A_236 = arith.constant 0 : i32
      %dma_wait3A_237 = tpu.memref_slice %arg9[%add3A_232, %dma_wait3A_236] : memref<32x216xi32, #tpu.memory_space<vmem>> -> memref<1x96xi32, #tpu.memory_space<vmem>>
      %dma_wait3A_238 = tpu.memref_squeeze %dma_wait3A_237 : memref<1x96xi32, #tpu.memory_space<vmem>> -> memref<96xi32, #tpu.memory_space<vmem>>
      %dma_wait3A_239 = arith.constant 0 : i32
      %dma_wait3A_240 = arith.constant 0 : i32
      %dma_wait3A_241 = tpu.memref_slice %arg3[%dma_wait3A_239, %dma_wait3A_240] : memref<100000x64xf32, #tpu.memory_space<hbm>> -> memref<100000x64xf32, #tpu.memory_space<hbm>>
      tpu.wait_indirect_dma semaphore(%arg21 : memref<!tpu.dma_semaphore, #tpu.memory_space<semaphore_mem>>) src(%dma_wait3A_241 : memref<100000x64xf32, #tpu.memory_space<hbm>>) dst(%dma_wait3A_235 : memref<96x64xf32, #tpu.memory_space<vmem>>)
      %dma_wait3A_242 = arith.constant 96 : i32
      %dma_wait3A_243 = arith.constant 0 : i32
      %dma_wait3A_244 = tpu.memref_slice %arg12[%dma_wait3A_242, %dma_wait3A_243] : memref<200x64xf32, #tpu.memory_space<vmem>> -> memref<104x64xf32, #tpu.memory_space<vmem>>
      %dma_wait3A_245 = arith.constant 96 : i32
      %dma_wait3A_246 = tpu.memref_slice %arg9[%add3A_232, %dma_wait3A_245] : memref<32x216xi32, #tpu.memory_space<vmem>> -> memref<1x104xi32, #tpu.memory_space<vmem>>
      %dma_wait3A_247 = tpu.memref_squeeze %dma_wait3A_246 : memref<1x104xi32, #tpu.memory_space<vmem>> -> memref<104xi32, #tpu.memory_space<vmem>>
      %dma_wait3A_248 = arith.constant 0 : i32
      %dma_wait3A_249 = arith.constant 0 : i32
      %dma_wait3A_250 = tpu.memref_slice %arg3[%dma_wait3A_248, %dma_wait3A_249] : memref<100000x64xf32, #tpu.memory_space<hbm>> -> memref<100000x64xf32, #tpu.memory_space<hbm>>
      tpu.wait_indirect_dma semaphore(%arg21 : memref<!tpu.dma_semaphore, #tpu.memory_space<semaphore_mem>>) src(%dma_wait3A_250 : memref<100000x64xf32, #tpu.memory_space<hbm>>) dst(%dma_wait3A_244 : memref<104x64xf32, #tpu.memory_space<vmem>>)
      %gt3A_251 = arith.constant 0 : i32
      %gt3A_252 = arith.cmpi sgt, %scan3A_186, %gt3A_251 : i32
      %convert_element_type3A_253 = arith.extui %gt3A_252 : i1 to i32
      %cond3A_254 = arith.constant 0 : i32
      %cond3A_255 = arith.cmpi ne, %convert_element_type3A_253, %cond3A_254 : i32
      scf.if %cond3A_255 {
        %add3A_379 = arith.addi %mul3A_2, %add3A_232 : i32
        %sub3A_380 = arith.constant 2 : i32
        %sub3A_381 = arith.subi %add3A_379, %sub3A_380 : i32
        %dma_wait3A_382 = arith.constant 0 : i32
        %dma_wait3A_383 = arith.constant 0 : i32
        %dma_wait3A_384 = tpu.memref_slice %arg8[%sub3A_381, %dma_wait3A_382, %dma_wait3A_383] : memref<1024x200x64xf32, #tpu.memory_space<hbm>> -> memref<1x200x64xf32, #tpu.memory_space<hbm>>
        %dma_wait3A_385 = tpu.memref_squeeze %dma_wait3A_384 : memref<1x200x64xf32, #tpu.memory_space<hbm>> -> memref<200x64xf32, #tpu.memory_space<hbm>>
        %dma_wait3A_386 = arith.constant 0 : i32
        %dma_wait3A_387 = arith.constant 0 : i32
        %dma_wait3A_388 = tpu.memref_slice %arg8[%sub3A_381, %dma_wait3A_386, %dma_wait3A_387] : memref<1024x200x64xf32, #tpu.memory_space<hbm>> -> memref<1x200x64xf32, #tpu.memory_space<hbm>>
        %dma_wait3A_389 = tpu.memref_squeeze %dma_wait3A_388 : memref<1x200x64xf32, #tpu.memory_space<hbm>> -> memref<200x64xf32, #tpu.memory_space<hbm>>
        tpu.wait_dma2 semaphore(%arg25 : memref<!tpu.dma_semaphore, #tpu.memory_space<semaphore_mem>>) src(%arg16 : memref<200x64xf32, #tpu.memory_space<vmem>>) dst(%dma_wait3A_389 : memref<200x64xf32, #tpu.memory_space<hbm>>)
      } else {
      }
      %parallel_loop3A_256 = arith.constant 0 : i32
      %parallel_loop3A_257 = arith.constant 200 : i32
      %parallel_loop3A_258 = arith.constant 1 : i32
      scf.for %parallel_loop3A_379 = %parallel_loop3A_256 to %parallel_loop3A_257 step %parallel_loop3A_258  : i32 {
        %parallel_loop3A_380 = arith.index_cast %add3A_232 : i32 to index
        %parallel_loop3A_381 = arith.index_cast %parallel_loop3A_379 : i32 to index
        %parallel_loop3A_382 = tpu.vector_load %arg10[%parallel_loop3A_380, %parallel_loop3A_381] {strides = array<i32>} : memref<32x216xf32, #tpu.memory_space<vmem>>, vector<16xf32>,
        %parallel_loop3A_383 = vector.shape_cast %broadcast_in_dim3A_76 : vector<16x1xi32> to vector<16xi32>
        %parallel_loop3A_384 = tpu.dynamic_gather %parallel_loop3A_382[%parallel_loop3A_383] in [0] : vector<16xf32>, vector<16xi32> -> vector<16xf32>
        %parallel_loop3A_385 = arith.index_cast %parallel_loop3A_379 : i32 to index
        %parallel_loop3A_386 = arith.constant 0 : index
        %parallel_loop3A_387 = tpu.vector_load %arg12[%parallel_loop3A_385, %parallel_loop3A_386] {strides = array<i32>} : memref<200x64xf32, #tpu.memory_space<vmem>>, vector<16xf32>,
        %parallel_loop3A_388 = arith.index_cast %parallel_loop3A_379 : i32 to index
        %parallel_loop3A_389 = arith.constant 0 : index
        %parallel_loop3A_390 = tpu.vector_load %arg17[%parallel_loop3A_388, %parallel_loop3A_389] {strides = array<i32>} : memref<200x64xf32, #tpu.memory_space<vmem>>, vector<16xf32>,
        %parallel_loop3A_391 = arith.addf %parallel_loop3A_387, %parallel_loop3A_390 : vector<16xf32>
        %parallel_loop3A_392 = arith.mulf %parallel_loop3A_384, %sub3A : vector<16xf32>
        %parallel_loop3A_393 = arith.addf %parallel_loop3A_391, %parallel_loop3A_392 : vector<16xf32>
        %parallel_loop3A_394 = arith.index_cast %parallel_loop3A_379 : i32 to index
        %parallel_loop3A_395 = arith.constant 16 : index
        %parallel_loop3A_396 = tpu.vector_load %arg12[%parallel_loop3A_394, %parallel_loop3A_395] {strides = array<i32>} : memref<200x64xf32, #tpu.memory_space<vmem>>, vector<16xf32>,
        %parallel_loop3A_397 = arith.index_cast %parallel_loop3A_379 : i32 to index
        %parallel_loop3A_398 = arith.constant 16 : index
        %parallel_loop3A_399 = tpu.vector_load %arg17[%parallel_loop3A_397, %parallel_loop3A_398] {strides = array<i32>} : memref<200x64xf32, #tpu.memory_space<vmem>>, vector<16xf32>,
        %parallel_loop3A_400 = arith.addf %parallel_loop3A_396, %parallel_loop3A_399 : vector<16xf32>
        %parallel_loop3A_401 = arith.mulf %parallel_loop3A_384, %sub3A_31 : vector<16xf32>
        %parallel_loop3A_402 = arith.addf %parallel_loop3A_400, %parallel_loop3A_401 : vector<16xf32>
        %parallel_loop3A_403 = arith.index_cast %parallel_loop3A_379 : i32 to index
        %parallel_loop3A_404 = arith.constant 32 : index
        %parallel_loop3A_405 = tpu.vector_load %arg12[%parallel_loop3A_403, %parallel_loop3A_404] {strides = array<i32>} : memref<200x64xf32, #tpu.memory_space<vmem>>, vector<16xf32>,
        %parallel_loop3A_406 = arith.index_cast %parallel_loop3A_379 : i32 to index
        %parallel_loop3A_407 = arith.constant 32 : index
        %parallel_loop3A_408 = tpu.vector_load %arg17[%parallel_loop3A_406, %parallel_loop3A_407] {strides = array<i32>} : memref<200x64xf32, #tpu.memory_space<vmem>>, vector<16xf32>,
        %parallel_loop3A_409 = arith.addf %parallel_loop3A_405, %parallel_loop3A_408 : vector<16xf32>
        %parallel_loop3A_410 = arith.mulf %parallel_loop3A_384, %sub3A_36 : vector<16xf32>
        %parallel_loop3A_411 = arith.addf %parallel_loop3A_409, %parallel_loop3A_410 : vector<16xf32>
        %parallel_loop3A_412 = arith.index_cast %parallel_loop3A_379 : i32 to index
        %parallel_loop3A_413 = arith.constant 48 : index
        %parallel_loop3A_414 = tpu.vector_load %arg12[%parallel_loop3A_412, %parallel_loop3A_413] {strides = array<i32>} : memref<200x64xf32, #tpu.memory_space<vmem>>, vector<16xf32>,
        %parallel_loop3A_415 = arith.index_cast %parallel_loop3A_379 : i32 to index
        %parallel_loop3A_416 = arith.constant 48 : index
        %parallel_loop3A_417 = tpu.vector_load %arg17[%parallel_loop3A_415, %parallel_loop3A_416] {strides = array<i32>} : memref<200x64xf32, #tpu.memory_space<vmem>>, vector<16xf32>,
        %parallel_loop3A_418 = arith.addf %parallel_loop3A_414, %parallel_loop3A_417 : vector<16xf32>
        %parallel_loop3A_419 = arith.mulf %parallel_loop3A_384, %sub3A_41 : vector<16xf32>
        %parallel_loop3A_420 = arith.addf %parallel_loop3A_418, %parallel_loop3A_419 : vector<16xf32>
        %parallel_loop3A_421 = arith.addf %parallel_loop3A_393, %parallel_loop3A_402 : vector<16xf32>
        %parallel_loop3A_422 = arith.addf %parallel_loop3A_421, %parallel_loop3A_411 : vector<16xf32>
        %parallel_loop3A_423 = arith.addf %parallel_loop3A_422, %parallel_loop3A_420 : vector<16xf32>
        %parallel_loop3A_424 = arith.constant true
        %parallel_loop3A_425 = vector.broadcast %parallel_loop3A_424 : i1 to vector<16xi1>
        %parallel_loop3A_426 = tpu.scan <sum>, %parallel_loop3A_423 masked %parallel_loop3A_425 : vector<16xf32>, vector<16xi1> -> vector<16xf32>
        %parallel_loop3A_427 = vector.shape_cast %broadcast_in_dim3A_78 : vector<16x1xi32> to vector<16xi32>
        %parallel_loop3A_428 = tpu.dynamic_gather %parallel_loop3A_426[%parallel_loop3A_427] in [0] : vector<16xf32>, vector<16xi32> -> vector<16xf32>
        %parallel_loop3A_429 = arith.mulf %parallel_loop3A_393, %parallel_loop3A_393 : vector<16xf32>
        %parallel_loop3A_430 = arith.mulf %parallel_loop3A_402, %parallel_loop3A_402 : vector<16xf32>
        %parallel_loop3A_431 = arith.addf %parallel_loop3A_429, %parallel_loop3A_430 : vector<16xf32>
        %parallel_loop3A_432 = arith.mulf %parallel_loop3A_411, %parallel_loop3A_411 : vector<16xf32>
        %parallel_loop3A_433 = arith.addf %parallel_loop3A_431, %parallel_loop3A_432 : vector<16xf32>
        %parallel_loop3A_434 = arith.mulf %parallel_loop3A_420, %parallel_loop3A_420 : vector<16xf32>
        %parallel_loop3A_435 = arith.addf %parallel_loop3A_433, %parallel_loop3A_434 : vector<16xf32>
        %parallel_loop3A_436 = arith.constant true
        %parallel_loop3A_437 = vector.broadcast %parallel_loop3A_436 : i1 to vector<16xi1>
        %parallel_loop3A_438 = tpu.scan <sum>, %parallel_loop3A_435 masked %parallel_loop3A_437 : vector<16xf32>, vector<16xi1> -> vector<16xf32>
        %parallel_loop3A_439 = vector.shape_cast %broadcast_in_dim3A_78 : vector<16x1xi32> to vector<16xi32>
        %parallel_loop3A_440 = tpu.dynamic_gather %parallel_loop3A_438[%parallel_loop3A_439] in [0] : vector<16xf32>, vector<16xi32> -> vector<16xf32>
        %parallel_loop3A_441 = arith.constant 1.562500e-02 : f32
        %parallel_loop3A_442 = vector.broadcast %parallel_loop3A_441 : f32 to vector<16xf32>
        %parallel_loop3A_443 = arith.mulf %parallel_loop3A_428, %parallel_loop3A_442 : vector<16xf32>
        %parallel_loop3A_444 = arith.constant 1.562500e-02 : f32
        %parallel_loop3A_445 = vector.broadcast %parallel_loop3A_444 : f32 to vector<16xf32>
        %parallel_loop3A_446 = arith.mulf %parallel_loop3A_440, %parallel_loop3A_445 : vector<16xf32>
        %parallel_loop3A_447 = arith.mulf %parallel_loop3A_443, %parallel_loop3A_443 : vector<16xf32>
        %parallel_loop3A_448 = arith.subf %parallel_loop3A_446, %parallel_loop3A_447 : vector<16xf32>
        %parallel_loop3A_449 = arith.constant 9.99999974E-6 : f32
        %parallel_loop3A_450 = vector.broadcast %parallel_loop3A_449 : f32 to vector<16xf32>
        %parallel_loop3A_451 = arith.addf %parallel_loop3A_448, %parallel_loop3A_450 : vector<16xf32>
        %parallel_loop3A_452 = vector.bitcast %parallel_loop3A_451 : vector<16xf32> to vector<16xi32>
        %parallel_loop3A_453 = arith.constant 1 : i32
        %parallel_loop3A_454 = vector.broadcast %parallel_loop3A_453 : i32 to vector<16xi32>
        %parallel_loop3A_455 = arith.shrsi %parallel_loop3A_452, %parallel_loop3A_454 : vector<16xi32>
        %parallel_loop3A_456 = arith.constant 1597463007 : i32
        %parallel_loop3A_457 = vector.broadcast %parallel_loop3A_456 : i32 to vector<16xi32>
        %parallel_loop3A_458 = arith.subi %parallel_loop3A_457, %parallel_loop3A_455 : vector<16xi32>
        %parallel_loop3A_459 = vector.bitcast %parallel_loop3A_458 : vector<16xi32> to vector<16xf32>
        %parallel_loop3A_460 = arith.constant 5.000000e-01 : f32
        %parallel_loop3A_461 = vector.broadcast %parallel_loop3A_460 : f32 to vector<16xf32>
        %parallel_loop3A_462 = arith.mulf %parallel_loop3A_451, %parallel_loop3A_461 : vector<16xf32>
        %parallel_loop3A_463 = arith.mulf %parallel_loop3A_462, %parallel_loop3A_459 : vector<16xf32>
        %parallel_loop3A_464 = arith.mulf %parallel_loop3A_463, %parallel_loop3A_459 : vector<16xf32>
        %parallel_loop3A_465 = arith.constant 1.500000e+00 : f32
        %parallel_loop3A_466 = vector.broadcast %parallel_loop3A_465 : f32 to vector<16xf32>
        %parallel_loop3A_467 = arith.subf %parallel_loop3A_466, %parallel_loop3A_464 : vector<16xf32>
        %parallel_loop3A_468 = arith.mulf %parallel_loop3A_459, %parallel_loop3A_467 : vector<16xf32>
        %parallel_loop3A_469 = arith.mulf %parallel_loop3A_462, %parallel_loop3A_468 : vector<16xf32>
        %parallel_loop3A_470 = arith.mulf %parallel_loop3A_469, %parallel_loop3A_468 : vector<16xf32>
        %parallel_loop3A_471 = arith.constant 1.500000e+00 : f32
        %parallel_loop3A_472 = vector.broadcast %parallel_loop3A_471 : f32 to vector<16xf32>
        %parallel_loop3A_473 = arith.subf %parallel_loop3A_472, %parallel_loop3A_470 : vector<16xf32>
        %parallel_loop3A_474 = arith.mulf %parallel_loop3A_468, %parallel_loop3A_473 : vector<16xf32>
        %parallel_loop3A_475 = arith.mulf %parallel_loop3A_443, %parallel_loop3A_474 : vector<16xf32>
        %parallel_loop3A_476 = arith.mulf %get3A_45, %parallel_loop3A_474 : vector<16xf32>
        %parallel_loop3A_477 = arith.mulf %parallel_loop3A_393, %parallel_loop3A_476 : vector<16xf32>
        %parallel_loop3A_478 = arith.mulf %parallel_loop3A_475, %get3A_45 : vector<16xf32>
        %parallel_loop3A_479 = arith.subf %get3A_61, %parallel_loop3A_478 : vector<16xf32>
        %parallel_loop3A_480 = arith.addf %parallel_loop3A_477, %parallel_loop3A_479 : vector<16xf32>
        %parallel_loop3A_481 = arith.index_cast %parallel_loop3A_379 : i32 to index
        %parallel_loop3A_482 = arith.constant 0 : index
        %parallel_loop3A_483 = tpu.vector_load %arg16[%parallel_loop3A_481, %parallel_loop3A_482] {strides = array<i32>} : memref<200x64xf32, #tpu.memory_space<vmem>>, vector<16xf32>,
        tpu.vector_store %arg16[%parallel_loop3A_481, %parallel_loop3A_482], %parallel_loop3A_480 {strides = array<i32>} : memref<200x64xf32, #tpu.memory_space<vmem>>, vector<16xf32>,
        %parallel_loop3A_484 = arith.mulf %get3A_49, %parallel_loop3A_474 : vector<16xf32>
        %parallel_loop3A_485 = arith.mulf %parallel_loop3A_402, %parallel_loop3A_484 : vector<16xf32>
        %parallel_loop3A_486 = arith.mulf %parallel_loop3A_475, %get3A_49 : vector<16xf32>
        %parallel_loop3A_487 = arith.subf %get3A_65, %parallel_loop3A_486 : vector<16xf32>
        %parallel_loop3A_488 = arith.addf %parallel_loop3A_485, %parallel_loop3A_487 : vector<16xf32>
        %parallel_loop3A_489 = arith.index_cast %parallel_loop3A_379 : i32 to index
        %parallel_loop3A_490 = arith.constant 16 : index
        %parallel_loop3A_491 = tpu.vector_load %arg16[%parallel_loop3A_489, %parallel_loop3A_490] {strides = array<i32>} : memref<200x64xf32, #tpu.memory_space<vmem>>, vector<16xf32>,
        tpu.vector_store %arg16[%parallel_loop3A_489, %parallel_loop3A_490], %parallel_loop3A_488 {strides = array<i32>} : memref<200x64xf32, #tpu.memory_space<vmem>>, vector<16xf32>,
        %parallel_loop3A_492 = arith.mulf %get3A_53, %parallel_loop3A_474 : vector<16xf32>
        %parallel_loop3A_493 = arith.mulf %parallel_loop3A_411, %parallel_loop3A_492 : vector<16xf32>
        %parallel_loop3A_494 = arith.mulf %parallel_loop3A_475, %get3A_53 : vector<16xf32>
        %parallel_loop3A_495 = arith.subf %get3A_69, %parallel_loop3A_494 : vector<16xf32>
        %parallel_loop3A_496 = arith.addf %parallel_loop3A_493, %parallel_loop3A_495 : vector<16xf32>
        %parallel_loop3A_497 = arith.index_cast %parallel_loop3A_379 : i32 to index
        %parallel_loop3A_498 = arith.constant 32 : index
        %parallel_loop3A_499 = tpu.vector_load %arg16[%parallel_loop3A_497, %parallel_loop3A_498] {strides = array<i32>} : memref<200x64xf32, #tpu.memory_space<vmem>>, vector<16xf32>,
        tpu.vector_store %arg16[%parallel_loop3A_497, %parallel_loop3A_498], %parallel_loop3A_496 {strides = array<i32>} : memref<200x64xf32, #tpu.memory_space<vmem>>, vector<16xf32>,
        %parallel_loop3A_500 = arith.mulf %get3A_57, %parallel_loop3A_474 : vector<16xf32>
        %parallel_loop3A_501 = arith.mulf %parallel_loop3A_420, %parallel_loop3A_500 : vector<16xf32>
        %parallel_loop3A_502 = arith.mulf %parallel_loop3A_475, %get3A_57 : vector<16xf32>
        %parallel_loop3A_503 = arith.subf %get3A_73, %parallel_loop3A_502 : vector<16xf32>
        %parallel_loop3A_504 = arith.addf %parallel_loop3A_501, %parallel_loop3A_503 : vector<16xf32>
        %parallel_loop3A_505 = arith.index_cast %parallel_loop3A_379 : i32 to index
        %parallel_loop3A_506 = arith.constant 48 : index
        %parallel_loop3A_507 = tpu.vector_load %arg16[%parallel_loop3A_505, %parallel_loop3A_506] {strides = array<i32>} : memref<200x64xf32, #tpu.memory_space<vmem>>, vector<16xf32>,
        tpu.vector_store %arg16[%parallel_loop3A_505, %parallel_loop3A_506], %parallel_loop3A_504 {strides = array<i32>} : memref<200x64xf32, #tpu.memory_space<vmem>>, vector<16xf32>,
      } {sc.loop_unroll_factor = 4 : i64, sc.parallel_access}
      %add3A_259 = arith.addi %mul3A_2, %add3A_232 : i32
      %dma_start3A_260 = arith.constant 0 : i32
      %dma_start3A_261 = arith.constant 0 : i32
      %dma_start3A_262 = tpu.memref_slice %arg8[%add3A_259, %dma_start3A_260, %dma_start3A_261] : memref<1024x200x64xf32, #tpu.memory_space<hbm>> -> memref<1x200x64xf32, #tpu.memory_space<hbm>>
      %dma_start3A_263 = tpu.memref_squeeze %dma_start3A_262 : memref<1x200x64xf32, #tpu.memory_space<hbm>> -> memref<200x64xf32, #tpu.memory_space<hbm>>
      %dma_start3A_264 = arith.constant 0 : i32
      %dma_start3A_265 = arith.constant 0 : i32
      %dma_start3A_266 = tpu.memref_slice %arg8[%add3A_259, %dma_start3A_264, %dma_start3A_265] : memref<1024x200x64xf32, #tpu.memory_space<hbm>> -> memref<1x200x64xf32, #tpu.memory_space<hbm>>
      %dma_start3A_267 = tpu.memref_squeeze %dma_start3A_266 : memref<1x200x64xf32, #tpu.memory_space<hbm>> -> memref<200x64xf32, #tpu.memory_space<hbm>>
      tpu.enqueue_dma source(%arg16 : memref<200x64xf32, #tpu.memory_space<vmem>>) target(%dma_start3A_267 : memref<200x64xf32, #tpu.memory_space<hbm>>) target_semaphore(%arg25 : memref<!tpu.dma_semaphore, #tpu.memory_space<semaphore_mem>>)
      %add3A_268 = arith.constant 4 : i32
      %add3A_269 = arith.addi %add3A_232, %add3A_268 : i32
      %lt3A_270 = arith.constant 32 : i32
      %lt3A_271 = arith.cmpi slt, %add3A_269, %lt3A_270 : i32
      %convert_element_type3A_272 = arith.extui %lt3A_271 : i1 to i32
      %cond3A_273 = arith.constant 0 : i32
      %cond3A_274 = arith.cmpi ne, %convert_element_type3A_272, %cond3A_273 : i32
      scf.if %cond3A_274 {
        %add3A_379 = arith.constant 4 : i32
        %add3A_380 = arith.addi %add3A_232, %add3A_379 : i32
        %dma_start3A_381 = arith.constant 0 : i32
        %dma_start3A_382 = arith.constant 0 : i32
        %dma_start3A_383 = tpu.memref_slice %arg12[%dma_start3A_381, %dma_start3A_382] : memref<200x64xf32, #tpu.memory_space<vmem>> -> memref<96x64xf32, #tpu.memory_space<vmem>>
        %dma_start3A_384 = arith.constant 0 : i32
        %dma_start3A_385 = tpu.memref_slice %arg9[%add3A_380, %dma_start3A_384] : memref<32x216xi32, #tpu.memory_space<vmem>> -> memref<1x96xi32, #tpu.memory_space<vmem>>
        %dma_start3A_386 = tpu.memref_squeeze %dma_start3A_385 : memref<1x96xi32, #tpu.memory_space<vmem>> -> memref<96xi32, #tpu.memory_space<vmem>>
        %dma_start3A_387 = arith.constant 0 : i32
        %dma_start3A_388 = arith.constant 0 : i32
        %dma_start3A_389 = tpu.memref_slice %arg3[%dma_start3A_387, %dma_start3A_388] : memref<100000x64xf32, #tpu.memory_space<hbm>> -> memref<100000x64xf32, #tpu.memory_space<hbm>>
        tpu.enqueue_indirect_dma source(%dma_start3A_389 : memref<100000x64xf32, #tpu.memory_space<hbm>>) target(%dma_start3A_383 : memref<96x64xf32, #tpu.memory_space<vmem>>) offsets(%dma_start3A_386 : memref<96xi32, #tpu.memory_space<vmem>>) semaphore(%arg21 : memref<!tpu.dma_semaphore, #tpu.memory_space<semaphore_mem>>)
        %dma_start3A_390 = arith.constant 96 : i32
        %dma_start3A_391 = arith.constant 0 : i32
        %dma_start3A_392 = tpu.memref_slice %arg12[%dma_start3A_390, %dma_start3A_391] : memref<200x64xf32, #tpu.memory_space<vmem>> -> memref<104x64xf32, #tpu.memory_space<vmem>>
        %dma_start3A_393 = arith.constant 96 : i32
        %dma_start3A_394 = tpu.memref_slice %arg9[%add3A_380, %dma_start3A_393] : memref<32x216xi32, #tpu.memory_space<vmem>> -> memref<1x104xi32, #tpu.memory_space<vmem>>
        %dma_start3A_395 = tpu.memref_squeeze %dma_start3A_394 : memref<1x104xi32, #tpu.memory_space<vmem>> -> memref<104xi32, #tpu.memory_space<vmem>>
        %dma_start3A_396 = arith.constant 0 : i32
        %dma_start3A_397 = arith.constant 0 : i32
        %dma_start3A_398 = tpu.memref_slice %arg3[%dma_start3A_396, %dma_start3A_397] : memref<100000x64xf32, #tpu.memory_space<hbm>> -> memref<100000x64xf32, #tpu.memory_space<hbm>>
        tpu.enqueue_indirect_dma source(%dma_start3A_398 : memref<100000x64xf32, #tpu.memory_space<hbm>>) target(%dma_start3A_392 : memref<104x64xf32, #tpu.memory_space<vmem>>) offsets(%dma_start3A_395 : memref<104xi32, #tpu.memory_space<vmem>>) semaphore(%arg21 : memref<!tpu.dma_semaphore, #tpu.memory_space<semaphore_mem>>)
      } else {
      }
      %mul3A_275 = arith.constant 4 : i32
      %mul3A_276 = arith.muli %mul3A_275, %scan3A_186 : i32
      %add3A_277 = arith.constant 2 : i32
      %add3A_278 = arith.addi %mul3A_276, %add3A_277 : i32
      %dma_wait3A_279 = arith.constant 0 : i32
      %dma_wait3A_280 = arith.constant 0 : i32
      %dma_wait3A_281 = tpu.memref_slice %arg13[%dma_wait3A_279, %dma_wait3A_280] : memref<200x64xf32, #tpu.memory_space<vmem>> -> memref<96x64xf32, #tpu.memory_space<vmem>>
      %dma_wait3A_282 = arith.constant 0 : i32
      %dma_wait3A_283 = tpu.memref_slice %arg9[%add3A_278, %dma_wait3A_282] : memref<32x216xi32, #tpu.memory_space<vmem>> -> memref<1x96xi32, #tpu.memory_space<vmem>>
      %dma_wait3A_284 = tpu.memref_squeeze %dma_wait3A_283 : memref<1x96xi32, #tpu.memory_space<vmem>> -> memref<96xi32, #tpu.memory_space<vmem>>
      %dma_wait3A_285 = arith.constant 0 : i32
      %dma_wait3A_286 = arith.constant 0 : i32
      %dma_wait3A_287 = tpu.memref_slice %arg3[%dma_wait3A_285, %dma_wait3A_286] : memref<100000x64xf32, #tpu.memory_space<hbm>> -> memref<100000x64xf32, #tpu.memory_space<hbm>>
      tpu.wait_indirect_dma semaphore(%arg22 : memref<!tpu.dma_semaphore, #tpu.memory_space<semaphore_mem>>) src(%dma_wait3A_287 : memref<100000x64xf32, #tpu.memory_space<hbm>>) dst(%dma_wait3A_281 : memref<96x64xf32, #tpu.memory_space<vmem>>)
      %dma_wait3A_288 = arith.constant 96 : i32
      %dma_wait3A_289 = arith.constant 0 : i32
      %dma_wait3A_290 = tpu.memref_slice %arg13[%dma_wait3A_288, %dma_wait3A_289] : memref<200x64xf32, #tpu.memory_space<vmem>> -> memref<104x64xf32, #tpu.memory_space<vmem>>
      %dma_wait3A_291 = arith.constant 96 : i32
      %dma_wait3A_292 = tpu.memref_slice %arg9[%add3A_278, %dma_wait3A_291] : memref<32x216xi32, #tpu.memory_space<vmem>> -> memref<1x104xi32, #tpu.memory_space<vmem>>
      %dma_wait3A_293 = tpu.memref_squeeze %dma_wait3A_292 : memref<1x104xi32, #tpu.memory_space<vmem>> -> memref<104xi32, #tpu.memory_space<vmem>>
      %dma_wait3A_294 = arith.constant 0 : i32
      %dma_wait3A_295 = arith.constant 0 : i32
      %dma_wait3A_296 = tpu.memref_slice %arg3[%dma_wait3A_294, %dma_wait3A_295] : memref<100000x64xf32, #tpu.memory_space<hbm>> -> memref<100000x64xf32, #tpu.memory_space<hbm>>
      tpu.wait_indirect_dma semaphore(%arg22 : memref<!tpu.dma_semaphore, #tpu.memory_space<semaphore_mem>>) src(%dma_wait3A_296 : memref<100000x64xf32, #tpu.memory_space<hbm>>) dst(%dma_wait3A_290 : memref<104x64xf32, #tpu.memory_space<vmem>>)
      %add3A_297 = arith.addi %mul3A_2, %add3A_278 : i32
      %sub3A_298 = arith.constant 2 : i32
      %sub3A_299 = arith.subi %add3A_297, %sub3A_298 : i32
      %dma_wait3A_300 = arith.constant 0 : i32
      %dma_wait3A_301 = arith.constant 0 : i32
      %dma_wait3A_302 = tpu.memref_slice %arg8[%sub3A_299, %dma_wait3A_300, %dma_wait3A_301] : memref<1024x200x64xf32, #tpu.memory_space<hbm>> -> memref<1x200x64xf32, #tpu.memory_space<hbm>>
      %dma_wait3A_303 = tpu.memref_squeeze %dma_wait3A_302 : memref<1x200x64xf32, #tpu.memory_space<hbm>> -> memref<200x64xf32, #tpu.memory_space<hbm>>
      %dma_wait3A_304 = arith.constant 0 : i32
      %dma_wait3A_305 = arith.constant 0 : i32
      %dma_wait3A_306 = tpu.memref_slice %arg8[%sub3A_299, %dma_wait3A_304, %dma_wait3A_305] : memref<1024x200x64xf32, #tpu.memory_space<hbm>> -> memref<1x200x64xf32, #tpu.memory_space<hbm>>
      %dma_wait3A_307 = tpu.memref_squeeze %dma_wait3A_306 : memref<1x200x64xf32, #tpu.memory_space<hbm>> -> memref<200x64xf32, #tpu.memory_space<hbm>>
      tpu.wait_dma2 semaphore(%arg24 : memref<!tpu.dma_semaphore, #tpu.memory_space<semaphore_mem>>) src(%arg15 : memref<200x64xf32, #tpu.memory_space<vmem>>) dst(%dma_wait3A_307 : memref<200x64xf32, #tpu.memory_space<hbm>>)
      %parallel_loop3A_308 = arith.constant 0 : i32
      %parallel_loop3A_309 = arith.constant 200 : i32
      %parallel_loop3A_310 = arith.constant 1 : i32
      scf.for %parallel_loop3A_379 = %parallel_loop3A_308 to %parallel_loop3A_309 step %parallel_loop3A_310  : i32 {
        %parallel_loop3A_380 = arith.index_cast %add3A_278 : i32 to index
        %parallel_loop3A_381 = arith.index_cast %parallel_loop3A_379 : i32 to index
        %parallel_loop3A_382 = tpu.vector_load %arg10[%parallel_loop3A_380, %parallel_loop3A_381] {strides = array<i32>} : memref<32x216xf32, #tpu.memory_space<vmem>>, vector<16xf32>,
        %parallel_loop3A_383 = vector.shape_cast %broadcast_in_dim3A_76 : vector<16x1xi32> to vector<16xi32>
        %parallel_loop3A_384 = tpu.dynamic_gather %parallel_loop3A_382[%parallel_loop3A_383] in [0] : vector<16xf32>, vector<16xi32> -> vector<16xf32>
        %parallel_loop3A_385 = arith.index_cast %parallel_loop3A_379 : i32 to index
        %parallel_loop3A_386 = arith.constant 0 : index
        %parallel_loop3A_387 = tpu.vector_load %arg13[%parallel_loop3A_385, %parallel_loop3A_386] {strides = array<i32>} : memref<200x64xf32, #tpu.memory_space<vmem>>, vector<16xf32>,
        %parallel_loop3A_388 = arith.index_cast %parallel_loop3A_379 : i32 to index
        %parallel_loop3A_389 = arith.constant 0 : index
        %parallel_loop3A_390 = tpu.vector_load %arg17[%parallel_loop3A_388, %parallel_loop3A_389] {strides = array<i32>} : memref<200x64xf32, #tpu.memory_space<vmem>>, vector<16xf32>,
        %parallel_loop3A_391 = arith.addf %parallel_loop3A_387, %parallel_loop3A_390 : vector<16xf32>
        %parallel_loop3A_392 = arith.mulf %parallel_loop3A_384, %sub3A : vector<16xf32>
        %parallel_loop3A_393 = arith.addf %parallel_loop3A_391, %parallel_loop3A_392 : vector<16xf32>
        %parallel_loop3A_394 = arith.index_cast %parallel_loop3A_379 : i32 to index
        %parallel_loop3A_395 = arith.constant 16 : index
        %parallel_loop3A_396 = tpu.vector_load %arg13[%parallel_loop3A_394, %parallel_loop3A_395] {strides = array<i32>} : memref<200x64xf32, #tpu.memory_space<vmem>>, vector<16xf32>,
        %parallel_loop3A_397 = arith.index_cast %parallel_loop3A_379 : i32 to index
        %parallel_loop3A_398 = arith.constant 16 : index
        %parallel_loop3A_399 = tpu.vector_load %arg17[%parallel_loop3A_397, %parallel_loop3A_398] {strides = array<i32>} : memref<200x64xf32, #tpu.memory_space<vmem>>, vector<16xf32>,
        %parallel_loop3A_400 = arith.addf %parallel_loop3A_396, %parallel_loop3A_399 : vector<16xf32>
        %parallel_loop3A_401 = arith.mulf %parallel_loop3A_384, %sub3A_31 : vector<16xf32>
        %parallel_loop3A_402 = arith.addf %parallel_loop3A_400, %parallel_loop3A_401 : vector<16xf32>
        %parallel_loop3A_403 = arith.index_cast %parallel_loop3A_379 : i32 to index
        %parallel_loop3A_404 = arith.constant 32 : index
        %parallel_loop3A_405 = tpu.vector_load %arg13[%parallel_loop3A_403, %parallel_loop3A_404] {strides = array<i32>} : memref<200x64xf32, #tpu.memory_space<vmem>>, vector<16xf32>,
        %parallel_loop3A_406 = arith.index_cast %parallel_loop3A_379 : i32 to index
        %parallel_loop3A_407 = arith.constant 32 : index
        %parallel_loop3A_408 = tpu.vector_load %arg17[%parallel_loop3A_406, %parallel_loop3A_407] {strides = array<i32>} : memref<200x64xf32, #tpu.memory_space<vmem>>, vector<16xf32>,
        %parallel_loop3A_409 = arith.addf %parallel_loop3A_405, %parallel_loop3A_408 : vector<16xf32>
        %parallel_loop3A_410 = arith.mulf %parallel_loop3A_384, %sub3A_36 : vector<16xf32>
        %parallel_loop3A_411 = arith.addf %parallel_loop3A_409, %parallel_loop3A_410 : vector<16xf32>
        %parallel_loop3A_412 = arith.index_cast %parallel_loop3A_379 : i32 to index
        %parallel_loop3A_413 = arith.constant 48 : index
        %parallel_loop3A_414 = tpu.vector_load %arg13[%parallel_loop3A_412, %parallel_loop3A_413] {strides = array<i32>} : memref<200x64xf32, #tpu.memory_space<vmem>>, vector<16xf32>,
        %parallel_loop3A_415 = arith.index_cast %parallel_loop3A_379 : i32 to index
        %parallel_loop3A_416 = arith.constant 48 : index
        %parallel_loop3A_417 = tpu.vector_load %arg17[%parallel_loop3A_415, %parallel_loop3A_416] {strides = array<i32>} : memref<200x64xf32, #tpu.memory_space<vmem>>, vector<16xf32>,
        %parallel_loop3A_418 = arith.addf %parallel_loop3A_414, %parallel_loop3A_417 : vector<16xf32>
        %parallel_loop3A_419 = arith.mulf %parallel_loop3A_384, %sub3A_41 : vector<16xf32>
        %parallel_loop3A_420 = arith.addf %parallel_loop3A_418, %parallel_loop3A_419 : vector<16xf32>
        %parallel_loop3A_421 = arith.addf %parallel_loop3A_393, %parallel_loop3A_402 : vector<16xf32>
        %parallel_loop3A_422 = arith.addf %parallel_loop3A_421, %parallel_loop3A_411 : vector<16xf32>
        %parallel_loop3A_423 = arith.addf %parallel_loop3A_422, %parallel_loop3A_420 : vector<16xf32>
        %parallel_loop3A_424 = arith.constant true
        %parallel_loop3A_425 = vector.broadcast %parallel_loop3A_424 : i1 to vector<16xi1>
        %parallel_loop3A_426 = tpu.scan <sum>, %parallel_loop3A_423 masked %parallel_loop3A_425 : vector<16xf32>, vector<16xi1> -> vector<16xf32>
        %parallel_loop3A_427 = vector.shape_cast %broadcast_in_dim3A_78 : vector<16x1xi32> to vector<16xi32>
        %parallel_loop3A_428 = tpu.dynamic_gather %parallel_loop3A_426[%parallel_loop3A_427] in [0] : vector<16xf32>, vector<16xi32> -> vector<16xf32>
        %parallel_loop3A_429 = arith.mulf %parallel_loop3A_393, %parallel_loop3A_393 : vector<16xf32>
        %parallel_loop3A_430 = arith.mulf %parallel_loop3A_402, %parallel_loop3A_402 : vector<16xf32>
        %parallel_loop3A_431 = arith.addf %parallel_loop3A_429, %parallel_loop3A_430 : vector<16xf32>
        %parallel_loop3A_432 = arith.mulf %parallel_loop3A_411, %parallel_loop3A_411 : vector<16xf32>
        %parallel_loop3A_433 = arith.addf %parallel_loop3A_431, %parallel_loop3A_432 : vector<16xf32>
        %parallel_loop3A_434 = arith.mulf %parallel_loop3A_420, %parallel_loop3A_420 : vector<16xf32>
        %parallel_loop3A_435 = arith.addf %parallel_loop3A_433, %parallel_loop3A_434 : vector<16xf32>
        %parallel_loop3A_436 = arith.constant true
        %parallel_loop3A_437 = vector.broadcast %parallel_loop3A_436 : i1 to vector<16xi1>
        %parallel_loop3A_438 = tpu.scan <sum>, %parallel_loop3A_435 masked %parallel_loop3A_437 : vector<16xf32>, vector<16xi1> -> vector<16xf32>
        %parallel_loop3A_439 = vector.shape_cast %broadcast_in_dim3A_78 : vector<16x1xi32> to vector<16xi32>
        %parallel_loop3A_440 = tpu.dynamic_gather %parallel_loop3A_438[%parallel_loop3A_439] in [0] : vector<16xf32>, vector<16xi32> -> vector<16xf32>
        %parallel_loop3A_441 = arith.constant 1.562500e-02 : f32
        %parallel_loop3A_442 = vector.broadcast %parallel_loop3A_441 : f32 to vector<16xf32>
        %parallel_loop3A_443 = arith.mulf %parallel_loop3A_428, %parallel_loop3A_442 : vector<16xf32>
        %parallel_loop3A_444 = arith.constant 1.562500e-02 : f32
        %parallel_loop3A_445 = vector.broadcast %parallel_loop3A_444 : f32 to vector<16xf32>
        %parallel_loop3A_446 = arith.mulf %parallel_loop3A_440, %parallel_loop3A_445 : vector<16xf32>
        %parallel_loop3A_447 = arith.mulf %parallel_loop3A_443, %parallel_loop3A_443 : vector<16xf32>
        %parallel_loop3A_448 = arith.subf %parallel_loop3A_446, %parallel_loop3A_447 : vector<16xf32>
        %parallel_loop3A_449 = arith.constant 9.99999974E-6 : f32
        %parallel_loop3A_450 = vector.broadcast %parallel_loop3A_449 : f32 to vector<16xf32>
        %parallel_loop3A_451 = arith.addf %parallel_loop3A_448, %parallel_loop3A_450 : vector<16xf32>
        %parallel_loop3A_452 = vector.bitcast %parallel_loop3A_451 : vector<16xf32> to vector<16xi32>
        %parallel_loop3A_453 = arith.constant 1 : i32
        %parallel_loop3A_454 = vector.broadcast %parallel_loop3A_453 : i32 to vector<16xi32>
        %parallel_loop3A_455 = arith.shrsi %parallel_loop3A_452, %parallel_loop3A_454 : vector<16xi32>
        %parallel_loop3A_456 = arith.constant 1597463007 : i32
        %parallel_loop3A_457 = vector.broadcast %parallel_loop3A_456 : i32 to vector<16xi32>
        %parallel_loop3A_458 = arith.subi %parallel_loop3A_457, %parallel_loop3A_455 : vector<16xi32>
        %parallel_loop3A_459 = vector.bitcast %parallel_loop3A_458 : vector<16xi32> to vector<16xf32>
        %parallel_loop3A_460 = arith.constant 5.000000e-01 : f32
        %parallel_loop3A_461 = vector.broadcast %parallel_loop3A_460 : f32 to vector<16xf32>
        %parallel_loop3A_462 = arith.mulf %parallel_loop3A_451, %parallel_loop3A_461 : vector<16xf32>
        %parallel_loop3A_463 = arith.mulf %parallel_loop3A_462, %parallel_loop3A_459 : vector<16xf32>
        %parallel_loop3A_464 = arith.mulf %parallel_loop3A_463, %parallel_loop3A_459 : vector<16xf32>
        %parallel_loop3A_465 = arith.constant 1.500000e+00 : f32
        %parallel_loop3A_466 = vector.broadcast %parallel_loop3A_465 : f32 to vector<16xf32>
        %parallel_loop3A_467 = arith.subf %parallel_loop3A_466, %parallel_loop3A_464 : vector<16xf32>
        %parallel_loop3A_468 = arith.mulf %parallel_loop3A_459, %parallel_loop3A_467 : vector<16xf32>
        %parallel_loop3A_469 = arith.mulf %parallel_loop3A_462, %parallel_loop3A_468 : vector<16xf32>
        %parallel_loop3A_470 = arith.mulf %parallel_loop3A_469, %parallel_loop3A_468 : vector<16xf32>
        %parallel_loop3A_471 = arith.constant 1.500000e+00 : f32
        %parallel_loop3A_472 = vector.broadcast %parallel_loop3A_471 : f32 to vector<16xf32>
        %parallel_loop3A_473 = arith.subf %parallel_loop3A_472, %parallel_loop3A_470 : vector<16xf32>
        %parallel_loop3A_474 = arith.mulf %parallel_loop3A_468, %parallel_loop3A_473 : vector<16xf32>
        %parallel_loop3A_475 = arith.mulf %parallel_loop3A_443, %parallel_loop3A_474 : vector<16xf32>
        %parallel_loop3A_476 = arith.mulf %get3A_45, %parallel_loop3A_474 : vector<16xf32>
        %parallel_loop3A_477 = arith.mulf %parallel_loop3A_393, %parallel_loop3A_476 : vector<16xf32>
        %parallel_loop3A_478 = arith.mulf %parallel_loop3A_475, %get3A_45 : vector<16xf32>
        %parallel_loop3A_479 = arith.subf %get3A_61, %parallel_loop3A_478 : vector<16xf32>
        %parallel_loop3A_480 = arith.addf %parallel_loop3A_477, %parallel_loop3A_479 : vector<16xf32>
        %parallel_loop3A_481 = arith.index_cast %parallel_loop3A_379 : i32 to index
        %parallel_loop3A_482 = arith.constant 0 : index
        %parallel_loop3A_483 = tpu.vector_load %arg15[%parallel_loop3A_481, %parallel_loop3A_482] {strides = array<i32>} : memref<200x64xf32, #tpu.memory_space<vmem>>, vector<16xf32>,
        tpu.vector_store %arg15[%parallel_loop3A_481, %parallel_loop3A_482], %parallel_loop3A_480 {strides = array<i32>} : memref<200x64xf32, #tpu.memory_space<vmem>>, vector<16xf32>,
        %parallel_loop3A_484 = arith.mulf %get3A_49, %parallel_loop3A_474 : vector<16xf32>
        %parallel_loop3A_485 = arith.mulf %parallel_loop3A_402, %parallel_loop3A_484 : vector<16xf32>
        %parallel_loop3A_486 = arith.mulf %parallel_loop3A_475, %get3A_49 : vector<16xf32>
        %parallel_loop3A_487 = arith.subf %get3A_65, %parallel_loop3A_486 : vector<16xf32>
        %parallel_loop3A_488 = arith.addf %parallel_loop3A_485, %parallel_loop3A_487 : vector<16xf32>
        %parallel_loop3A_489 = arith.index_cast %parallel_loop3A_379 : i32 to index
        %parallel_loop3A_490 = arith.constant 16 : index
        %parallel_loop3A_491 = tpu.vector_load %arg15[%parallel_loop3A_489, %parallel_loop3A_490] {strides = array<i32>} : memref<200x64xf32, #tpu.memory_space<vmem>>, vector<16xf32>,
        tpu.vector_store %arg15[%parallel_loop3A_489, %parallel_loop3A_490], %parallel_loop3A_488 {strides = array<i32>} : memref<200x64xf32, #tpu.memory_space<vmem>>, vector<16xf32>,
        %parallel_loop3A_492 = arith.mulf %get3A_53, %parallel_loop3A_474 : vector<16xf32>
        %parallel_loop3A_493 = arith.mulf %parallel_loop3A_411, %parallel_loop3A_492 : vector<16xf32>
        %parallel_loop3A_494 = arith.mulf %parallel_loop3A_475, %get3A_53 : vector<16xf32>
        %parallel_loop3A_495 = arith.subf %get3A_69, %parallel_loop3A_494 : vector<16xf32>
        %parallel_loop3A_496 = arith.addf %parallel_loop3A_493, %parallel_loop3A_495 : vector<16xf32>
        %parallel_loop3A_497 = arith.index_cast %parallel_loop3A_379 : i32 to index
        %parallel_loop3A_498 = arith.constant 32 : index
        %parallel_loop3A_499 = tpu.vector_load %arg15[%parallel_loop3A_497, %parallel_loop3A_498] {strides = array<i32>} : memref<200x64xf32, #tpu.memory_space<vmem>>, vector<16xf32>,
        tpu.vector_store %arg15[%parallel_loop3A_497, %parallel_loop3A_498], %parallel_loop3A_496 {strides = array<i32>} : memref<200x64xf32, #tpu.memory_space<vmem>>, vector<16xf32>,
        %parallel_loop3A_500 = arith.mulf %get3A_57, %parallel_loop3A_474 : vector<16xf32>
        %parallel_loop3A_501 = arith.mulf %parallel_loop3A_420, %parallel_loop3A_500 : vector<16xf32>
        %parallel_loop3A_502 = arith.mulf %parallel_loop3A_475, %get3A_57 : vector<16xf32>
        %parallel_loop3A_503 = arith.subf %get3A_73, %parallel_loop3A_502 : vector<16xf32>
        %parallel_loop3A_504 = arith.addf %parallel_loop3A_501, %parallel_loop3A_503 : vector<16xf32>
        %parallel_loop3A_505 = arith.index_cast %parallel_loop3A_379 : i32 to index
        %parallel_loop3A_506 = arith.constant 48 : index
        %parallel_loop3A_507 = tpu.vector_load %arg15[%parallel_loop3A_505, %parallel_loop3A_506] {strides = array<i32>} : memref<200x64xf32, #tpu.memory_space<vmem>>, vector<16xf32>,
        tpu.vector_store %arg15[%parallel_loop3A_505, %parallel_loop3A_506], %parallel_loop3A_504 {strides = array<i32>} : memref<200x64xf32, #tpu.memory_space<vmem>>, vector<16xf32>,
      } {sc.loop_unroll_factor = 4 : i64, sc.parallel_access}
      %add3A_311 = arith.addi %mul3A_2, %add3A_278 : i32
      %dma_start3A_312 = arith.constant 0 : i32
      %dma_start3A_313 = arith.constant 0 : i32
      %dma_start3A_314 = tpu.memref_slice %arg8[%add3A_311, %dma_start3A_312, %dma_start3A_313] : memref<1024x200x64xf32, #tpu.memory_space<hbm>> -> memref<1x200x64xf32, #tpu.memory_space<hbm>>
      %dma_start3A_315 = tpu.memref_squeeze %dma_start3A_314 : memref<1x200x64xf32, #tpu.memory_space<hbm>> -> memref<200x64xf32, #tpu.memory_space<hbm>>
      %dma_start3A_316 = arith.constant 0 : i32
      %dma_start3A_317 = arith.constant 0 : i32
      %dma_start3A_318 = tpu.memref_slice %arg8[%add3A_311, %dma_start3A_316, %dma_start3A_317] : memref<1024x200x64xf32, #tpu.memory_space<hbm>> -> memref<1x200x64xf32, #tpu.memory_space<hbm>>
      %dma_start3A_319 = tpu.memref_squeeze %dma_start3A_318 : memref<1x200x64xf32, #tpu.memory_space<hbm>> -> memref<200x64xf32, #tpu.memory_space<hbm>>
      tpu.enqueue_dma source(%arg15 : memref<200x64xf32, #tpu.memory_space<vmem>>) target(%dma_start3A_319 : memref<200x64xf32, #tpu.memory_space<hbm>>) target_semaphore(%arg24 : memref<!tpu.dma_semaphore, #tpu.memory_space<semaphore_mem>>)
      %add3A_320 = arith.constant 4 : i32
      %add3A_321 = arith.addi %add3A_278, %add3A_320 : i32
      %lt3A_322 = arith.constant 32 : i32
      %lt3A_323 = arith.cmpi slt, %add3A_321, %lt3A_322 : i32
      %convert_element_type3A_324 = arith.extui %lt3A_323 : i1 to i32
      %cond3A_325 = arith.constant 0 : i32
      %cond3A_326 = arith.cmpi ne, %convert_element_type3A_324, %cond3A_325 : i32
      scf.if %cond3A_326 {
        %add3A_379 = arith.constant 4 : i32
        %add3A_380 = arith.addi %add3A_278, %add3A_379 : i32
        %dma_start3A_381 = arith.constant 0 : i32
        %dma_start3A_382 = arith.constant 0 : i32
        %dma_start3A_383 = tpu.memref_slice %arg13[%dma_start3A_381, %dma_start3A_382] : memref<200x64xf32, #tpu.memory_space<vmem>> -> memref<96x64xf32, #tpu.memory_space<vmem>>
        %dma_start3A_384 = arith.constant 0 : i32
        %dma_start3A_385 = tpu.memref_slice %arg9[%add3A_380, %dma_start3A_384] : memref<32x216xi32, #tpu.memory_space<vmem>> -> memref<1x96xi32, #tpu.memory_space<vmem>>
        %dma_start3A_386 = tpu.memref_squeeze %dma_start3A_385 : memref<1x96xi32, #tpu.memory_space<vmem>> -> memref<96xi32, #tpu.memory_space<vmem>>
        %dma_start3A_387 = arith.constant 0 : i32
        %dma_start3A_388 = arith.constant 0 : i32
        %dma_start3A_389 = tpu.memref_slice %arg3[%dma_start3A_387, %dma_start3A_388] : memref<100000x64xf32, #tpu.memory_space<hbm>> -> memref<100000x64xf32, #tpu.memory_space<hbm>>
        tpu.enqueue_indirect_dma source(%dma_start3A_389 : memref<100000x64xf32, #tpu.memory_space<hbm>>) target(%dma_start3A_383 : memref<96x64xf32, #tpu.memory_space<vmem>>) offsets(%dma_start3A_386 : memref<96xi32, #tpu.memory_space<vmem>>) semaphore(%arg22 : memref<!tpu.dma_semaphore, #tpu.memory_space<semaphore_mem>>)
        %dma_start3A_390 = arith.constant 96 : i32
        %dma_start3A_391 = arith.constant 0 : i32
        %dma_start3A_392 = tpu.memref_slice %arg13[%dma_start3A_390, %dma_start3A_391] : memref<200x64xf32, #tpu.memory_space<vmem>> -> memref<104x64xf32, #tpu.memory_space<vmem>>
        %dma_start3A_393 = arith.constant 96 : i32
        %dma_start3A_394 = tpu.memref_slice %arg9[%add3A_380, %dma_start3A_393] : memref<32x216xi32, #tpu.memory_space<vmem>> -> memref<1x104xi32, #tpu.memory_space<vmem>>
        %dma_start3A_395 = tpu.memref_squeeze %dma_start3A_394 : memref<1x104xi32, #tpu.memory_space<vmem>> -> memref<104xi32, #tpu.memory_space<vmem>>
        %dma_start3A_396 = arith.constant 0 : i32
        %dma_start3A_397 = arith.constant 0 : i32
        %dma_start3A_398 = tpu.memref_slice %arg3[%dma_start3A_396, %dma_start3A_397] : memref<100000x64xf32, #tpu.memory_space<hbm>> -> memref<100000x64xf32, #tpu.memory_space<hbm>>
        tpu.enqueue_indirect_dma source(%dma_start3A_398 : memref<100000x64xf32, #tpu.memory_space<hbm>>) target(%dma_start3A_392 : memref<104x64xf32, #tpu.memory_space<vmem>>) offsets(%dma_start3A_395 : memref<104xi32, #tpu.memory_space<vmem>>) semaphore(%arg22 : memref<!tpu.dma_semaphore, #tpu.memory_space<semaphore_mem>>)
      } else {
      }
      %mul3A_327 = arith.constant 4 : i32
      %mul3A_328 = arith.muli %mul3A_327, %scan3A_186 : i32
      %add3A_329 = arith.constant 3 : i32
      %add3A_330 = arith.addi %mul3A_328, %add3A_329 : i32
      %dma_wait3A_331 = arith.constant 0 : i32
      %dma_wait3A_332 = arith.constant 0 : i32
      %dma_wait3A_333 = tpu.memref_slice %arg14[%dma_wait3A_331, %dma_wait3A_332] : memref<200x64xf32, #tpu.memory_space<vmem>> -> memref<96x64xf32, #tpu.memory_space<vmem>>
      %dma_wait3A_334 = arith.constant 0 : i32
      %dma_wait3A_335 = tpu.memref_slice %arg9[%add3A_330, %dma_wait3A_334] : memref<32x216xi32, #tpu.memory_space<vmem>> -> memref<1x96xi32, #tpu.memory_space<vmem>>
      %dma_wait3A_336 = tpu.memref_squeeze %dma_wait3A_335 : memref<1x96xi32, #tpu.memory_space<vmem>> -> memref<96xi32, #tpu.memory_space<vmem>>
      %dma_wait3A_337 = arith.constant 0 : i32
      %dma_wait3A_338 = arith.constant 0 : i32
      %dma_wait3A_339 = tpu.memref_slice %arg3[%dma_wait3A_337, %dma_wait3A_338] : memref<100000x64xf32, #tpu.memory_space<hbm>> -> memref<100000x64xf32, #tpu.memory_space<hbm>>
      tpu.wait_indirect_dma semaphore(%arg23 : memref<!tpu.dma_semaphore, #tpu.memory_space<semaphore_mem>>) src(%dma_wait3A_339 : memref<100000x64xf32, #tpu.memory_space<hbm>>) dst(%dma_wait3A_333 : memref<96x64xf32, #tpu.memory_space<vmem>>)
      %dma_wait3A_340 = arith.constant 96 : i32
      %dma_wait3A_341 = arith.constant 0 : i32
      %dma_wait3A_342 = tpu.memref_slice %arg14[%dma_wait3A_340, %dma_wait3A_341] : memref<200x64xf32, #tpu.memory_space<vmem>> -> memref<104x64xf32, #tpu.memory_space<vmem>>
      %dma_wait3A_343 = arith.constant 96 : i32
      %dma_wait3A_344 = tpu.memref_slice %arg9[%add3A_330, %dma_wait3A_343] : memref<32x216xi32, #tpu.memory_space<vmem>> -> memref<1x104xi32, #tpu.memory_space<vmem>>
      %dma_wait3A_345 = tpu.memref_squeeze %dma_wait3A_344 : memref<1x104xi32, #tpu.memory_space<vmem>> -> memref<104xi32, #tpu.memory_space<vmem>>
      %dma_wait3A_346 = arith.constant 0 : i32
      %dma_wait3A_347 = arith.constant 0 : i32
      %dma_wait3A_348 = tpu.memref_slice %arg3[%dma_wait3A_346, %dma_wait3A_347] : memref<100000x64xf32, #tpu.memory_space<hbm>> -> memref<100000x64xf32, #tpu.memory_space<hbm>>
      tpu.wait_indirect_dma semaphore(%arg23 : memref<!tpu.dma_semaphore, #tpu.memory_space<semaphore_mem>>) src(%dma_wait3A_348 : memref<100000x64xf32, #tpu.memory_space<hbm>>) dst(%dma_wait3A_342 : memref<104x64xf32, #tpu.memory_space<vmem>>)
      %add3A_349 = arith.addi %mul3A_2, %add3A_330 : i32
      %sub3A_350 = arith.constant 2 : i32
      %sub3A_351 = arith.subi %add3A_349, %sub3A_350 : i32
      %dma_wait3A_352 = arith.constant 0 : i32
      %dma_wait3A_353 = arith.constant 0 : i32
      %dma_wait3A_354 = tpu.memref_slice %arg8[%sub3A_351, %dma_wait3A_352, %dma_wait3A_353] : memref<1024x200x64xf32, #tpu.memory_space<hbm>> -> memref<1x200x64xf32, #tpu.memory_space<hbm>>
      %dma_wait3A_355 = tpu.memref_squeeze %dma_wait3A_354 : memref<1x200x64xf32, #tpu.memory_space<hbm>> -> memref<200x64xf32, #tpu.memory_space<hbm>>
      %dma_wait3A_356 = arith.constant 0 : i32
      %dma_wait3A_357 = arith.constant 0 : i32
      %dma_wait3A_358 = tpu.memref_slice %arg8[%sub3A_351, %dma_wait3A_356, %dma_wait3A_357] : memref<1024x200x64xf32, #tpu.memory_space<hbm>> -> memref<1x200x64xf32, #tpu.memory_space<hbm>>
      %dma_wait3A_359 = tpu.memref_squeeze %dma_wait3A_358 : memref<1x200x64xf32, #tpu.memory_space<hbm>> -> memref<200x64xf32, #tpu.memory_space<hbm>>
      tpu.wait_dma2 semaphore(%arg25 : memref<!tpu.dma_semaphore, #tpu.memory_space<semaphore_mem>>) src(%arg16 : memref<200x64xf32, #tpu.memory_space<vmem>>) dst(%dma_wait3A_359 : memref<200x64xf32, #tpu.memory_space<hbm>>)
      %parallel_loop3A_360 = arith.constant 0 : i32
      %parallel_loop3A_361 = arith.constant 200 : i32
      %parallel_loop3A_362 = arith.constant 1 : i32
      scf.for %parallel_loop3A_379 = %parallel_loop3A_360 to %parallel_loop3A_361 step %parallel_loop3A_362  : i32 {
        %parallel_loop3A_380 = arith.index_cast %add3A_330 : i32 to index
        %parallel_loop3A_381 = arith.index_cast %parallel_loop3A_379 : i32 to index
        %parallel_loop3A_382 = tpu.vector_load %arg10[%parallel_loop3A_380, %parallel_loop3A_381] {strides = array<i32>} : memref<32x216xf32, #tpu.memory_space<vmem>>, vector<16xf32>,
        %parallel_loop3A_383 = vector.shape_cast %broadcast_in_dim3A_76 : vector<16x1xi32> to vector<16xi32>
        %parallel_loop3A_384 = tpu.dynamic_gather %parallel_loop3A_382[%parallel_loop3A_383] in [0] : vector<16xf32>, vector<16xi32> -> vector<16xf32>
        %parallel_loop3A_385 = arith.index_cast %parallel_loop3A_379 : i32 to index
        %parallel_loop3A_386 = arith.constant 0 : index
        %parallel_loop3A_387 = tpu.vector_load %arg14[%parallel_loop3A_385, %parallel_loop3A_386] {strides = array<i32>} : memref<200x64xf32, #tpu.memory_space<vmem>>, vector<16xf32>,
        %parallel_loop3A_388 = arith.index_cast %parallel_loop3A_379 : i32 to index
        %parallel_loop3A_389 = arith.constant 0 : index
        %parallel_loop3A_390 = tpu.vector_load %arg17[%parallel_loop3A_388, %parallel_loop3A_389] {strides = array<i32>} : memref<200x64xf32, #tpu.memory_space<vmem>>, vector<16xf32>,
        %parallel_loop3A_391 = arith.addf %parallel_loop3A_387, %parallel_loop3A_390 : vector<16xf32>
        %parallel_loop3A_392 = arith.mulf %parallel_loop3A_384, %sub3A : vector<16xf32>
        %parallel_loop3A_393 = arith.addf %parallel_loop3A_391, %parallel_loop3A_392 : vector<16xf32>
        %parallel_loop3A_394 = arith.index_cast %parallel_loop3A_379 : i32 to index
        %parallel_loop3A_395 = arith.constant 16 : index
        %parallel_loop3A_396 = tpu.vector_load %arg14[%parallel_loop3A_394, %parallel_loop3A_395] {strides = array<i32>} : memref<200x64xf32, #tpu.memory_space<vmem>>, vector<16xf32>,
        %parallel_loop3A_397 = arith.index_cast %parallel_loop3A_379 : i32 to index
        %parallel_loop3A_398 = arith.constant 16 : index
        %parallel_loop3A_399 = tpu.vector_load %arg17[%parallel_loop3A_397, %parallel_loop3A_398] {strides = array<i32>} : memref<200x64xf32, #tpu.memory_space<vmem>>, vector<16xf32>,
        %parallel_loop3A_400 = arith.addf %parallel_loop3A_396, %parallel_loop3A_399 : vector<16xf32>
        %parallel_loop3A_401 = arith.mulf %parallel_loop3A_384, %sub3A_31 : vector<16xf32>
        %parallel_loop3A_402 = arith.addf %parallel_loop3A_400, %parallel_loop3A_401 : vector<16xf32>
        %parallel_loop3A_403 = arith.index_cast %parallel_loop3A_379 : i32 to index
        %parallel_loop3A_404 = arith.constant 32 : index
        %parallel_loop3A_405 = tpu.vector_load %arg14[%parallel_loop3A_403, %parallel_loop3A_404] {strides = array<i32>} : memref<200x64xf32, #tpu.memory_space<vmem>>, vector<16xf32>,
        %parallel_loop3A_406 = arith.index_cast %parallel_loop3A_379 : i32 to index
        %parallel_loop3A_407 = arith.constant 32 : index
        %parallel_loop3A_408 = tpu.vector_load %arg17[%parallel_loop3A_406, %parallel_loop3A_407] {strides = array<i32>} : memref<200x64xf32, #tpu.memory_space<vmem>>, vector<16xf32>,
        %parallel_loop3A_409 = arith.addf %parallel_loop3A_405, %parallel_loop3A_408 : vector<16xf32>
        %parallel_loop3A_410 = arith.mulf %parallel_loop3A_384, %sub3A_36 : vector<16xf32>
        %parallel_loop3A_411 = arith.addf %parallel_loop3A_409, %parallel_loop3A_410 : vector<16xf32>
        %parallel_loop3A_412 = arith.index_cast %parallel_loop3A_379 : i32 to index
        %parallel_loop3A_413 = arith.constant 48 : index
        %parallel_loop3A_414 = tpu.vector_load %arg14[%parallel_loop3A_412, %parallel_loop3A_413] {strides = array<i32>} : memref<200x64xf32, #tpu.memory_space<vmem>>, vector<16xf32>,
        %parallel_loop3A_415 = arith.index_cast %parallel_loop3A_379 : i32 to index
        %parallel_loop3A_416 = arith.constant 48 : index
        %parallel_loop3A_417 = tpu.vector_load %arg17[%parallel_loop3A_415, %parallel_loop3A_416] {strides = array<i32>} : memref<200x64xf32, #tpu.memory_space<vmem>>, vector<16xf32>,
        %parallel_loop3A_418 = arith.addf %parallel_loop3A_414, %parallel_loop3A_417 : vector<16xf32>
        %parallel_loop3A_419 = arith.mulf %parallel_loop3A_384, %sub3A_41 : vector<16xf32>
        %parallel_loop3A_420 = arith.addf %parallel_loop3A_418, %parallel_loop3A_419 : vector<16xf32>
        %parallel_loop3A_421 = arith.addf %parallel_loop3A_393, %parallel_loop3A_402 : vector<16xf32>
        %parallel_loop3A_422 = arith.addf %parallel_loop3A_421, %parallel_loop3A_411 : vector<16xf32>
        %parallel_loop3A_423 = arith.addf %parallel_loop3A_422, %parallel_loop3A_420 : vector<16xf32>
        %parallel_loop3A_424 = arith.constant true
        %parallel_loop3A_425 = vector.broadcast %parallel_loop3A_424 : i1 to vector<16xi1>
        %parallel_loop3A_426 = tpu.scan <sum>, %parallel_loop3A_423 masked %parallel_loop3A_425 : vector<16xf32>, vector<16xi1> -> vector<16xf32>
        %parallel_loop3A_427 = vector.shape_cast %broadcast_in_dim3A_78 : vector<16x1xi32> to vector<16xi32>
        %parallel_loop3A_428 = tpu.dynamic_gather %parallel_loop3A_426[%parallel_loop3A_427] in [0] : vector<16xf32>, vector<16xi32> -> vector<16xf32>
        %parallel_loop3A_429 = arith.mulf %parallel_loop3A_393, %parallel_loop3A_393 : vector<16xf32>
        %parallel_loop3A_430 = arith.mulf %parallel_loop3A_402, %parallel_loop3A_402 : vector<16xf32>
        %parallel_loop3A_431 = arith.addf %parallel_loop3A_429, %parallel_loop3A_430 : vector<16xf32>
        %parallel_loop3A_432 = arith.mulf %parallel_loop3A_411, %parallel_loop3A_411 : vector<16xf32>
        %parallel_loop3A_433 = arith.addf %parallel_loop3A_431, %parallel_loop3A_432 : vector<16xf32>
        %parallel_loop3A_434 = arith.mulf %parallel_loop3A_420, %parallel_loop3A_420 : vector<16xf32>
        %parallel_loop3A_435 = arith.addf %parallel_loop3A_433, %parallel_loop3A_434 : vector<16xf32>
        %parallel_loop3A_436 = arith.constant true
        %parallel_loop3A_437 = vector.broadcast %parallel_loop3A_436 : i1 to vector<16xi1>
        %parallel_loop3A_438 = tpu.scan <sum>, %parallel_loop3A_435 masked %parallel_loop3A_437 : vector<16xf32>, vector<16xi1> -> vector<16xf32>
        %parallel_loop3A_439 = vector.shape_cast %broadcast_in_dim3A_78 : vector<16x1xi32> to vector<16xi32>
        %parallel_loop3A_440 = tpu.dynamic_gather %parallel_loop3A_438[%parallel_loop3A_439] in [0] : vector<16xf32>, vector<16xi32> -> vector<16xf32>
        %parallel_loop3A_441 = arith.constant 1.562500e-02 : f32
        %parallel_loop3A_442 = vector.broadcast %parallel_loop3A_441 : f32 to vector<16xf32>
        %parallel_loop3A_443 = arith.mulf %parallel_loop3A_428, %parallel_loop3A_442 : vector<16xf32>
        %parallel_loop3A_444 = arith.constant 1.562500e-02 : f32
        %parallel_loop3A_445 = vector.broadcast %parallel_loop3A_444 : f32 to vector<16xf32>
        %parallel_loop3A_446 = arith.mulf %parallel_loop3A_440, %parallel_loop3A_445 : vector<16xf32>
        %parallel_loop3A_447 = arith.mulf %parallel_loop3A_443, %parallel_loop3A_443 : vector<16xf32>
        %parallel_loop3A_448 = arith.subf %parallel_loop3A_446, %parallel_loop3A_447 : vector<16xf32>
        %parallel_loop3A_449 = arith.constant 9.99999974E-6 : f32
        %parallel_loop3A_450 = vector.broadcast %parallel_loop3A_449 : f32 to vector<16xf32>
        %parallel_loop3A_451 = arith.addf %parallel_loop3A_448, %parallel_loop3A_450 : vector<16xf32>
        %parallel_loop3A_452 = vector.bitcast %parallel_loop3A_451 : vector<16xf32> to vector<16xi32>
        %parallel_loop3A_453 = arith.constant 1 : i32
        %parallel_loop3A_454 = vector.broadcast %parallel_loop3A_453 : i32 to vector<16xi32>
        %parallel_loop3A_455 = arith.shrsi %parallel_loop3A_452, %parallel_loop3A_454 : vector<16xi32>
        %parallel_loop3A_456 = arith.constant 1597463007 : i32
        %parallel_loop3A_457 = vector.broadcast %parallel_loop3A_456 : i32 to vector<16xi32>
        %parallel_loop3A_458 = arith.subi %parallel_loop3A_457, %parallel_loop3A_455 : vector<16xi32>
        %parallel_loop3A_459 = vector.bitcast %parallel_loop3A_458 : vector<16xi32> to vector<16xf32>
        %parallel_loop3A_460 = arith.constant 5.000000e-01 : f32
        %parallel_loop3A_461 = vector.broadcast %parallel_loop3A_460 : f32 to vector<16xf32>
        %parallel_loop3A_462 = arith.mulf %parallel_loop3A_451, %parallel_loop3A_461 : vector<16xf32>
        %parallel_loop3A_463 = arith.mulf %parallel_loop3A_462, %parallel_loop3A_459 : vector<16xf32>
        %parallel_loop3A_464 = arith.mulf %parallel_loop3A_463, %parallel_loop3A_459 : vector<16xf32>
        %parallel_loop3A_465 = arith.constant 1.500000e+00 : f32
        %parallel_loop3A_466 = vector.broadcast %parallel_loop3A_465 : f32 to vector<16xf32>
        %parallel_loop3A_467 = arith.subf %parallel_loop3A_466, %parallel_loop3A_464 : vector<16xf32>
        %parallel_loop3A_468 = arith.mulf %parallel_loop3A_459, %parallel_loop3A_467 : vector<16xf32>
        %parallel_loop3A_469 = arith.mulf %parallel_loop3A_462, %parallel_loop3A_468 : vector<16xf32>
        %parallel_loop3A_470 = arith.mulf %parallel_loop3A_469, %parallel_loop3A_468 : vector<16xf32>
        %parallel_loop3A_471 = arith.constant 1.500000e+00 : f32
        %parallel_loop3A_472 = vector.broadcast %parallel_loop3A_471 : f32 to vector<16xf32>
        %parallel_loop3A_473 = arith.subf %parallel_loop3A_472, %parallel_loop3A_470 : vector<16xf32>
        %parallel_loop3A_474 = arith.mulf %parallel_loop3A_468, %parallel_loop3A_473 : vector<16xf32>
        %parallel_loop3A_475 = arith.mulf %parallel_loop3A_443, %parallel_loop3A_474 : vector<16xf32>
        %parallel_loop3A_476 = arith.mulf %get3A_45, %parallel_loop3A_474 : vector<16xf32>
        %parallel_loop3A_477 = arith.mulf %parallel_loop3A_393, %parallel_loop3A_476 : vector<16xf32>
        %parallel_loop3A_478 = arith.mulf %parallel_loop3A_475, %get3A_45 : vector<16xf32>
        %parallel_loop3A_479 = arith.subf %get3A_61, %parallel_loop3A_478 : vector<16xf32>
        %parallel_loop3A_480 = arith.addf %parallel_loop3A_477, %parallel_loop3A_479 : vector<16xf32>
        %parallel_loop3A_481 = arith.index_cast %parallel_loop3A_379 : i32 to index
        %parallel_loop3A_482 = arith.constant 0 : index
        %parallel_loop3A_483 = tpu.vector_load %arg16[%parallel_loop3A_481, %parallel_loop3A_482] {strides = array<i32>} : memref<200x64xf32, #tpu.memory_space<vmem>>, vector<16xf32>,
        tpu.vector_store %arg16[%parallel_loop3A_481, %parallel_loop3A_482], %parallel_loop3A_480 {strides = array<i32>} : memref<200x64xf32, #tpu.memory_space<vmem>>, vector<16xf32>,
        %parallel_loop3A_484 = arith.mulf %get3A_49, %parallel_loop3A_474 : vector<16xf32>
        %parallel_loop3A_485 = arith.mulf %parallel_loop3A_402, %parallel_loop3A_484 : vector<16xf32>
        %parallel_loop3A_486 = arith.mulf %parallel_loop3A_475, %get3A_49 : vector<16xf32>
        %parallel_loop3A_487 = arith.subf %get3A_65, %parallel_loop3A_486 : vector<16xf32>
        %parallel_loop3A_488 = arith.addf %parallel_loop3A_485, %parallel_loop3A_487 : vector<16xf32>
        %parallel_loop3A_489 = arith.index_cast %parallel_loop3A_379 : i32 to index
        %parallel_loop3A_490 = arith.constant 16 : index
        %parallel_loop3A_491 = tpu.vector_load %arg16[%parallel_loop3A_489, %parallel_loop3A_490] {strides = array<i32>} : memref<200x64xf32, #tpu.memory_space<vmem>>, vector<16xf32>,
        tpu.vector_store %arg16[%parallel_loop3A_489, %parallel_loop3A_490], %parallel_loop3A_488 {strides = array<i32>} : memref<200x64xf32, #tpu.memory_space<vmem>>, vector<16xf32>,
        %parallel_loop3A_492 = arith.mulf %get3A_53, %parallel_loop3A_474 : vector<16xf32>
        %parallel_loop3A_493 = arith.mulf %parallel_loop3A_411, %parallel_loop3A_492 : vector<16xf32>
        %parallel_loop3A_494 = arith.mulf %parallel_loop3A_475, %get3A_53 : vector<16xf32>
        %parallel_loop3A_495 = arith.subf %get3A_69, %parallel_loop3A_494 : vector<16xf32>
        %parallel_loop3A_496 = arith.addf %parallel_loop3A_493, %parallel_loop3A_495 : vector<16xf32>
        %parallel_loop3A_497 = arith.index_cast %parallel_loop3A_379 : i32 to index
        %parallel_loop3A_498 = arith.constant 32 : index
        %parallel_loop3A_499 = tpu.vector_load %arg16[%parallel_loop3A_497, %parallel_loop3A_498] {strides = array<i32>} : memref<200x64xf32, #tpu.memory_space<vmem>>, vector<16xf32>,
        tpu.vector_store %arg16[%parallel_loop3A_497, %parallel_loop3A_498], %parallel_loop3A_496 {strides = array<i32>} : memref<200x64xf32, #tpu.memory_space<vmem>>, vector<16xf32>,
        %parallel_loop3A_500 = arith.mulf %get3A_57, %parallel_loop3A_474 : vector<16xf32>
        %parallel_loop3A_501 = arith.mulf %parallel_loop3A_420, %parallel_loop3A_500 : vector<16xf32>
        %parallel_loop3A_502 = arith.mulf %parallel_loop3A_475, %get3A_57 : vector<16xf32>
        %parallel_loop3A_503 = arith.subf %get3A_73, %parallel_loop3A_502 : vector<16xf32>
        %parallel_loop3A_504 = arith.addf %parallel_loop3A_501, %parallel_loop3A_503 : vector<16xf32>
        %parallel_loop3A_505 = arith.index_cast %parallel_loop3A_379 : i32 to index
        %parallel_loop3A_506 = arith.constant 48 : index
        %parallel_loop3A_507 = tpu.vector_load %arg16[%parallel_loop3A_505, %parallel_loop3A_506] {strides = array<i32>} : memref<200x64xf32, #tpu.memory_space<vmem>>, vector<16xf32>,
        tpu.vector_store %arg16[%parallel_loop3A_505, %parallel_loop3A_506], %parallel_loop3A_504 {strides = array<i32>} : memref<200x64xf32, #tpu.memory_space<vmem>>, vector<16xf32>,
      } {sc.loop_unroll_factor = 4 : i64, sc.parallel_access}
      %add3A_363 = arith.addi %mul3A_2, %add3A_330 : i32
      %dma_start3A_364 = arith.constant 0 : i32
      %dma_start3A_365 = arith.constant 0 : i32
      %dma_start3A_366 = tpu.memref_slice %arg8[%add3A_363, %dma_start3A_364, %dma_start3A_365] : memref<1024x200x64xf32, #tpu.memory_space<hbm>> -> memref<1x200x64xf32, #tpu.memory_space<hbm>>
      %dma_start3A_367 = tpu.memref_squeeze %dma_start3A_366 : memref<1x200x64xf32, #tpu.memory_space<hbm>> -> memref<200x64xf32, #tpu.memory_space<hbm>>
      %dma_start3A_368 = arith.constant 0 : i32
      %dma_start3A_369 = arith.constant 0 : i32
      %dma_start3A_370 = tpu.memref_slice %arg8[%add3A_363, %dma_start3A_368, %dma_start3A_369] : memref<1024x200x64xf32, #tpu.memory_space<hbm>> -> memref<1x200x64xf32, #tpu.memory_space<hbm>>
      %dma_start3A_371 = tpu.memref_squeeze %dma_start3A_370 : memref<1x200x64xf32, #tpu.memory_space<hbm>> -> memref<200x64xf32, #tpu.memory_space<hbm>>
      tpu.enqueue_dma source(%arg16 : memref<200x64xf32, #tpu.memory_space<vmem>>) target(%dma_start3A_371 : memref<200x64xf32, #tpu.memory_space<hbm>>) target_semaphore(%arg25 : memref<!tpu.dma_semaphore, #tpu.memory_space<semaphore_mem>>)
      %add3A_372 = arith.constant 4 : i32
      %add3A_373 = arith.addi %add3A_330, %add3A_372 : i32
      %lt3A_374 = arith.constant 32 : i32
      %lt3A_375 = arith.cmpi slt, %add3A_373, %lt3A_374 : i32
      %convert_element_type3A_376 = arith.extui %lt3A_375 : i1 to i32
      %cond3A_377 = arith.constant 0 : i32
      %cond3A_378 = arith.cmpi ne, %convert_element_type3A_376, %cond3A_377 : i32
      scf.if %cond3A_378 {
        %add3A_379 = arith.constant 4 : i32
        %add3A_380 = arith.addi %add3A_330, %add3A_379 : i32
        %dma_start3A_381 = arith.constant 0 : i32
        %dma_start3A_382 = arith.constant 0 : i32
        %dma_start3A_383 = tpu.memref_slice %arg14[%dma_start3A_381, %dma_start3A_382] : memref<200x64xf32, #tpu.memory_space<vmem>> -> memref<96x64xf32, #tpu.memory_space<vmem>>
        %dma_start3A_384 = arith.constant 0 : i32
        %dma_start3A_385 = tpu.memref_slice %arg9[%add3A_380, %dma_start3A_384] : memref<32x216xi32, #tpu.memory_space<vmem>> -> memref<1x96xi32, #tpu.memory_space<vmem>>
        %dma_start3A_386 = tpu.memref_squeeze %dma_start3A_385 : memref<1x96xi32, #tpu.memory_space<vmem>> -> memref<96xi32, #tpu.memory_space<vmem>>
        %dma_start3A_387 = arith.constant 0 : i32
        %dma_start3A_388 = arith.constant 0 : i32
        %dma_start3A_389 = tpu.memref_slice %arg3[%dma_start3A_387, %dma_start3A_388] : memref<100000x64xf32, #tpu.memory_space<hbm>> -> memref<100000x64xf32, #tpu.memory_space<hbm>>
        tpu.enqueue_indirect_dma source(%dma_start3A_389 : memref<100000x64xf32, #tpu.memory_space<hbm>>) target(%dma_start3A_383 : memref<96x64xf32, #tpu.memory_space<vmem>>) offsets(%dma_start3A_386 : memref<96xi32, #tpu.memory_space<vmem>>) semaphore(%arg23 : memref<!tpu.dma_semaphore, #tpu.memory_space<semaphore_mem>>)
        %dma_start3A_390 = arith.constant 96 : i32
        %dma_start3A_391 = arith.constant 0 : i32
        %dma_start3A_392 = tpu.memref_slice %arg14[%dma_start3A_390, %dma_start3A_391] : memref<200x64xf32, #tpu.memory_space<vmem>> -> memref<104x64xf32, #tpu.memory_space<vmem>>
        %dma_start3A_393 = arith.constant 96 : i32
        %dma_start3A_394 = tpu.memref_slice %arg9[%add3A_380, %dma_start3A_393] : memref<32x216xi32, #tpu.memory_space<vmem>> -> memref<1x104xi32, #tpu.memory_space<vmem>>
        %dma_start3A_395 = tpu.memref_squeeze %dma_start3A_394 : memref<1x104xi32, #tpu.memory_space<vmem>> -> memref<104xi32, #tpu.memory_space<vmem>>
        %dma_start3A_396 = arith.constant 0 : i32
        %dma_start3A_397 = arith.constant 0 : i32
        %dma_start3A_398 = tpu.memref_slice %arg3[%dma_start3A_396, %dma_start3A_397] : memref<100000x64xf32, #tpu.memory_space<hbm>> -> memref<100000x64xf32, #tpu.memory_space<hbm>>
        tpu.enqueue_indirect_dma source(%dma_start3A_398 : memref<100000x64xf32, #tpu.memory_space<hbm>>) target(%dma_start3A_392 : memref<104x64xf32, #tpu.memory_space<vmem>>) offsets(%dma_start3A_395 : memref<104xi32, #tpu.memory_space<vmem>>) semaphore(%arg23 : memref<!tpu.dma_semaphore, #tpu.memory_space<semaphore_mem>>)
      } else {
      }
    }
    %scan3A_162 = arith.constant 8 : i32
    %add3A_163 = arith.constant 32 : i32
    %add3A_164 = arith.addi %mul3A_2, %add3A_163 : i32
    %sub3A_165 = arith.constant 2 : i32
    %sub3A_166 = arith.subi %add3A_164, %sub3A_165 : i32
    %dma_wait3A = arith.constant 0 : i32
    %dma_wait3A_167 = arith.constant 0 : i32
    %dma_wait3A_168 = tpu.memref_slice %arg8[%sub3A_166, %dma_wait3A, %dma_wait3A_167] : memref<1024x200x64xf32, #tpu.memory_space<hbm>> -> memref<1x200x64xf32, #tpu.memory_space<hbm>>
    %dma_wait3A_169 = tpu.memref_squeeze %dma_wait3A_168 : memref<1x200x64xf32, #tpu.memory_space<hbm>> -> memref<200x64xf32, #tpu.memory_space<hbm>>
    %dma_wait3A_170 = arith.constant 0 : i32
    %dma_wait3A_171 = arith.constant 0 : i32
    %dma_wait3A_172 = tpu.memref_slice %arg8[%sub3A_166, %dma_wait3A_170, %dma_wait3A_171] : memref<1024x200x64xf32, #tpu.memory_space<hbm>> -> memref<1x200x64xf32, #tpu.memory_space<hbm>>
    %dma_wait3A_173 = tpu.memref_squeeze %dma_wait3A_172 : memref<1x200x64xf32, #tpu.memory_space<hbm>> -> memref<200x64xf32, #tpu.memory_space<hbm>>
    tpu.wait_dma2 semaphore(%arg24 : memref<!tpu.dma_semaphore, #tpu.memory_space<semaphore_mem>>) src(%arg15 : memref<200x64xf32, #tpu.memory_space<vmem>>) dst(%dma_wait3A_173 : memref<200x64xf32, #tpu.memory_space<hbm>>)
    %add3A_174 = arith.constant 32 : i32
    %add3A_175 = arith.addi %mul3A_2, %add3A_174 : i32
    %sub3A_176 = arith.constant 1 : i32
    %sub3A_177 = arith.subi %add3A_175, %sub3A_176 : i32
    %dma_wait3A_178 = arith.constant 0 : i32
    %dma_wait3A_179 = arith.constant 0 : i32
    %dma_wait3A_180 = tpu.memref_slice %arg8[%sub3A_177, %dma_wait3A_178, %dma_wait3A_179] : memref<1024x200x64xf32, #tpu.memory_space<hbm>> -> memref<1x200x64xf32, #tpu.memory_space<hbm>>
    %dma_wait3A_181 = tpu.memref_squeeze %dma_wait3A_180 : memref<1x200x64xf32, #tpu.memory_space<hbm>> -> memref<200x64xf32, #tpu.memory_space<hbm>>
    %dma_wait3A_182 = arith.constant 0 : i32
    %dma_wait3A_183 = arith.constant 0 : i32
    %dma_wait3A_184 = tpu.memref_slice %arg8[%sub3A_177, %dma_wait3A_182, %dma_wait3A_183] : memref<1024x200x64xf32, #tpu.memory_space<hbm>> -> memref<1x200x64xf32, #tpu.memory_space<hbm>>
    %dma_wait3A_185 = tpu.memref_squeeze %dma_wait3A_184 : memref<1x200x64xf32, #tpu.memory_space<hbm>> -> memref<200x64xf32, #tpu.memory_space<hbm>>
    tpu.wait_dma2 semaphore(%arg25 : memref<!tpu.dma_semaphore, #tpu.memory_space<semaphore_mem>>) src(%arg16 : memref<200x64xf32, #tpu.memory_space<vmem>>) dst(%dma_wait3A_185 : memref<200x64xf32, #tpu.memory_space<hbm>>)
    return
  }
}

</mosaic_0001>

<sc_bundles>
// kernel: kernel.3.cloned.1.call-start
scs
__scs_entry_jumppad:
0x0: {  	(pc) =	sbr.rel $0x88, $3  }
0x1: {  	(tag) =	ssettag $0x0;
	lr =	simm.s32 $0x1  }
0x2: {  	[smem:$0x3F9A] =	sst lr;
	_ =	strace $0xD0000000  }
0x3: {  	_ = 	snop  }
0x4: {  	_ = 	snop  }
0x5: {  	_ = 	snop  }
0x6: {  	_ = 	snop  }
0x7: {  	_ = 	snop  }
__scs_overlays_trampoline_lowered:
0x8: {  	[smem:$0x3FA9] =	sst s0  }
0x9: {  	[smem:$0x3FAA] =	sst s1  }
0xa: {  	[smem:$0x3FAB] =	sst s2  }
0xb: {  	[smem:$0x3FAC] =	sst s3  }
0xc: {  	[smem:$0x3FAD] =	sst s4  }
0xd: {  	[smem:$0x3FAE] =	sst s5  }
0xe: {  	[smem:$0x3FAF] =	sst s6  }
0xf: {  	[smem:$0x3FB0] =	sst s7  }
0x10: {  	[smem:$0x3FB1] =	sst s8  }
0x11: {  	[smem:$0x3FB2] =	sst s9;
	s0 =	simm.s32 @!p0 $0x0  }
0x12: {  	s1 =	sld [smem:$0x3F98];
	s0 =	simm.s32 @p0 $0x1  }
0x13: {  	[smem:$0x3FB3] =	sst s0;
	s0 =	simm.s32 @!p1 $0x0  }
0x14: {  	s2 =	sld [smem:$0x3F97];
	s0 =	simm.s32 @p1 $0x1  }
0x15: {  	[smem:$0x3FB4] =	sst s0;
	s0 =	simm.s32 @!p2 $0x0  }
0x16: {  	s3 =	sld [smem:$0x3FDB];
	s0 =	simm.s32 @p2 $0x1  }
0x17: {  	s4 =	simm.s32 $0x1BF5;
	[smem:$0x3FB6] =	sst s0  }
0x18: {  	s0 =	sld [smem:$0x3F99];
	_ =	swait.ge [sflag:s4], $0x0  }
0x19: {  	s7 =	sld [smem:$0x3F9A]  }
0x1a: {  	s8 =	sadd.s32 $0xFFFFE003, lr  }
0x1b: {  	s9 =	sadd.s32 $0xFFFFFEF7, lr;
	s5 =	simm.s32 $0xFFFFFFFF;
	p2 =	slt.u32 s8, $0xFFFFF086  }
0x1c: {  	p1 =	slt.u32 s9, $0xF7A;
	s5 =	simm.s32 @!p2 $0x0  }
0x1d: {  	s5 =	simm.s32 @p1 $0x1;
	p0 =	seq.s32 s7, s2  }
0x1e: {  	s7 =	smul.u32 @!p0 $0xF7A, s2;
	p2 =	seq.s32 @!p0 s5, $0x0  }
0x1f: {  	s9 =	smul.u32 $0xF7A, s1;
	s8 =	simm.s32 @!p0 $0x1BF5;
	p2 =	por !p2, p0  }
0x20: {  	[sflag:s8] =	ssyncset.s32 @!p0 $0xFFFFF086;
	s6 =	sadd.s32 @!p0 s3, s7;
	s7 =	simm.s32 @!p0 $0x108  }
0x21: {  	s3 =	sadd.s32 s3, s9;
	s6 =	sadd.s32 @!p0 $0x88, s6;
	s7 =	simm.s32 @p2 $0x1082  }
0x22: {  	[simem:s7], [sflag:s8] =	dma.local @!p0 [hbm:s6], $0xF7A  }
0x23: {  	s9 =	sor.u32 $0xD0000000, s2;
	s6 =	simm.s32 $0x108;
	_ =	swait.ge @!p0 [sflag:s8], $0x0  }
0x24: {  	s3 =	sadd.s32 $0x88, s3;
	s6 =	simm.s32 @!p1 $0x1082;
	[sflag:s4] =	ssyncset.s32 $0xFFFFF086  }
0x25: {  	[simem:s6], [sflag:s4] =	dma.local [hbm:s3], $0xF7A  }
0x26: {  	[smem:$0x3F9A] =	sst s1;
	(tag) =	ssettag s2;
	_ =	strace s9  }
0x27: {  	s1 =	sld [smem:$0x3FAA]  }
0x28: {  	s2 =	sld [smem:$0x3FAB]  }
0x29: {  	s4 =	sld [smem:$0x3FAD]  }
0x2a: {  	p0 =	seq.s32 s5, $0x0;
	s5 =	sld [smem:$0x3FAE]  }
0x2b: {  	s6 =	sld [smem:$0x3FAF]  }
0x2c: {  	s7 =	sld [smem:$0x3FB0]  }
0x2d: {  	s3 =	simm.s32 $0x108;
	s8 =	sld [smem:$0x3FB1]  }
0x2e: {  	s3 =	simm.s32 @!p0 $0x1082;
	s9 =	sld [smem:$0x3FB2]  }
0x2f: {  	lr =	sadd.s32 s0, s3;
	s0 =	sld [smem:$0x3FA9]  }
0x30: {  	s3 =	sld [smem:$0x3FAC]  }
0x31: {  	[smem:$0x3FB5] =	sst s10  }
0x32: {  	s10 =	sld [smem:$0x3FB3];
	_ =	sdelay $0x3  }
0x33: {  	p0 =	seq.s32 s10, $0x1;
	s10 =	sld [smem:$0x3FB5];
	_ =	sdelay $0x3  }
0x34: {  	[smem:$0x3FB5] =	sst s10  }
0x35: {  	s10 =	sld [smem:$0x3FB4];
	_ =	sdelay $0x3  }
0x36: {  	p1 =	seq.s32 s10, $0x1;
	s10 =	sld [smem:$0x3FB5];
	_ =	sdelay $0x3  }
0x37: {  	[smem:$0x3FB5] =	sst s10  }
0x38: {  	s10 =	sld [smem:$0x3FB6]  }
0x39: {  	_ = 	snop;
	(pc) =	sbr.ind lr, $3  }
0x3a: {  	_ = 	snop  }
0x3b: {  	_ = 	snop  }
0x3c: {  	p2 =	seq.s32 s10, $0x1;
	s10 =	sld [smem:$0x3FB5]  }
0x3d: {  	_ =	shalt  }
0x3e: {  	_ =	shalt  }
0x3f: {  	_ =	shalt  }
0x40: {  	_ =	shalt  }
0x41: {  	_ =	shalt  }
0x42: {  	_ =	shalt  }
0x43: {  	_ =	shalt  }
0x44: {  	_ =	shalt  }
0x45: {  	_ =	shalt  }
0x46: {  	_ =	shalt  }
0x47: {  	_ =	shalt  }
0x48: {  	_ =	shalt  }
0x49: {  	_ =	shalt  }
0x4a: {  	_ =	shalt  }
0x4b: {  	_ =	shalt  }
0x4c: {  	_ =	shalt  }
0x4d: {  	_ =	shalt  }
0x4e: {  	_ =	shalt  }
0x4f: {  	_ =	shalt  }
0x50: {  	_ =	shalt  }
0x51: {  	_ =	shalt  }
0x52: {  	_ =	shalt  }
0x53: {  	_ =	shalt  }
0x54: {  	_ =	shalt  }
0x55: {  	_ =	shalt  }
0x56: {  	_ =	shalt  }
0x57: {  	_ =	shalt  }
0x58: {  	_ =	shalt  }
0x59: {  	_ =	shalt  }
0x5a: {  	_ =	shalt  }
0x5b: {  	_ =	shalt  }
0x5c: {  	_ =	shalt  }
0x5d: {  	_ =	shalt  }
0x5e: {  	_ =	shalt  }
0x5f: {  	_ =	shalt  }
0x60: {  	_ =	shalt  }
0x61: {  	_ =	shalt  }
0x62: {  	_ =	shalt  }
0x63: {  	_ =	shalt  }
0x64: {  	_ =	shalt  }
0x65: {  	_ =	shalt  }
0x66: {  	_ =	shalt  }
0x67: {  	_ =	shalt  }
0x68: {  	_ =	shalt  }
0x69: {  	_ =	shalt  }
0x6a: {  	_ =	shalt  }
0x6b: {  	_ =	shalt  }
0x6c: {  	_ =	shalt  }
0x6d: {  	_ =	shalt  }
0x6e: {  	_ =	shalt  }
0x6f: {  	_ =	shalt  }
0x70: {  	_ =	shalt  }
0x71: {  	_ =	shalt  }
0x72: {  	_ =	shalt  }
0x73: {  	_ =	shalt  }
0x74: {  	_ =	shalt  }
0x75: {  	_ =	shalt  }
0x76: {  	_ =	shalt  }
0x77: {  	_ =	shalt  }
0x78: {  	_ =	shalt  }
0x79: {  	_ =	shalt  }
0x7a: {  	_ =	shalt  }
0x7b: {  	_ =	shalt  }
0x7c: {  	_ =	shalt  }
0x7d: {  	_ =	shalt  }
0x7e: {  	_ =	shalt  }
0x7f: {  	_ =	shalt  }
0x80: {  	_ =	shalt  }
0x81: {  	_ =	shalt  }
0x82: {  	_ =	shalt  }
0x83: {  	_ =	shalt  }
0x84: {  	_ =	shalt  }
0x85: {  	_ =	shalt  }
0x86: {  	_ =	shalt  }
0x87: {  	_ =	shalt  }
.Lfunc_end0:
.L_simem_size_0:
called_computation.1_lowered:
.L_overlay_start_0:
0x88: {  	s2 =	sld [smem:$0x3FD9]  }
0x89: {  	s3 =	sld [smem:$0x3FFE];
	_ =	sdelay $0x1  }
0x8a: {  	s1 =	srdreg.scid  }
0x8b: {  	s0 =	sand.u32 $0x1, s1  }
0x8c: {  	s17 =	sshll.u32 s0, $0xA;
	s2 =	sadd.s32 s3, s2  }
0x8d: {  	s2 =	sadd.s32 s2, s17  }
0x8e: {  	[smem:$0x3FC1] =	sst s2  }
0x8f: {  	_ = 	snop  }
0x90: {  	s2 =	sld [smem:$0x3FC4]  }
0x91: {  	s18 =	sld [smem:$0x3FC3]  }
0x92: {  	s4 =	sld [smem:$0x3FD0];
	(tm) =	ssettm $0x1  }
0x93: {  	s5 =	sld [smem:$0x3FFB];
	_ =	sdelay $0x3  }
0x94: {  	_ =	strace s5  }
0x95: {  	s5 =	sld [smem:$0x3FFC];
	_ =	sdelay $0x3  }
0x96: {  	_ =	strace s5  }
0x97: {  	s5 =	sld [smem:$0x3FFD];
	_ =	sdelay $0x3  }
0x98: {  	_ =	strace s5  }
0x99: {  	_ =	strace $0x8FFFFFFF  }
0x9a: {  	s19 =	sld [smem:$0x3FDB];
	_ =	sdelay $0x1  }
0x9b: {  	s6 =	simm.s32 $_scs_section_size  }
0x9c: {  	s7 =	simm.s32 $_size__tile_overlayer_lowered;
	s8 =	simm.s32 $_tile_overlayer_lowered  }
0x9d: {  	s22 =	simm.s32 $0x1BFF;
	s21 =	sshll.u32 s8, $0x1;
	s5 =	sadd.s32 s6, s19  }
0x9e: {  	s9 =	simm.s32 $0x0;
	s20 =	sshll.u32 s7, $0x1;
	s7 =	sadd.s32 s21, s5  }
0x9f: {  	[timem:s9], [sflag:s22] =	dma.local [hbm:s7], s20  }
0xa0: {  	_ =	swait.ge [sflag:s22], s20  }
0xa1: {  	s6 =	ssub.s32 $0x0, s20;
	[sflag:s22] =	ssyncset.done $0x0  }
0xa2: {  	[sflag:s22] =	ssyncadd.s32 s6;
	_ =	sdelay $0x1  }
0xa3: {  	s23 =	simm.s32 $0x1B8B  }
0xa4: {  	_ =	swait.ge [sflag:s23], $0x1  }
0xa5: {  	[sflag:s23] =	ssyncset.done $0x0  }
0xa6: {  	s25 =	simm.s32 $0x1B8E;
	s24 =	sld [smem:$0x3FFE];
	[sflag:s23] =	ssyncadd.s32 $0xFFFFFFFF  }
0xa7: {  	s26 =	simm.s32 $execute0_lowered;
	[smem:$0x3FD2] =	sst s25  }
0xa8: {  	s7 =	sshll.u32 s26, $0x1;
	_ =	strace $0x80000046;
	[dreg:$0x1] =	wrdreg $0xFFFFFFFF  }
0xa9: {  	s28 =	simm.s32 $_size_execute0_lowered;
	s5 =	sadd.s32 s5, s7;
	[dreg:$0x0] =	wrdreg $0x0  }
0xaa: {  	s7 =	sshll.u32 s28, $0x1;
	[dreg:$0x2] =	wrdreg s5  }
0xab: {  	[dreg:$0x3] =	wrdreg s7  }
0xac: {  	[dreg:$0x4] =	wrdreg $0xC0  }
0xad: {  	_ =	task [dreg:s9], $0x5FFFF  }
0xae: {  	[dreg:$0x1] =	wrdreg $0xFFFFFFFF  }
0xaf: {  	[dreg:$0x0] =	wrdreg $0x60  }
0xb0: {  	[dreg:$0x2] =	wrdreg s24  }
0xb1: {  	[dreg:$0x3] =	wrdreg s2  }
0xb2: {  	[dreg:$0x4] =	wrdreg s18  }
0xb3: {  	[dreg:$0x5] =	wrdreg s4  }
0xb4: {  	[dreg:$0x6] =	wrdreg $0x9  }
0xb5: {  	_ =	task.clear_ibuf [dreg:s9], $0x7FFFF;
	_ =	strace $0x90000046  }
0xb6: {  	s29 =	simm.s32 $0x9;
	_ =	strace $0x80000048  }
0xb7: {  	_ =	swait.ge [sflag:s29], $0x1  }
0xb8: {  	[sflag:s29] =	ssyncadd.s32 $0xFFFFFFFF  }
0xb9: {  	_ =	strace $0x90000048  }
0xba: {  	_ =	sfence  }
0xbb: {  	s30 =	sld [smem:$0x0];
	_ =	sdelay $0x2  }
0xbc: {  	s31 =	sshll.u32 s1, $0xD;
	s1 =	sshrl.u32 s1, $0x2  }
0xbd: {  	s3 =	sand.u32 $0x4000, s31;
	s1 =	sadd.s32 s1, s30  }
0xbe: {  	s0 =	sor.u32 s3, s0;
	s1 =	sshll.u32 s1, $0x11  }
0xbf: {  	s0 =	sor.u32 s1, s0  }
0xc0: {  	s0 =	sadd.s32 $0x8F2B, s0  }
0xc1: {  	[sflag:s0] =	ssyncadd.remote.s32 $0x1  }
0xc2: {  	_ =	sfence.sel $0xFFFF  }
0xc3: {  	[dreg:$0x0] =	wrdreg $0xFFFFFFFF;
	(pc) =	sbr.abs _section_cstart, $3  }
0xc4: {  	[dreg:$0x1] =	wrdreg $0xFFFFFFFF  }
0xc5: {  	_ =	task.clear_ibuf [dreg:s9], $0x2FFFF;
	_ =	strace $0x9FFFFFFF  }
0xc6: {  	(tm) =	ssettm $0x7FFFFFFF  }
0xc7: {  	_ =	shalt  }
tec
execute0_lowered:
.L_overlay_start_1:
0x0: {  	(tag) =	ssettag $0x1  }
0x1: {  	s0 =	rddreg [dreg:$0x0];
	s1 =	srdreg.scid  }
0x2: {  	s2 =	stileid.u32;
	s4 =	rddreg [dreg:$0x3]  }
0x3: {  	s6 =	simm.s32 $0x0;
	s13 =	simm.s32 $0x7;
	s17 =	simm.s32 $0x60  }
0x4: {  	s19 =	simm.s32 $0x68;
	s12 =	simm.s32 $0x2;
	s14 =	simm.s32 $0x13000  }
0x5: {  	s15 =	simm.s32 $0x3;
	s16 =	simm.s32 $0x5;
	s18 =	simm.s32 $0x4  }
0x6: {  	s20 =	simm.s32 $0x6;
	s1 =	sand.u32 $0x1, s1;
	s2 =	sshll.u32 s2, $0x6  }
0x7: {  	[smem:$0x7FF] =	sst s6;
	s7 =	sadd.s32 $0x7E00, s0;
	s8 =	sadd.s32 $0x800, s0  }
0x8: {  	s3 =	sshll.u32 s1, $0x5;
	s1 =	ssub.s32 $0x2, s1;
	_ =	strace $0x80000047  }
.Ltmp0:
0x9: {  	s5 =	sor.u32 s3, s2;
	s30 =	sshrl.u32 s1, $0x1;
	(pc) =	sbr.rel .LBB2_1-.Ltmp0, $4  }
0xa: {  	[dreg:$0x5] =	wrdreg s8;
	s2 =	smul.u32 $0x19, s5;
	s1 =	ssub.s32 s1, s30  }
0xb: {  	s3 =	simm.s32 $0xFE00;
	s31 =	smax.u32 s1, $0x1;
	s1 =	simm.s32 $0x1  }
0xc: {  	s2 =	sadd.s32 s2, s0;
	s0 =	sadd.s32 $0xA00, s0;
	[dreg:$0x7] =	wrdreg s31  }
0xd: {  	v0 =	vimm.s32 $0x0;
	v1 =	vimm.s32 $0xF;
	[dreg:$0x6] =	wrdreg s0;
	s10 =	sadd.s32 $0x1A00, s2;
	s2 =	simm.s32 $0x0  }
.LBB2_20:
0xe: {  	_ =	swait.ge [sflag:s16], $0x3200  }
0xf: {  	[sflag:s16] =	ssyncset.done $0x0  }
0x10: {  	[sflag:s16] =	ssyncadd.s32 $0xFFFFCE00  }
0x11: {  	_ =	swait.ge [sflag:s20], $0x3200  }
0x12: {  	s2 =	rddreg [dreg:$0x8]  }
0x13: {  	s0 =	rddreg [dreg:$0x7];
	s2 =	sadd.s32 $0x1, s2  }
0x14: {  	p0 =	sne.s32 s2, s0  }
.Ltmp1:
0x15: {  	_ = 	snop;
	(pc) =	sbr.rel @!p0 .LBB2_21-.Ltmp1, $3  }
0x16: {  	_ =	sdelay $0x1  }
0x17: {  	[sflag:s20] =	ssyncset.done $0x0  }
0x18: {  	s13 =	simm.s32 $0x7;
	[sflag:s20] =	ssyncadd.s32 $0xFFFFCE00  }
.LBB2_1:
0x19: {  	[dreg:$0x8] =	wrdreg s2  }
0x1a: {  	s0 =	rddreg [dreg:$0x6];
	s24 =	simm.s32 $0x16200  }
0x1b: {  	[tilespmem:s24], [sflag:$0x7] =	stream.linear.gather [hbm4b:s0+s6], $0x3200, $0x38;
	[tilespmem:$0x19500] =	vst v63  }
0x1c: {  	_ =	swait.ge [sflag:s13], $0x3200  }
0x1d: {  	[sflag:s13] =	ssyncset.done $0x0  }
0x1e: {  	s26 =	simm.s32 $0x19400;
	s25 =	rddreg [dreg:$0x5];
	[sflag:s13] =	ssyncadd.s32 $0xFFFFCE00  }
0x1f: {  	[tilespmem:s26], [sflag:$0x7] =	stream.linear.gather [hbm4b:s25+s6], $0x80, $0x38;
	[tilespmem:$0x19500] =	vst v63  }
0x20: {  	_ =	swait.ge [sflag:s13], $0x80  }
0x21: {  	[sflag:s13] =	ssyncset.done $0x0  }
0x22: {  	[sflag:s13] =	ssyncadd.s32 $0xFFFFFF80  }
0x23: {  	s29 =	simm.s32 $0x19480;
	s28 =	rddreg [dreg:$0x1]  }
0x24: {  	[tilespmem:s29], [sflag:$0x7] =	stream.linear.gather [hbm4b:s28+s6], $0x40, $0x38;
	[tilespmem:$0x19500] =	vst v63  }
0x25: {  	_ =	swait.ge [sflag:s13], $0x40  }
0x26: {  	[sflag:s13] =	ssyncset.done $0x0  }
0x27: {  	[sflag:s13] =	ssyncadd.s32 $0xFFFFFFC0  }
0x28: {  	s31 =	simm.s32 $0x194C0;
	s30 =	rddreg [dreg:$0x2]  }
0x29: {  	[tilespmem:s31], [sflag:$0x7] =	stream.linear.gather [hbm4b:s30+s6], $0x40, $0x38;
	[tilespmem:$0x19500] =	vst v63  }
0x2a: {  	_ =	swait.ge [sflag:s13], $0x40  }
0x2b: {  	s2 =	simm.s32 $0x19;
	s11 =	sadd.s32 $0x0, s10;
	[sflag:s13] =	ssyncset.done $0x0  }
0x2c: {  	s8 =	simm.s32 $0xD8;
	s9 =	simm.s32 $0x0;
	[sflag:s13] =	ssyncadd.s32 $0xFFFFFFC0  }
.LBB2_2:
0x2d: {  	[tilespmem:s9], [sflag:$0x7] =	stream.linear.gather [hbm4b:s11+s6], $0xC8, $0x38;
	[tilespmem:$0x19500] =	vst v63  }
0x2e: {  	s11 =	smov.u32 s2;
	s9 =	smov.u32 s8;
	p0 =	sne.s32 s2, $0x307  }
.Ltmp2:
0x2f: {  	s2 =	sadd.s32 $0x19, s2;
	(pc) =	sbr.rel @p0 .LBB2_2-.Ltmp2, $2  }
0x30: {  	_ =	sdelay $0x2  }
0x31: {  	s8 =	sadd.s32 $0xD8, s8;
	s11 =	sadd.s32 s11, s10  }
0x32: {  	[tilespmem:s9], [sflag:$0x7] =	stream.linear.gather [hbm4b:s11+s6], $0xC8, $0x38;
	[tilespmem:$0x19500] =	vst v63  }
0x33: {  	_ =	swait.ge [sflag:s13], $0x1900  }
0x34: {  	s2 =	simm.s32 $0x0;
	[sflag:s13] =	ssyncset.done $0x0  }
0x35: {  	s8 =	simm.s32 $0x1B00;
	s9 =	simm.s32 $0x0;
	[sflag:s13] =	ssyncadd.s32 $0xFFFFE700  }
.LBB2_4:
0x36: {  	v2 =	vld [tilespmem:s2+$0x0];
	_ =	sdelay $0x4  }
0x37: {  	s21 =	sadd.s32 $0x10, s2;
	v3 =	vand.u32 $0x1FFFF, v2;
	v4 =	vshra.s32 v2, $0x11  }
0x38: {  	s23 =	simm.s32 $0x10;
	s11 =	smov.u32 s8;
	s22 =	smov.u32 s21;
	v2 =	vld [tilespmem:s21+$0x0];
	[tilespmem:s2+$0x0] =	vst v3;
	v3 =	vcvt.s32.f32 v4  }
.LBB2_5:
0x39: {  	s23 =	sadd.s32 $0x10, s23  }
0x3a: {  	p0 =	slt.u32 s23, $0xC0  }
.Ltmp3:
0x3b: {  	[tilespmem:s11+$0x0] =	vst v3;
	s11 =	sadd.s32 $0x10, s11;
	(pc) =	sbr.rel @p0 .LBB2_5-.Ltmp3, $3  }
0x3c: {  	_ =	sdelay $0x1  }
0x3d: {  	s21 =	sadd.s32 $0x10, s21;
	v3 =	vand.u32 $0x1FFFF, v2;
	v4 =	vshra.s32 v2, $0x11  }
0x3e: {  	v2 =	vld [tilespmem:s21+$0x0];
	[tilespmem:s22+$0x0] =	vst v3;
	v3 =	vcvt.s32.f32 v4;
	s22 =	smov.u32 s21  }
0x3f: {  	_ = 	snop  }
0x40: {  	s9 =	sadd.s32 $0x1, s9  }
0x41: {  	p0 =	sne.s32 s9, $0x20  }
.Ltmp4:
0x42: {  	_ = 	snop;
	(pc) =	sbr.rel @p0 .LBB2_4-.Ltmp4, $4  }
0x43: {  	v4 =	vshra.s32 v2, $0x11  }
0x44: {  	[tilespmem:s11+$0x0] =	vst v3;
	v2 =	vand.u32 $0x1FFFF, v2;
	v3 =	vcvt.s32.f32 v4  }
0x45: {  	s31 =	sadd.s32 $0x10, s11;
	[tilespmem:s22+$0x0] =	vst v2  }
0x46: {  	s2 =	sadd.s32 $0xD8, s2;
	s8 =	sadd.s32 $0xD8, s8;
	[tilespmem:s31+$0x0] =	vst v3  }
0x47: {  	v10 =	vld [tilespmem:$0x19400]  }
0x48: {  	v11 =	vld [tilespmem:$0x19410]  }
0x49: {  	v12 =	vld [tilespmem:$0x19420]  }
0x4a: {  	v13 =	vld [tilespmem:$0x19430]  }
0x4b: {  	v14 =	vld [tilespmem:$0x19440]  }
0x4c: {  	v15 =	vld [tilespmem:$0x19450]  }
0x4d: {  	v16 =	vld [tilespmem:$0x19460]  }
0x4e: {  	v17 =	vld [tilespmem:$0x19470]  }
0x4f: {  	v2 =	vld [tilespmem:$0x19480]  }
0x50: {  	v3 =	vld [tilespmem:$0x19490]  }
0x51: {  	v4 =	vld [tilespmem:$0x194A0]  }
0x52: {  	v5 =	vld [tilespmem:$0x194B0]  }
0x53: {  	v6 =	vld [tilespmem:$0x194C0]  }
0x54: {  	v7 =	vld [tilespmem:$0x194D0]  }
0x55: {  	v8 =	vld [tilespmem:$0x194E0]  }
0x56: {  	s2 =	simm.s32 $0x16240;
	v9 =	vld [tilespmem:$0x194F0]  }
0x57: {  	v20 =	vld [tilespmem:s2+$0x30]  }
0x58: {  	v22 =	vld [tilespmem:s2+$0xFFFFFFD0]  }
0x59: {  	v24 =	vld [tilespmem:s2+$0xFFFFFFE0]  }
0x5a: {  	v21 =	vld [tilespmem:s2+$0xFFFFFFF0]  }
0x5b: {  	v19 =	vld [tilespmem:s2+$0x0]  }
0x5c: {  	v18 =	vld [tilespmem:s2+$0x10];
	v25 =	vadd.f32 v20, v13  }
0x5d: {  	v20 =	vld [tilespmem:s2+$0x20];
	v23 =	vadd.f32 v22, v11  }
0x5e: {  	s8 =	simm.s32 $0x0;
	s9 =	simm.s32 $0x162C0;
	v22 =	vld [tilespmem:s2+$0xFFFFFFC0];
	v24 =	vadd.f32 v24, v12;
	[tilespmem:s2+$0x30] =	vst v25  }
.LBB2_8:
0x5f: {  	v25 =	vld [tilespmem:s9+$0x30];
	s8 =	sadd.s32 $0x2, s8;
	[tilespmem:s2+$0xFFFFFFD0] =	vst v23;
	v21 =	vadd.f32 v21, v13  }
0x60: {  	v23 =	vld [tilespmem:s9+$0xFFFFFFD0];
	p0 =	slt.u32 s8, $0xC6;
	[tilespmem:s2+$0xFFFFFFE0] =	vst v24;
	v19 =	vadd.f32 v19, v10  }
0x61: {  	v24 =	vld [tilespmem:s9+$0xFFFFFFE0];
	[tilespmem:s2+$0xFFFFFFF0] =	vst v21;
	v18 =	vadd.f32 v18, v11  }
.Ltmp5:
0x62: {  	v21 =	vld [tilespmem:s9+$0xFFFFFFF0];
	[tilespmem:s2+$0x0] =	vst v19;
	v20 =	vadd.f32 v20, v12;
	(pc) =	sbr.rel @p0 .LBB2_8-.Ltmp5, $4  }
0x63: {  	v19 =	vld [tilespmem:s9+$0x0];
	v22 =	vadd.f32 v22, v10;
	[tilespmem:s2+$0x10] =	vst v18  }
0x64: {  	v18 =	vld [tilespmem:s9+$0x10];
	v25 =	vadd.f32 v25, v13;
	[tilespmem:s2+$0x20] =	vst v20  }
0x65: {  	v23 =	vadd.f32 v23, v11;
	v20 =	vld [tilespmem:s9+$0x20];
	[tilespmem:s2+$0xFFFFFFC0] =	vst v22;
	s2 =	smov.u32 s9  }
0x66: {  	s9 =	sadd.s32 $0x80, s9;
	v22 =	vld [tilespmem:s2+$0xFFFFFFC0];
	v24 =	vadd.f32 v24, v12;
	[tilespmem:s2+$0x30] =	vst v25  }
0x67: {  	[tilespmem:s2+$0xFFFFFFD0] =	vst v23;
	v21 =	vadd.f32 v21, v13  }
0x68: {  	[tilespmem:s2+$0xFFFFFFE0] =	vst v24;
	v19 =	vadd.f32 v19, v10  }
0x69: {  	[tilespmem:s2+$0xFFFFFFF0] =	vst v21;
	v18 =	vadd.f32 v18, v11  }
0x6a: {  	[tilespmem:s2+$0x0] =	vst v19;
	v62 =	vadd.f32 v20, v12  }
0x6b: {  	v63 =	vadd.f32 v22, v10;
	[tilespmem:s2+$0x10] =	vst v18  }
0x6c: {  	[tilespmem:s2+$0x20] =	vst v62  }
0x6d: {  	s22 =	simm.s32 $0x0;
	s0 =	simm.s32 $0x3600;
	[tilespmem:s2+$0xFFFFFFC0] =	vst v63  }
0x6e: {  	[tilespmem:s0], [sflag:$0x1] =	stream.indirect.gather [hbm4b:s7+s17], $0x40, s22, s17, $0xb8;
	[tilespmem:$0x19500] =	vst v63  }
0x6f: {  	s8 =	simm.s32 $0x4E00  }
0x70: {  	[tilespmem:s8], [sflag:$0x1] =	stream.indirect.gather [hbm4b:s7+s19], $0x40, s17, s19, $0xb8;
	[tilespmem:$0x19500] =	vst v63  }
0x71: {  	s9 =	simm.s32 $0xD8;
	s11 =	simm.s32 $0x6800  }
0x72: {  	[tilespmem:s11], [sflag:$0x2] =	stream.indirect.gather [hbm4b:s7+s17], $0x40, s9, s17, $0xb8;
	[tilespmem:$0x19500] =	vst v63  }
0x73: {  	s13 =	simm.s32 $0x138;
	s21 =	simm.s32 $0x8000  }
0x74: {  	[tilespmem:s21], [sflag:$0x2] =	stream.indirect.gather [hbm4b:s7+s19], $0x40, s13, s19, $0xb8;
	[tilespmem:$0x19500] =	vst v63  }
0x75: {  	s23 =	simm.s32 $0x1B0;
	s24 =	simm.s32 $0x9A00  }
0x76: {  	[tilespmem:s24], [sflag:$0x3] =	stream.indirect.gather [hbm4b:s7+s17], $0x40, s23, s17, $0xb8;
	[tilespmem:$0x19500] =	vst v63  }
0x77: {  	s25 =	simm.s32 $0x210;
	s26 =	simm.s32 $0xB200  }
0x78: {  	[tilespmem:s26], [sflag:$0x3] =	stream.indirect.gather [hbm4b:s7+s19], $0x40, s25, s19, $0xb8;
	[tilespmem:$0x19500] =	vst v63  }
0x79: {  	s28 =	simm.s32 $0x288;
	s29 =	simm.s32 $0xCC00  }
0x7a: {  	[tilespmem:s29], [sflag:$0x4] =	stream.indirect.gather [hbm4b:s7+s17], $0x40, s28, s17, $0xb8;
	[tilespmem:$0x19500] =	vst v63  }
0x7b: {  	s30 =	simm.s32 $0x2E8;
	s31 =	simm.s32 $0xE400;
	v13 =	vsub.f32 v17, v13;
	v11 =	vsub.f32 v15, v11  }
0x7c: {  	v12 =	vsub.f32 v16, v12;
	v10 =	vsub.f32 v14, v10;
	[tilespmem:s31], [sflag:$0x4] =	stream.indirect.gather [hbm4b:s7+s19], $0x40, s30, s19, $0xb8;
	[tilespmem:$0x19500] =	vst v63  }
.LBB2_10:
0x7d: {  	_ =	swait.ge [sflag:s1], $0x1800  }
0x7e: {  	[sflag:s1] =	ssyncset.done $0x0  }
0x7f: {  	[sflag:s1] =	ssyncadd.s32 $0xFFFFE800  }
0x80: {  	_ =	swait.ge [sflag:s1], $0x1A00  }
0x81: {  	p1 =	seq.s32 s22, $0x0;
	[sflag:s1] =	ssyncset.done $0x0  }
0x82: {  	s2 =	simm.s32 @!p1 $0x5;
	[sflag:s1] =	ssyncadd.s32 $0xFFFFE600  }
0x83: {  	_ =	swait.ge @!p1 [sflag:s2], $0x3200  }
0x84: {  	[sflag:s2] =	ssyncset.done @!p1 $0x0  }
0x85: {  	s8 =	simm.s32 $0x16280;
	[sflag:s2] =	ssyncadd.s32 @!p1 $0xFFFFCE00  }
0x86: {  	s13 =	simm.s32 $0x3680;
	v14 =	vld [tilespmem:s8+$0xFFFFFFD0]  }
0x87: {  	s25 =	smul.u32 $0xD80, s22;
	v15 =	vld [tilespmem:s13+$0xFFFFFFC0]  }
0x88: {  	v16 =	vld [tilespmem:s8+$0x10]  }
0x89: {  	s26 =	simm.s32 $0x0;
	s23 =	sshra.s32 s25, $0x2;
	v17 =	vld [tilespmem:s13+$0x40]  }
0x8a: {  	s11 =	simm.s32 $0x1;
	s9 =	sand.u32 $0xF8, s26;
	s28 =	sadd.s32 $0x1B00, s23;
	v18 =	vld [tilespmem:s8+$0x40]  }
0x8b: {  	s11 =	sand.u32 $0x5, s11;
	s9 =	sadd.s32 s9, s28;
	v19 =	vld [tilespmem:s8+$0xFFFFFFC0]  }
0x8c: {  	s11 =	sadd.s32 s11, s9;
	v20 =	vld [tilespmem:s13+$0xFFFFFFD0]  }
0x8d: {  	v21 =	vld [tilespmem:s11+$0x0]  }
0x8e: {  	v22 =	vld [tilespmem:s8+$0xFFFFFFE0]  }
0x8f: {  	v23 =	vld [tilespmem:s13+$0xFFFFFFE0]  }
0x90: {  	v24 =	vld [tilespmem:s8+$0xFFFFFFF0]  }
0x91: {  	s21 =	simm.s32 $0x2;
	v25 =	vld [tilespmem:s13+$0xFFFFFFF0]  }
0x92: {  	s11 =	sand.u32 $0x6, s21;
	v27 =	vld [tilespmem:s13+$0x10]  }
0x93: {  	v30 =	vld [tilespmem:s8+$0x30];
	s11 =	sadd.s32 s11, s9;
	v21 =	vperm.xlane v21, v0  }
0x94: {  	v26 =	vld [tilespmem:s11+$0x0];
	v14 =	vadd.f32 v14, v20  }
0x95: {  	v20 =	vld [tilespmem:s8+$0x0];
	v28 =	vadd.f32 v18, v17;
	v15 =	vadd.f32 v19, v15;
	v17 =	vmul.f32 v21, v10  }
0x96: {  	v19 =	vld [tilespmem:s13+$0x0];
	v22 =	vadd.f32 v22, v23;
	v29 =	vmul.f32 v21, v11;
	v23 =	vmul.f32 v21, v12  }
0x97: {  	v18 =	vadd.f32 v15, v17;
	v15 =	vadd.f32 v24, v25;
	v17 =	vmul.f32 v21, v13;
	v24 =	vld [tilespmem:s8+$0x20]  }
0x98: {  	v21 =	vadd.f32 v14, v29;
	v25 =	vld [tilespmem:s13+$0x20]  }
0x99: {  	s24 =	simm.s32 $0xFFFFFFFB;
	v32 =	vld [tilespmem:s8+$0x70];
	v22 =	vadd.f32 v22, v23;
	v23 =	vadd.f32 v15, v17;
	v15 =	vperm.xlane v26, v0  }
0x9a: {  	v34 =	vld [tilespmem:s8+$0x50];
	s11 =	sand.u32 $0x7, s24;
	v14 =	vmul.f32 v18, v18;
	v26 =	vadd.f32 v21, v18;
	v29 =	vmul.f32 v21, v21  }
0x9b: {  	s11 =	sadd.s32 s11, s9;
	v16 =	vadd.f32 v16, v27;
	v19 =	vadd.f32 v20, v19;
	v17 =	vld [tilespmem:s13+$0x30];
	v20 =	vmul.f32 v15, v10  }
0x9c: {  	v27 =	vld [tilespmem:s11+$0x0];
	v33 =	vmul.f32 v22, v22;
	v26 =	vadd.f32 v22, v26;
	v29 =	vadd.f32 v29, v14  }
0x9d: {  	v24 =	vadd.f32 v24, v25;
	v25 =	vld [tilespmem:s8+$0x60];
	v14 =	vadd.f32 v19, v20;
	v19 =	vmul.f32 v15, v11  }
0x9e: {  	v31 =	vmul.f32 v23, v23;
	v20 =	vmul.f32 v15, v12;
	v57 =	vadd.f32 v23, v26;
	v26 =	vld [tilespmem:s13+$0x60]  }
0x9f: {  	v35 =	vld [tilespmem:s13+$0x50];
	v29 =	vadd.f32 v33, v29;
	v15 =	vmul.f32 v15, v13;
	v19 =	vadd.f32 v16, v19  }
0xa0: {  	v59 =	vld [tilespmem:s8+$0xFFFFFF80];
	v17 =	vadd.f32 v30, v17;
	v16 =	vmul.f32 v14, v14;
	v20 =	vadd.f32 v24, v20  }
0xa1: {  	s31 =	sand.u32 $0x4, s26;
	v42 =	vld [tilespmem:s13+$0xFFFFFF80];
	v24 =	vperm.xlane v27, v0;
	v29 =	vadd.f32 v31, v29;
	v31 =	vmul.f32 v19, v19  }
0xa2: {  	s9 =	sadd.s32 s31, s9;
	v27 =	vld [tilespmem:s13+$0x70];
	v17 =	vadd.f32 v17, v15;
	v30 =	vadd.f32 v19, v14;
	v37 =	vmul.f32 v20, v20  }
0xa3: {  	v36 =	vld [tilespmem:s9+$0x0];
	v38 =	vmul.f32 v24, v10;
	v25 =	vadd.f32 v25, v26;
	v16 =	vadd.f32 v31, v16  }
0xa4: {  	v40 =	vld [tilespmem:s8+$0xFFFFFF90];
	v15 =	vmul.f32 v24, v11;
	v31 =	vadd.f32 v34, v35;
	v30 =	vadd.f32 v20, v30  }
0xa5: {  	v60 =	vld [tilespmem:s13+$0xFFFFFF90];
	v41 =	vmul.f32 v17, v17;
	v26 =	vadd.f32 v28, v38;
	v16 =	vadd.f32 v37, v16  }
0xa6: {  	v39 =	vld [tilespmem:s8+$0xFFFFFFA0];
	v58 =	vmul.f32 v24, v12;
	v35 =	vadd.f32 v59, v42;
	v15 =	vadd.f32 v31, v15  }
0xa7: {  	v24 =	vmul.f32 v24, v13;
	v28 =	vld [tilespmem:s13+$0xFFFFFFA0];
	v61 =	vadd.f32 v41, v16;
	v16 =	vadd.f32 v32, v27  }
0xa8: {  	v25 =	vadd.f32 v25, v58;
	v31 =	vperm.xlane v36, v0;
	v30 =	vadd.f32 v17, v30  }
0xa9: {  	v45 =	vld [tilespmem:s8+$0xFFFFFFB0];
	v27 =	vmul.f32 v15, v15;
	v16 =	vadd.f32 v16, v24;
	v24 =	vmul.f32 v26, v26  }
0xaa: {  	v43 =	vld [tilespmem:s13+$0xFFFFFFB0];
	v36 =	vadd.f32 v40, v60;
	v46 =	vmul.f32 v25, v25;
	v63 =	vadd.f32 v15, v26  }
0xab: {  	(xrf2) =	vadd.scan.msk.f32 $0xffff, v57;
	v62 =	vmul.f32 v31, v11;
	v47 =	vmul.f32 v31, v10;
	v24 =	vadd.f32 v27, v24  }
0xac: {  	v48 =	vmul.f32 v31, v12;
	v28 =	vadd.f32 v39, v28;
	v37 =	vadd.f32 v25, v63  }
0xad: {  	(xrf2) =	vadd.scan.msk.f32 $0xffff, v29;
	v31 =	vmul.f32 v31, v13;
	v27 =	vadd.f32 v35, v47;
	v29 =	vadd.f32 v46, v24  }
0xae: {  	(xrf2) =	vadd.scan.msk.f32 $0xffff, v61;
	v49 =	vmul.f32 v16, v16;
	v24 =	vadd.f32 v28, v48;
	v28 =	vadd.f32 v36, v62  }
0xaf: {  	(xrf2) =	vadd.scan.msk.f32 $0xffff, v30;
	v30 =	vadd.f32 v45, v43;
	v37 =	vadd.f32 v16, v37;
	v50 =	vmul.f32 v27, v27  }
0xb0: {  	v29 =	vadd.f32 v49, v29;
	v51 =	vadd.f32 v28, v27;
	v52 =	vmul.f32 v28, v28  }
0xb1: {  	v30 =	vadd.f32 v30, v31;
	(xrf2) =	vadd.scan.msk.f32 $0xffff, v37  }
0xb2: {  	v31 =	vmul.f32 v24, v24;
	v33 =	vadd.f32 v24, v51;
	v32 =	vadd.f32 v52, v50;
	(xrf2) =	vadd.scan.msk.f32 $0xffff, v29;
	_ =	sdelay $0x1  }
0xb3: {  	v29 =	vmul.f32 v30, v30;
	v33 =	vadd.f32 v30, v33;
	v31 =	vadd.f32 v31, v32  }
0xb4: {  	v53, _, _ =	vpop (xrf2)  }
0xb5: {  	v29 =	vadd.f32 v29, v31;
	v31 =	vperm.xlane v53, v1;
	(xrf2) =	vadd.scan.msk.f32 $0xffff, v33  }
0xb6: {  	v54, _, _ =	vpop (xrf2)  }
0xb7: {  	v32 =	vperm.xlane v54, v1;
	v31 =	vmul.f32 $1.562500000e-02, v31;
	(xrf2) =	vadd.scan.msk.f32 $0xffff, v29  }
0xb8: {  	v55, _, _ =	vpop (xrf2)  }
0xb9: {  	v32 =	vmul.f32 $1.562500000e-02, v32;
	v29, _, _ =	vpop (xrf2);
	v57 =	vmul.f32 v31, v31  }
0xba: {  	v56, _, _ =	vpop (xrf2)  }
0xbb: {  	v33 =	vperm.xlane v55, v1;
	v29 =	vperm.xlane v29, v1;
	v32 =	vsub.f32 v32, v57;
	v58, _, _ =	vpop (xrf2)  }
0xbc: {  	v34 =	vperm.xlane v56, v1;
	v35 =	vperm.xlane v58, v1  }
0xbd: {  	v33 =	vmul.f32 $1.562500000e-02, v33;
	v29 =	vmul.f32 $1.562500000e-02, v29;
	v32 =	vadd.f32 $9.999999740e-06, v32  }
0xbe: {  	v34 =	vmul.f32 $1.562500000e-02, v34;
	v35 =	vmul.f32 $1.562500000e-02, v35  }
0xbf: {  	v63 =	vmul.f32 v29, v29;
	v60 =	vshra.s32 v32, $0x1;
	v32 =	vmul.f32 $5.000000000e-01, v32;
	v61, _, _ =	vpop (xrf2)  }
0xc0: {  	v59 =	vmul.f32 v34, v34;
	v38 =	vperm.xlane v61, v1;
	v37 =	vsub.s32 $0x5F3759DF, v60  }
0xc1: {  	v33 =	vsub.f32 v33, v63;
	v62 =	vmul.f32 v37, v32;
	v44, _, _ =	vpop (xrf2)  }
0xc2: {  	v35 =	vsub.f32 v35, v59;
	v38 =	vmul.f32 $1.562500000e-02, v38;
	v40 =	vperm.xlane v44, v1  }
0xc3: {  	v33 =	vadd.f32 $9.999999740e-06, v33;
	v36 =	vmul.f32 v37, v62  }
0xc4: {  	v35 =	vadd.f32 $9.999999740e-06, v35;
	v45 =	vmul.f32 $1.562500000e-02, v40;
	v46 =	vmul.f32 v38, v38  }
0xc5: {  	v49 =	vshra.s32 v33, $0x1;
	v33 =	vmul.f32 $5.000000000e-01, v33;
	v36 =	vsub.f32 $1.500000000e+00, v36  }
0xc6: {  	v47 =	vshra.s32 v35, $0x1;
	v35 =	vmul.f32 $5.000000000e-01, v35;
	v39 =	vsub.f32 v45, v46  }
0xc7: {  	v48 =	vsub.s32 $0x5F3759DF, v47;
	v36 =	vmul.f32 v37, v36;
	v37 =	vsub.s32 $0x5F3759DF, v49  }
0xc8: {  	v41 =	vmul.f32 v48, v35;
	v50 =	vmul.f32 v37, v33  }
0xc9: {  	v39 =	vadd.f32 $9.999999740e-06, v39;
	v32 =	vmul.f32 v36, v32  }
0xca: {  	v41 =	vmul.f32 v48, v41;
	v42 =	vmul.f32 v37, v50  }
0xcb: {  	v51 =	vshra.s32 v39, $0x1;
	v39 =	vmul.f32 $5.000000000e-01, v39;
	v32 =	vmul.f32 v32, v36  }
0xcc: {  	v43 =	vsub.s32 $0x5F3759DF, v51;
	v41 =	vsub.f32 $1.500000000e+00, v41;
	v42 =	vsub.f32 $1.500000000e+00, v42  }
0xcd: {  	v44 =	vmul.f32 v43, v39;
	v32 =	vsub.f32 $1.500000000e+00, v32  }
0xce: {  	v40 =	vmul.f32 v48, v41;
	v52 =	vmul.f32 v37, v42  }
0xcf: {  	v44 =	vmul.f32 v43, v44;
	v32 =	vmul.f32 v32, v36  }
0xd0: {  	v35 =	vmul.f32 v40, v35;
	v33 =	vmul.f32 v52, v33  }
0xd1: {  	v31 =	vmul.f32 v32, v31;
	v54 =	vmul.f32 v32, v5  }
0xd2: {  	v53 =	vsub.f32 $1.500000000e+00, v44;
	v55 =	vmul.f32 v32, v4;
	v35 =	vmul.f32 v35, v40  }
0xd3: {  	v58 =	vmul.f32 v32, v3;
	v32 =	vmul.f32 v32, v2  }
0xd4: {  	v37 =	vmul.f32 v43, v53;
	v33 =	vmul.f32 v33, v52  }
0xd5: {  	v56 =	vmul.f32 v31, v2;
	v57 =	vmul.f32 v31, v3  }
0xd6: {  	v45 =	vmul.f32 v31, v4;
	v31 =	vmul.f32 v31, v5  }
0xd7: {  	v35 =	vsub.f32 $1.500000000e+00, v35;
	v23 =	vmul.f32 v54, v23;
	v42 =	vmul.f32 v55, v22  }
0xd8: {  	v59 =	vmul.f32 v58, v21;
	v39 =	vmul.f32 v37, v39;
	v33 =	vsub.f32 $1.500000000e+00, v33  }
0xd9: {  	v32 =	vmul.f32 v32, v18;
	v22 =	vmul.f32 v35, v40  }
0xda: {  	v60 =	vsub.f32 v7, v57;
	v39 =	vmul.f32 v39, v37;
	v33 =	vmul.f32 v33, v52  }
0xdb: {  	v31 =	vsub.f32 v9, v31;
	v21 =	vmul.f32 v22, v5;
	v40 =	vmul.f32 v22, v2  }
0xdc: {  	v43 =	vsub.f32 v6, v56;
	v49 =	vmul.f32 v22, v4;
	v53 =	vmul.f32 v33, v29  }
0xdd: {  	v39 =	vsub.f32 $1.500000000e+00, v39;
	v54 =	vmul.f32 v33, v3;
	v56 =	vmul.f32 v33, v4  }
0xde: {  	v31 =	vadd.f32 v31, v23;
	v26 =	vmul.f32 v40, v26;
	v51 =	vmul.f32 v49, v25  }
0xdf: {  	s29 =	simm.s32 $0xFE80;
	v32 =	vadd.f32 v43, v32;
	v37 =	vmul.f32 v39, v37;
	v57 =	vmul.f32 v53, v4  }
0xe0: {  	[tilespmem:s29+$0xFFFFFFF0] =	vst v31;
	v31 =	vmul.f32 v54, v19;
	v20 =	vmul.f32 v56, v20  }
0xe1: {  	v35 =	vadd.f32 v60, v59;
	[tilespmem:s29+$0xFFFFFFC0] =	vst v32;
	v60 =	vmul.f32 v53, v3;
	v32 =	vmul.f32 v53, v5  }
0xe2: {  	v38 =	vmul.f32 v37, v38;
	v61 =	vmul.f32 v37, v3  }
0xe3: {  	v62 =	vsub.f32 v8, v45;
	v63 =	vmul.f32 v37, v2;
	v23 =	vmul.f32 v37, v5  }
0xe4: {  	v37 =	vmul.f32 v37, v4;
	v48 =	vmul.f32 v38, v2  }
0xe5: {  	v50 =	vadd.f32 v62, v42;
	v18 =	vmul.f32 v61, v28;
	v28 =	vmul.f32 v38, v4  }
0xe6: {  	v58 =	vsub.f32 v8, v57;
	v27 =	vmul.f32 v63, v27;
	v23 =	vmul.f32 v23, v30  }
0xe7: {  	[tilespmem:s29+$0xFFFFFFD0] =	vst v35;
	v35 =	vsub.f32 v7, v60;
	v30 =	vmul.f32 v22, v34;
	v52 =	vmul.f32 v38, v5  }
0xe8: {  	v61 =	vmul.f32 v33, v5;
	v24 =	vmul.f32 v37, v24;
	v25 =	vsub.f32 v6, v48  }
0xe9: {  	v29 =	vsub.f32 v8, v28;
	v28 =	vmul.f32 v38, v3;
	v19 =	vmul.f32 v30, v4  }
0xea: {  	v63 =	vadd.f32 v58, v20;
	v59 =	vmul.f32 v30, v3;
	v34 =	vmul.f32 v30, v2  }
0xeb: {  	[tilespmem:s29+$0xFFFFFFE0] =	vst v50;
	v55 =	vadd.f32 v25, v27;
	v25 =	vmul.f32 v53, v2;
	v62 =	vsub.f32 v8, v19  }
0xec: {  	s30 =	simm.s32 $0xFF80;
	v20 =	vmul.f32 v61, v17;
	[tilespmem:s29+$0x20] =	vst v63;
	v27 =	vsub.f32 v9, v52;
	v17 =	vsub.f32 v7, v59  }
0xed: {  	s2 =	simm.s32 $0x16380;
	s24 =	sshll.u32 s22, $0x2;
	s8 =	simm.s32 $0x3780;
	v19 =	vmul.f32 v33, v2;
	v25 =	vsub.f32 v6, v25;
	[tilespmem:s29+$0xFFFFFF80] =	vst v55;
	v33 =	vadd.f32 v62, v51  }
.LBB2_11:
0xee: {  	s11 =	sadd.s32 $0x6, s26  }
0xef: {  	v36 =	vld [tilespmem:s2+$0xFFFFFFD0];
	s9 =	sadd.s32 $0xFFFFFFFF, s26;
	v32 =	vsub.f32 v9, v32;
	v34 =	vsub.f32 v6, v34;
	v30 =	vmul.f32 v30, v5;
	s21 =	smov.u32 s26;
	s26 =	sadd.s32 $0x4, s26  }
0xf0: {  	v22 =	vmul.f32 v22, v3;
	s13 =	sand.u32 $0xF8, s26;
	s21 =	sadd.s32 $0x5, s21;
	v37 =	vld [tilespmem:s8+$0xFFFFFFC0];
	s31 =	sand.u32 $0x7, s9;
	v24 =	vadd.f32 v29, v24;
	v29 =	vadd.f32 v35, v31  }
0xf1: {  	v16 =	vmul.f32 v21, v16;
	s9 =	sand.u32 $0x4, s26;
	s13 =	sadd.s32 s13, s28;
	s21 =	sand.u32 $0x5, s21;
	v31 =	vld [tilespmem:s2+$0x10];
	v26 =	vadd.f32 v34, v26;
	[tilespmem:s29+$0x60] =	vst v33;
	v21 =	vsub.f32 v9, v30  }
0xf2: {  	v28 =	vsub.f32 v7, v28;
	v23 =	vadd.f32 v27, v23;
	s11 =	sand.u32 $0x6, s11;
	v15 =	vmul.f32 v22, v15;
	s9 =	sadd.s32 s9, s13;
	s21 =	sadd.s32 s21, s13;
	v30 =	vld [tilespmem:s8+$0x40];
	[tilespmem:s29+$0x10] =	vst v29  }
0xf3: {  	p0 =	slt.u32 s26, $0xC4;
	s0 =	sadd.s32 s11, s13;
	s11 =	sadd.s32 s31, s13;
	v22 =	vld [tilespmem:s2+$0x40];
	[tilespmem:s29+$0x40] =	vst v26;
	v16 =	vadd.f32 v21, v16  }
0xf4: {  	v18 =	vadd.f32 v28, v18;
	v20 =	vadd.f32 v32, v20;
	v21 =	vld [tilespmem:s2+$0xFFFFFFC0];
	[tilespmem:s29+$0xFFFFFFA0] =	vst v24  }
0xf5: {  	v14 =	vmul.f32 v19, v14;
	v24 =	vld [tilespmem:s8+$0xFFFFFFD0];
	[tilespmem:s29+$0x70] =	vst v16  }
0xf6: {  	v16 =	vld [tilespmem:s21+$0x0];
	[tilespmem:s29+$0xFFFFFFB0] =	vst v23  }
0xf7: {  	v14 =	vadd.f32 v25, v14;
	v19 =	vld [tilespmem:s2+$0xFFFFFFE0];
	[tilespmem:s29+$0xFFFFFF90] =	vst v18  }
0xf8: {  	v15 =	vadd.f32 v17, v15;
	v18 =	vld [tilespmem:s8+$0xFFFFFFE0];
	[tilespmem:s29+$0x30] =	vst v20  }
0xf9: {  	v17 =	vld [tilespmem:s2+$0xFFFFFFF0];
	[tilespmem:s29+$0x0] =	vst v14  }
0xfa: {  	v14 =	vadd.f32 v36, v24;
	v20 =	vld [tilespmem:s8+$0xFFFFFFF0];
	[tilespmem:s29+$0x50] =	vst v15;
	s29 =	smov.u32 s30  }
0xfb: {  	v24 =	vadd.f32 v22, v30;
	v15 =	vperm.xlane v16, v0;
	v16 =	vld [tilespmem:s0+$0x0]  }
0xfc: {  	v21 =	vadd.f32 v21, v37;
	v25 =	vld [tilespmem:s8+$0x10]  }
0xfd: {  	v22 =	vmul.f32 v15, v10;
	v23 =	vmul.f32 v15, v11;
	v19 =	vadd.f32 v19, v18;
	v26 =	vld [tilespmem:s2+$0x0]  }
0xfe: {  	v27 =	vmul.f32 v15, v12;
	v28 =	vld [tilespmem:s8+$0x0]  }
0xff: {  	v15 =	vmul.f32 v15, v13;
	v18 =	vadd.f32 v21, v22;
	v17 =	vadd.f32 v17, v20;
	v20 =	vld [tilespmem:s2+$0x30]  }
0x100: {  	v21 =	vadd.f32 v14, v23;
	v22 =	vadd.f32 v19, v27;
	v19 =	vld [tilespmem:s2+$0x20]  }
0x101: {  	v23 =	vadd.f32 v17, v15;
	v14 =	vmul.f32 v18, v18;
	v15 =	vperm.xlane v16, v0;
	v16 =	vld [tilespmem:s8+$0x20]  }
0x102: {  	v17 =	vadd.f32 v21, v18;
	v27 =	vmul.f32 v21, v21;
	v25 =	vadd.f32 v31, v25;
	v29 =	vld [tilespmem:s8+$0x30]  }
0x103: {  	v30 =	vmul.f32 v23, v23;
	v26 =	vadd.f32 v26, v28;
	v28 =	vmul.f32 v15, v10;
	v31 =	vld [tilespmem:s11+$0x0]  }
0x104: {  	v32 =	vmul.f32 v22, v22;
	v17 =	vadd.f32 v22, v17;
	v27 =	vadd.f32 v27, v14;
	v33 =	vld [tilespmem:s2+$0x70]  }
0x105: {  	v14 =	vadd.f32 v26, v28;
	v26 =	vmul.f32 v15, v11;
	v28 =	vmul.f32 v15, v12;
	v34 =	vld [tilespmem:s2+$0x50]  }
0x106: {  	v27 =	vadd.f32 v32, v27;
	v15 =	vmul.f32 v15, v13;
	v16 =	vadd.f32 v19, v16;
	v32 =	vld [tilespmem:s8+$0x50]  }
0x107: {  	v35 =	vadd.f32 v23, v17;
	v17 =	vadd.f32 v25, v26;
	v25 =	vmul.f32 v14, v14;
	v26 =	vld [tilespmem:s2+$0x60]  }
0x108: {  	v19 =	vadd.f32 v16, v28;
	v16 =	vadd.f32 v20, v29;
	v28 =	vperm.xlane v31, v0;
	v29 =	vld [tilespmem:s8+$0x60]  }
0x109: {  	v27 =	vadd.f32 v30, v27;
	v30 =	vadd.f32 v17, v14;
	v31 =	vmul.f32 v17, v17;
	v36 =	vld [tilespmem:s8+$0x70];
	(xrf2) =	vadd.scan.msk.f32 $0xffff, v35  }
0x10a: {  	v35 =	vld [tilespmem:s9+$0x0];
	v37 =	vmul.f32 v19, v19;
	v38 =	vmul.f32 v28, v10  }
0x10b: {  	v20 =	vadd.f32 v16, v15;
	v15 =	vmul.f32 v28, v11;
	v16 =	vmul.f32 v28, v13;
	v39 =	vld [tilespmem:s2+$0xFFFFFFA0]  }
0x10c: {  	v28 =	vmul.f32 v28, v12;
	v25 =	vadd.f32 v31, v25;
	v31 =	vadd.f32 v34, v32;
	v40 =	vld [tilespmem:s2+$0xFFFFFF90];
	(xrf2) =	vadd.scan.msk.f32 $0xffff, v27  }
0x10d: {  	v30 =	vadd.f32 v19, v30;
	v32 =	vmul.f32 v20, v20;
	v27 =	vld [tilespmem:s2+$0xFFFFFF80];
	v29 =	vadd.f32 v26, v29  }
0x10e: {  	v37 =	vadd.f32 v37, v25;
	v15 =	vadd.f32 v31, v15;
	v34 =	vld [tilespmem:s8+$0xFFFFFF80]  }
0x10f: {  	v26 =	vadd.f32 v24, v38;
	v31 =	vperm.xlane v35, v0;
	v35 =	vld [tilespmem:s8+$0xFFFFFF90];
	v25 =	vadd.f32 v29, v28  }
0x110: {  	v28 =	vadd.f32 v32, v37;
	v29 =	vadd.f32 v33, v36;
	v32 =	vmul.f32 v15, v15;
	v24 =	vld [tilespmem:s8+$0xFFFFFFA0]  }
0x111: {  	v42 =	vadd.f32 v15, v26;
	v33 =	vmul.f32 v31, v11;
	v36 =	vld [tilespmem:s2+$0xFFFFFFB0];
	v38 =	vmul.f32 v25, v25  }
0x112: {  	v30 =	vadd.f32 v20, v30;
	v16 =	vadd.f32 v29, v16;
	v29 =	vmul.f32 v26, v26;
	v41 =	vld [tilespmem:s8+$0xFFFFFFB0];
	(xrf2) =	vadd.scan.msk.f32 $0xffff, v28  }
0x113: {  	v28 =	vmul.f32 v31, v10;
	v27 =	vadd.f32 v27, v34;
	v34 =	vadd.f32 v25, v42;
	v37, _, _ =	vpop (xrf2)  }
0x114: {  	v29 =	vadd.f32 v32, v29;
	v35 =	vadd.f32 v40, v35;
	v40 =	vmul.f32 v31, v12  }
0x115: {  	v24 =	vadd.f32 v39, v24;
	v32 =	vadd.f32 v16, v34  }
0x116: {  	v27 =	vadd.f32 v27, v28;
	v28 =	vadd.f32 v38, v29;
	v34 =	vmul.f32 v16, v16;
	v38, _, _ =	vpop (xrf2);
	(xrf2) =	vadd.scan.msk.f32 $0xffff, v30  }
0x117: {  	v31 =	vmul.f32 v31, v13;
	v24 =	vadd.f32 v24, v40;
	v30 =	vadd.f32 v36, v41  }
0x118: {  	v29 =	vadd.f32 v35, v33;
	v33 =	vmul.f32 v27, v27;
	v34 =	vadd.f32 v34, v28  }
0x119: {  	v28 =	vadd.f32 v30, v31;
	(xrf2) =	vadd.scan.msk.f32 $0xffff, v32  }
0x11a: {  	v30 =	vadd.f32 v29, v27;
	v31 =	vmul.f32 v29, v29;
	v32 =	vmul.f32 v24, v24;
	_ =	sdelay $0x1  }
0x11b: {  	v30 =	vadd.f32 v24, v30;
	v31 =	vadd.f32 v31, v33;
	v33 =	vmul.f32 v28, v28;
	v35, _, _ =	vpop (xrf2);
	(xrf2) =	vadd.scan.msk.f32 $0xffff, v34  }
0x11c: {  	v35 =	vperm.xlane v35, v1  }
0x11d: {  	v30 =	vadd.f32 v28, v30;
	v31 =	vadd.f32 v32, v31  }
0x11e: {  	v32 =	vmul.f32 $1.562500000e-02, v35  }
0x11f: {  	v35 =	vadd.f32 v33, v31;
	v33 =	vperm.xlane v37, v1;
	(xrf2) =	vadd.scan.msk.f32 $0xffff, v30;
	v34, _, _ =	vpop (xrf2)  }
0x120: {  	v30 =	vperm.xlane v38, v1  }
0x121: {  	v33 =	vmul.f32 $1.562500000e-02, v33  }
0x122: {  	v36 =	vmul.f32 $1.562500000e-02, v30;
	(xrf2) =	vadd.scan.msk.f32 $0xffff, v35;
	v31, _, _ =	vpop (xrf2)  }
0x123: {  	v35 =	vmul.f32 v33, v33  }
0x124: {  	v31 =	vperm.xlane v31, v1  }
0x125: {  	v35 =	vsub.f32 v36, v35;
	v30, _, _ =	vpop (xrf2)  }
0x126: {  	v36 =	vperm.xlane v30, v1;
	v30 =	vmul.f32 $1.562500000e-02, v31  }
0x127: {  	v39 =	vperm.xlane v34, v1;
	v31 =	vadd.f32 $9.999999740e-06, v35  }
0x128: {  	v35 =	vmul.f32 $1.562500000e-02, v36;
	v36 =	vmul.f32 v30, v30  }
0x129: {  	v37 =	vshra.s32 v31, $0x1;
	v38 =	vmul.f32 $5.000000000e-01, v31;
	v31 =	vmul.f32 $1.562500000e-02, v39;
	v34, _, _ =	vpop (xrf2)  }
0x12a: {  	v37 =	vsub.s32 $0x5F3759DF, v37;
	v34 =	vperm.xlane v34, v1;
	v35 =	vsub.f32 v35, v36  }
0x12b: {  	v36 =	vmul.f32 v37, v38;
	v39 =	vmul.f32 v31, v31  }
0x12c: {  	v34 =	vmul.f32 $1.562500000e-02, v34;
	v35 =	vadd.f32 $9.999999740e-06, v35;
	v40, _, _ =	vpop (xrf2)  }
0x12d: {  	v36 =	vmul.f32 v37, v36;
	v32 =	vsub.f32 v32, v39;
	v40 =	vperm.xlane v40, v1  }
0x12e: {  	v39 =	vshra.s32 v35, $0x1  }
0x12f: {  	v36 =	vsub.f32 $1.500000000e+00, v36;
	v32 =	vadd.f32 $9.999999740e-06, v32;
	v35 =	vmul.f32 $5.000000000e-01, v35  }
0x130: {  	v41 =	vmul.f32 v34, v34;
	v40 =	vmul.f32 $1.562500000e-02, v40;
	v39 =	vsub.s32 $0x5F3759DF, v39  }
0x131: {  	v36 =	vmul.f32 v37, v36;
	v37 =	vshra.s32 v32, $0x1;
	v32 =	vmul.f32 $5.000000000e-01, v32  }
0x132: {  	v40 =	vsub.f32 v40, v41;
	v37 =	vsub.s32 $0x5F3759DF, v37;
	v41 =	vmul.f32 v39, v35  }
0x133: {  	v38 =	vmul.f32 v36, v38;
	v42 =	vmul.f32 v37, v32  }
0x134: {  	v40 =	vadd.f32 $9.999999740e-06, v40;
	v41 =	vmul.f32 v39, v41  }
0x135: {  	v38 =	vmul.f32 v38, v36;
	v42 =	vmul.f32 v37, v42  }
0x136: {  	v43 =	vshra.s32 v40, $0x1;
	v40 =	vmul.f32 $5.000000000e-01, v40;
	v41 =	vsub.f32 $1.500000000e+00, v41  }
0x137: {  	v43 =	vsub.s32 $0x5F3759DF, v43;
	v38 =	vsub.f32 $1.500000000e+00, v38;
	v42 =	vsub.f32 $1.500000000e+00, v42  }
0x138: {  	v44 =	vmul.f32 v43, v40;
	v39 =	vmul.f32 v39, v41  }
0x139: {  	v36 =	vmul.f32 v38, v36;
	v37 =	vmul.f32 v37, v42  }
0x13a: {  	v38 =	vmul.f32 v43, v44;
	v35 =	vmul.f32 v39, v35  }
0x13b: {  	v33 =	vmul.f32 v36, v33;
	v41 =	vmul.f32 v36, v5  }
0x13c: {  	v42 =	vmul.f32 v36, v4;
	v38 =	vsub.f32 $1.500000000e+00, v38  }
0x13d: {  	v35 =	vmul.f32 v35, v39;
	v44 =	vmul.f32 v33, v2  }
0x13e: {  	v38 =	vmul.f32 v43, v38;
	v43 =	vmul.f32 v33, v3  }
0x13f: {  	v45 =	vmul.f32 v33, v4;
	v33 =	vmul.f32 v33, v5;
	v44 =	vsub.f32 v6, v44  }
0x140: {  	v23 =	vmul.f32 v41, v23;
	v40 =	vmul.f32 v38, v40;
	v43 =	vsub.f32 v7, v43  }
0x141: {  	v41 =	vmul.f32 v36, v3;
	v45 =	vsub.f32 v8, v45;
	v33 =	vsub.f32 v9, v33  }
0x142: {  	v42 =	vmul.f32 v42, v22;
	v22 =	vsub.f32 $1.500000000e+00, v35;
	v40 =	vmul.f32 v40, v38  }
0x143: {  	v21 =	vmul.f32 v41, v21;
	v23 =	vadd.f32 v33, v23  }
0x144: {  	v22 =	vmul.f32 v22, v39;
	v33 =	vsub.f32 $1.500000000e+00, v40  }
0x145: {  	v35 =	vadd.f32 v43, v21;
	[tilespmem:s30+$0xFFFFFFF0] =	vst v23;
	v23 =	vmul.f32 v37, v32  }
0x146: {  	v21 =	vmul.f32 v22, v5;
	v32 =	vmul.f32 v33, v38;
	v33 =	vadd.f32 v45, v42  }
0x147: {  	v36 =	vmul.f32 v36, v2;
	[tilespmem:s30+$0xFFFFFFD0] =	vst v35;
	v35 =	vmul.f32 v22, v2  }
0x148: {  	v34 =	vmul.f32 v32, v34;
	v38 =	vmul.f32 v32, v3;
	[tilespmem:s30+$0xFFFFFFE0] =	vst v33  }
0x149: {  	v36 =	vmul.f32 v36, v18;
	v33 =	vmul.f32 v32, v2  }
0x14a: {  	v39 =	vmul.f32 v32, v5;
	v23 =	vmul.f32 v23, v37  }
0x14b: {  	v36 =	vadd.f32 v44, v36;
	v40 =	vmul.f32 v34, v2;
	v18 =	vmul.f32 v38, v29  }
0x14c: {  	v41 =	vmul.f32 v22, v4;
	v29 =	vmul.f32 v34, v4;
	v38 =	vsub.f32 $1.500000000e+00, v23  }
0x14d: {  	v26 =	vmul.f32 v35, v26;
	v27 =	vmul.f32 v33, v27;
	v33 =	vsub.f32 v6, v40  }
0x14e: {  	v23 =	vmul.f32 v39, v28;
	v29 =	vsub.f32 v8, v29;
	v35 =	vmul.f32 v38, v37  }
0x14f: {  	v30 =	vmul.f32 v22, v30;
	v27 =	vadd.f32 v33, v27;
	v33 =	vmul.f32 v41, v25;
	[tilespmem:s30+$0xFFFFFFC0] =	vst v36  }
0x150: {  	v25 =	vmul.f32 v34, v5;
	v36 =	vmul.f32 v35, v31  }
0x151: {  	v37 =	vmul.f32 v32, v4;
	v31 =	vmul.f32 v35, v3;
	[tilespmem:s30+$0xFFFFFF80] =	vst v27  }
0x152: {  	v28 =	vmul.f32 v34, v3;
	v27 =	vsub.f32 v9, v25;
	v25 =	vmul.f32 v36, v2  }
0x153: {  	v32 =	vmul.f32 v35, v4;
	v34 =	vmul.f32 v36, v4  }
0x154: {  	v31 =	vmul.f32 v31, v17;
	v17 =	vmul.f32 v30, v4;
	v25 =	vsub.f32 v6, v25  }
.Ltmp6:
0x155: {  	v38 =	vmul.f32 v30, v3;
	v19 =	vmul.f32 v32, v19;
	v32 =	vsub.f32 v8, v34;
	(pc) =	sbr.rel @p0 .LBB2_11-.Ltmp6, $4  }
0x156: {  	v40 =	vmul.f32 v35, v5;
	v39 =	vmul.f32 v36, v3;
	v41 =	vsub.f32 v8, v17  }
0x157: {  	v34 =	vmul.f32 v30, v2;
	v42 =	vadd.f32 v32, v19;
	v32 =	vmul.f32 v36, v5  }
0x158: {  	v20 =	vmul.f32 v40, v20;
	v17 =	vsub.f32 v7, v38;
	v19 =	vmul.f32 v35, v2  }
0x159: {  	s2 =	sadd.s32 $0x100, s2;
	s8 =	sadd.s32 $0x100, s8;
	v24 =	vmul.f32 v37, v24;
	s30 =	sadd.s32 $0x100, s30;
	v35 =	vsub.f32 v7, v39;
	v33 =	vadd.f32 v41, v33;
	[tilespmem:s29+$0x20] =	vst v42  }
0x15a: {  	v23 =	vadd.f32 v27, v23  }
0x15b: {  	v34 =	vsub.f32 v6, v34;
	v31 =	vadd.f32 v35, v31;
	[tilespmem:s29+$0x60] =	vst v33  }
0x15c: {  	v30 =	vmul.f32 v30, v5;
	v28 =	vsub.f32 v7, v28;
	v24 =	vadd.f32 v29, v24;
	[tilespmem:s29+$0xFFFFFFB0] =	vst v23  }
0x15d: {  	v22 =	vmul.f32 v22, v3;
	v14 =	vmul.f32 v19, v14;
	v26 =	vadd.f32 v34, v26;
	[tilespmem:s29+$0x10] =	vst v31  }
0x15e: {  	v16 =	vmul.f32 v21, v16;
	v21 =	vsub.f32 v9, v30;
	v18 =	vadd.f32 v28, v18;
	[tilespmem:s29+$0xFFFFFFA0] =	vst v24  }
0x15f: {  	v15 =	vmul.f32 v22, v15;
	v14 =	vadd.f32 v25, v14;
	[tilespmem:s29+$0x40] =	vst v26  }
0x160: {  	v16 =	vadd.f32 v21, v16;
	v21 =	vsub.f32 v9, v32;
	[tilespmem:s29+$0xFFFFFF90] =	vst v18  }
0x161: {  	s0 =	sadd.s32 s5, s24;
	v15 =	vadd.f32 v17, v15;
	[tilespmem:s29+$0x0] =	vst v14  }
0x162: {  	s0 =	smul.u32 $0x640, s0;
	[tilespmem:s29+$0x70] =	vst v16;
	v16 =	vadd.f32 v21, v20  }
0x163: {  	p0 =	seq.s32 s22, $0x7;
	[tilespmem:s29+$0x50] =	vst v15  }
0x164: {  	s25 =	sshra.s32 @!p0 s25, $0x2;
	s0 =	sadd.s32 s4, s0;
	[tilespmem:s29+$0x30] =	vst v16  }
0x165: {  	[hbm4b:s0+s6] =	stream.linear.scatter [tilespmem:s3], [sflag:$0x5], $0x3200, $0x38;
	[tilespmem:$0x19500] =	vst v63  }
0x166: {  	s2 =	simm.s32 @!p0 $0x60;
	s8 =	simm.s32 @!p0 $0x3600;
	s0 =	sadd.s32 @!p0 $0x360, s25  }
0x167: {  	[tilespmem:s8], [sflag:$0x1] =	stream.indirect.gather @!p0 [hbm4b:s7+s2], $0x40, s0, s2, $0xb8;
	[tilespmem:$0x19500] =	vst v63  }
0x168: {  	s0 =	sadd.s32 @!p0 $0x3C0, s25;
	s2 =	simm.s32 @!p0 $0x68;
	s8 =	simm.s32 @!p0 $0x4E00  }
0x169: {  	[tilespmem:s8], [sflag:$0x1] =	stream.indirect.gather @!p0 [hbm4b:s7+s2], $0x40, s0, s2, $0xb8;
	[tilespmem:$0x19500] =	vst v63  }
0x16a: {  	_ =	swait.ge [sflag:s12], $0x1800  }
0x16b: {  	[sflag:s12] =	ssyncset.done $0x0  }
0x16c: {  	[sflag:s12] =	ssyncadd.s32 $0xFFFFE800  }
0x16d: {  	_ =	swait.ge [sflag:s12], $0x1A00  }
0x16e: {  	[sflag:s12] =	ssyncset.done $0x0  }
0x16f: {  	s0 =	simm.s32 @!p1 $0x6;
	[sflag:s12] =	ssyncadd.s32 $0xFFFFE600  }
0x170: {  	_ =	swait.ge @!p1 [sflag:s0], $0x3200  }
0x171: {  	[sflag:s0] =	ssyncset.done @!p1 $0x0  }
0x172: {  	s8 =	simm.s32 $0x16280;
	[sflag:s0] =	ssyncadd.s32 @!p1 $0xFFFFCE00  }
0x173: {  	s2 =	simm.s32 $0x6880;
	v14 =	vld [tilespmem:s8+$0xFFFFFFD0]  }
0x174: {  	v15 =	vld [tilespmem:s2+$0xFFFFFFC0]  }
0x175: {  	s26 =	sor.u32 $0x1, s24;
	v16 =	vld [tilespmem:s8+$0x10]  }
0x176: {  	s31 =	smul.u32 $0x360, s26;
	v17 =	vld [tilespmem:s2+$0x40]  }
0x177: {  	v18 =	vld [tilespmem:s8+$0x40]  }
0x178: {  	s28 =	simm.s32 $0x0;
	s0 =	sshra.s32 s31, $0x2;
	v19 =	vld [tilespmem:s8+$0xFFFFFFC0]  }
0x179: {  	s11 =	simm.s32 $0x1;
	s9 =	sand.u32 $0xF8, s28;
	s29 =	sadd.s32 $0x1B00, s0;
	v20 =	vld [tilespmem:s2+$0xFFFFFFD0]  }
0x17a: {  	s11 =	sand.u32 $0x5, s11;
	v22 =	vld [tilespmem:s8+$0xFFFFFFE0];
	s9 =	sadd.s32 s9, s29  }
0x17b: {  	v23 =	vld [tilespmem:s2+$0xFFFFFFE0];
	s0 =	sadd.s32 s11, s9  }
0x17c: {  	v21 =	vld [tilespmem:s0+$0x0]  }
0x17d: {  	v24 =	vld [tilespmem:s8+$0xFFFFFFF0]  }
0x17e: {  	v25 =	vld [tilespmem:s2+$0xFFFFFFF0]  }
0x17f: {  	s13 =	simm.s32 $0x2;
	v27 =	vld [tilespmem:s2+$0x10]  }
0x180: {  	v59 =	vld [tilespmem:s8+$0xFFFFFF80];
	s0 =	sand.u32 $0x6, s13  }
0x181: {  	v42 =	vld [tilespmem:s2+$0xFFFFFF80];
	s0 =	sadd.s32 s0, s9;
	v21 =	vperm.xlane v21, v0  }
0x182: {  	v26 =	vld [tilespmem:s0+$0x0];
	v14 =	vadd.f32 v14, v20  }
0x183: {  	v20 =	vld [tilespmem:s8+$0x0];
	v28 =	vadd.f32 v18, v17;
	v15 =	vadd.f32 v19, v15;
	v17 =	vmul.f32 v21, v10  }
0x184: {  	v18 =	vld [tilespmem:s2+$0x0];
	v22 =	vadd.f32 v22, v23;
	v19 =	vmul.f32 v21, v11;
	v23 =	vmul.f32 v21, v12  }
0x185: {  	s21 =	simm.s32 $0xFFFFFFFB;
	v29 =	vld [tilespmem:s8+$0x30];
	v17 =	vadd.f32 v15, v17;
	v15 =	vadd.f32 v24, v25;
	v24 =	vmul.f32 v21, v13  }
0x186: {  	s0 =	sand.u32 $0x7, s21;
	v16 =	vadd.f32 v16, v27;
	v25 =	vld [tilespmem:s8+$0x20];
	v21 =	vadd.f32 v14, v19  }
0x187: {  	s0 =	sadd.s32 s0, s9;
	v22 =	vadd.f32 v22, v23;
	v19 =	vld [tilespmem:s2+$0x20];
	v23 =	vadd.f32 v15, v24;
	v15 =	vperm.xlane v26, v0  }
0x188: {  	v35 =	vadd.f32 v59, v42;
	v27 =	vld [tilespmem:s0+$0x0];
	v14 =	vmul.f32 v17, v17;
	v30 =	vmul.f32 v21, v21  }
0x189: {  	v18 =	vadd.f32 v20, v18;
	v24 =	vld [tilespmem:s2+$0x30];
	v26 =	vadd.f32 v21, v17;
	v20 =	vmul.f32 v15, v10  }
0x18a: {  	v53 =	vld [tilespmem:s8+$0x70];
	v54 =	vmul.f32 v22, v22;
	v31 =	vmul.f32 v23, v23;
	v30 =	vadd.f32 v30, v14  }
0x18b: {  	v55 =	vld [tilespmem:s8+$0x50];
	v26 =	vadd.f32 v22, v26;
	v14 =	vadd.f32 v18, v20;
	v18 =	vmul.f32 v15, v11  }
0x18c: {  	v56 =	vld [tilespmem:s2+$0x50];
	v25 =	vadd.f32 v25, v19;
	v20 =	vmul.f32 v15, v12;
	v30 =	vadd.f32 v54, v30  }
0x18d: {  	v57 =	vld [tilespmem:s8+$0x60];
	v15 =	vmul.f32 v15, v13;
	v36 =	vadd.f32 v23, v26;
	v19 =	vadd.f32 v16, v18  }
0x18e: {  	s31 =	sand.u32 $0x4, s28;
	v26 =	vld [tilespmem:s2+$0x60];
	v20 =	vadd.f32 v25, v20;
	v18 =	vadd.f32 v29, v24;
	v24 =	vperm.xlane v27, v0  }
0x18f: {  	s0 =	sadd.s32 s31, s9;
	v16 =	vmul.f32 v14, v14;
	v27 =	vld [tilespmem:s2+$0x70];
	v29 =	vadd.f32 v31, v30;
	v30 =	vmul.f32 v19, v19  }
0x190: {  	v31 =	vld [tilespmem:s0+$0x0];
	v25 =	vadd.f32 v19, v14;
	v37 =	vmul.f32 v20, v20;
	v38 =	vmul.f32 v24, v10  }
0x191: {  	v18 =	vadd.f32 v18, v15;
	v15 =	vmul.f32 v24, v11;
	v16 =	vadd.f32 v30, v16  }
0x192: {  	v39 =	vld [tilespmem:s8+$0xFFFFFFA0];
	v58 =	vmul.f32 v24, v12;
	v30 =	vadd.f32 v55, v56;
	v41 =	vadd.f32 v20, v25  }
0x193: {  	v40 =	vld [tilespmem:s8+$0xFFFFFF90];
	v25 =	vadd.f32 v57, v26;
	v60 =	vmul.f32 v18, v18;
	v16 =	vadd.f32 v37, v16  }
0x194: {  	v24 =	vmul.f32 v24, v13;
	v26 =	vadd.f32 v28, v38;
	v28 =	vld [tilespmem:s2+$0xFFFFFFA0];
	v15 =	vadd.f32 v30, v15  }
0x195: {  	v30 =	vperm.xlane v31, v0;
	v31 =	vld [tilespmem:s2+$0xFFFFFF90];
	v33 =	vadd.f32 v60, v16;
	v16 =	vadd.f32 v53, v27  }
0x196: {  	v25 =	vadd.f32 v25, v58;
	v45 =	vadd.f32 v18, v41  }
0x197: {  	v63 =	vld [tilespmem:s8+$0xFFFFFFB0];
	v27 =	vmul.f32 v15, v15;
	v16 =	vadd.f32 v16, v24;
	v24 =	vmul.f32 v26, v26  }
0x198: {  	v43 =	vld [tilespmem:s2+$0xFFFFFFB0];
	v61 =	vmul.f32 v30, v11;
	v62 =	vadd.f32 v15, v26;
	v46 =	vmul.f32 v25, v25  }
0x199: {  	(xrf2) =	vadd.scan.msk.f32 $0xffff, v36;
	v47 =	vmul.f32 v30, v10;
	v28 =	vadd.f32 v39, v28;
	v24 =	vadd.f32 v27, v24  }
0x19a: {  	v48 =	vmul.f32 v30, v12;
	v34 =	vadd.f32 v25, v62;
	v31 =	vadd.f32 v40, v31  }
0x19b: {  	(xrf2) =	vadd.scan.msk.f32 $0xffff, v29;
	v30 =	vmul.f32 v30, v13;
	v27 =	vadd.f32 v35, v47;
	v29 =	vadd.f32 v46, v24  }
0x19c: {  	v49 =	vmul.f32 v16, v16;
	v24 =	vadd.f32 v28, v48;
	v28 =	vadd.f32 v31, v61  }
0x19d: {  	(xrf2) =	vadd.scan.msk.f32 $0xffff, v33;
	v34 =	vadd.f32 v16, v34;
	v31 =	vadd.f32 v63, v43;
	v50 =	vmul.f32 v27, v27  }
0x19e: {  	(xrf2) =	vadd.scan.msk.f32 $0xffff, v45;
	v29 =	vadd.f32 v49, v29;
	v51 =	vadd.f32 v28, v27;
	v52 =	vmul.f32 v28, v28  }
0x19f: {  	(xrf2) =	vadd.scan.msk.f32 $0xffff, v34;
	v30 =	vadd.f32 v31, v30  }
0x1a0: {  	v31 =	vmul.f32 v24, v24;
	v33 =	vadd.f32 v24, v51;
	v32 =	vadd.f32 v52, v50;
	(xrf2) =	vadd.scan.msk.f32 $0xffff, v29;
	_ =	sdelay $0x1  }
0x1a1: {  	v29 =	vmul.f32 v30, v30;
	v33 =	vadd.f32 v30, v33;
	v31 =	vadd.f32 v31, v32  }
0x1a2: {  	v53, _, _ =	vpop (xrf2)  }
0x1a3: {  	v29 =	vadd.f32 v29, v31;
	v31 =	vperm.xlane v53, v1;
	(xrf2) =	vadd.scan.msk.f32 $0xffff, v33  }
0x1a4: {  	v54, _, _ =	vpop (xrf2)  }
0x1a5: {  	v32 =	vperm.xlane v54, v1;
	v31 =	vmul.f32 $1.562500000e-02, v31  }
0x1a6: {  	v55, _, _ =	vpop (xrf2);
	(xrf2) =	vadd.scan.msk.f32 $0xffff, v29  }
0x1a7: {  	v32 =	vmul.f32 $1.562500000e-02, v32;
	v29, _, _ =	vpop (xrf2);
	v57 =	vmul.f32 v31, v31  }
0x1a8: {  	v56, _, _ =	vpop (xrf2)  }
0x1a9: {  	v33 =	vperm.xlane v55, v1;
	v29 =	vperm.xlane v29, v1;
	v32 =	vsub.f32 v32, v57;
	v58, _, _ =	vpop (xrf2)  }
0x1aa: {  	v34 =	vperm.xlane v56, v1;
	v35 =	vperm.xlane v58, v1  }
0x1ab: {  	v33 =	vmul.f32 $1.562500000e-02, v33;
	v29 =	vmul.f32 $1.562500000e-02, v29;
	v32 =	vadd.f32 $9.999999740e-06, v32  }
0x1ac: {  	v34 =	vmul.f32 $1.562500000e-02, v34;
	v35 =	vmul.f32 $1.562500000e-02, v35  }
0x1ad: {  	v63 =	vmul.f32 v29, v29;
	v60 =	vshra.s32 v32, $0x1;
	v32 =	vmul.f32 $5.000000000e-01, v32;
	v61, _, _ =	vpop (xrf2)  }
0x1ae: {  	v59 =	vmul.f32 v34, v34;
	v38 =	vperm.xlane v61, v1;
	v37 =	vsub.s32 $0x5F3759DF, v60  }
0x1af: {  	v62 =	vmul.f32 v37, v32  }
0x1b0: {  	v33 =	vsub.f32 v33, v63;
	v35 =	vsub.f32 v35, v59;
	v44, _, _ =	vpop (xrf2);
	v38 =	vmul.f32 $1.562500000e-02, v38  }
0x1b1: {  	v40 =	vperm.xlane v44, v1;
	v36 =	vmul.f32 v37, v62  }
0x1b2: {  	v33 =	vadd.f32 $9.999999740e-06, v33;
	v35 =	vadd.f32 $9.999999740e-06, v35  }
0x1b3: {  	v45 =	vmul.f32 $1.562500000e-02, v40;
	v46 =	vmul.f32 v38, v38;
	v36 =	vsub.f32 $1.500000000e+00, v36  }
0x1b4: {  	v49 =	vshra.s32 v33, $0x1;
	v47 =	vshra.s32 v35, $0x1;
	v35 =	vmul.f32 $5.000000000e-01, v35  }
0x1b5: {  	v33 =	vmul.f32 $5.000000000e-01, v33;
	v48 =	vsub.s32 $0x5F3759DF, v47;
	v36 =	vmul.f32 v37, v36  }
0x1b6: {  	v39 =	vsub.f32 v45, v46;
	v37 =	vsub.s32 $0x5F3759DF, v49;
	v41 =	vmul.f32 v48, v35  }
0x1b7: {  	v50 =	vmul.f32 v37, v33;
	v32 =	vmul.f32 v36, v32  }
0x1b8: {  	v39 =	vadd.f32 $9.999999740e-06, v39;
	v41 =	vmul.f32 v48, v41  }
0x1b9: {  	v42 =	vmul.f32 v37, v50;
	v32 =	vmul.f32 v32, v36  }
0x1ba: {  	v51 =	vshra.s32 v39, $0x1;
	v39 =	vmul.f32 $5.000000000e-01, v39;
	v41 =	vsub.f32 $1.500000000e+00, v41  }
0x1bb: {  	v43 =	vsub.s32 $0x5F3759DF, v51;
	v42 =	vsub.f32 $1.500000000e+00, v42;
	v32 =	vsub.f32 $1.500000000e+00, v32  }
0x1bc: {  	v44 =	vmul.f32 v43, v39;
	v40 =	vmul.f32 v48, v41  }
0x1bd: {  	v52 =	vmul.f32 v37, v42;
	v32 =	vmul.f32 v32, v36  }
0x1be: {  	v44 =	vmul.f32 v43, v44;
	v35 =	vmul.f32 v40, v35  }
0x1bf: {  	v33 =	vmul.f32 v52, v33;
	v31 =	vmul.f32 v32, v31  }
0x1c0: {  	v53 =	vsub.f32 $1.500000000e+00, v44;
	v54 =	vmul.f32 v32, v5;
	v55 =	vmul.f32 v32, v4  }
0x1c1: {  	v35 =	vmul.f32 v35, v40;
	v58 =	vmul.f32 v32, v3  }
0x1c2: {  	v32 =	vmul.f32 v32, v2;
	v37 =	vmul.f32 v43, v53  }
0x1c3: {  	v33 =	vmul.f32 v33, v52;
	v56 =	vmul.f32 v31, v2  }
0x1c4: {  	v57 =	vmul.f32 v31, v3;
	v45 =	vmul.f32 v31, v4  }
0x1c5: {  	v31 =	vmul.f32 v31, v5;
	v35 =	vsub.f32 $1.500000000e+00, v35;
	v23 =	vmul.f32 v54, v23  }
0x1c6: {  	v42 =	vmul.f32 v55, v22;
	v39 =	vmul.f32 v37, v39  }
0x1c7: {  	v59 =	vmul.f32 v58, v21;
	v33 =	vsub.f32 $1.500000000e+00, v33;
	v22 =	vmul.f32 v35, v40  }
0x1c8: {  	v17 =	vmul.f32 v32, v17;
	v60 =	vsub.f32 v7, v57;
	v39 =	vmul.f32 v39, v37  }
0x1c9: {  	v31 =	vsub.f32 v9, v31;
	v36 =	vmul.f32 v33, v52;
	v21 =	vmul.f32 v22, v5  }
0x1ca: {  	v43 =	vsub.f32 v6, v56;
	v40 =	vmul.f32 v22, v2;
	v50 =	vmul.f32 v22, v4  }
0x1cb: {  	v31 =	vadd.f32 v31, v23;
	v32 =	vmul.f32 v22, v34;
	v53 =	vmul.f32 v36, v29  }
0x1cc: {  	v39 =	vsub.f32 $1.500000000e+00, v39;
	v54 =	vmul.f32 v36, v3;
	v56 =	vmul.f32 v36, v4  }
0x1cd: {  	v35 =	vadd.f32 v60, v59;
	v41 =	vmul.f32 v50, v25;
	v59 =	vmul.f32 v32, v3  }
0x1ce: {  	s30 =	simm.s32 $0x13080;
	v34 =	vmul.f32 v32, v2;
	v37 =	vmul.f32 v39, v37  }
0x1cf: {  	[tilespmem:s30+$0xFFFFFFF0] =	vst v31;
	v57 =	vmul.f32 v53, v4;
	v31 =	vmul.f32 v54, v19  }
0x1d0: {  	v62 =	vsub.f32 v8, v45;
	v19 =	vmul.f32 v32, v4;
	v20 =	vmul.f32 v56, v20  }
0x1d1: {  	v17 =	vadd.f32 v43, v17;
	v60 =	vmul.f32 v53, v3;
	v33 =	vmul.f32 v53, v5  }
0x1d2: {  	v51 =	vadd.f32 v62, v42;
	v38 =	vmul.f32 v37, v38;
	v61 =	vmul.f32 v37, v3  }
0x1d3: {  	[tilespmem:s30+$0xFFFFFFC0] =	vst v17;
	v17 =	vsub.f32 v7, v59;
	v63 =	vmul.f32 v37, v2;
	v48 =	vmul.f32 v37, v5  }
0x1d4: {  	v37 =	vmul.f32 v37, v4;
	v62 =	vsub.f32 v8, v19;
	v19 =	vmul.f32 v36, v2  }
0x1d5: {  	v58 =	vsub.f32 v8, v57;
	v49 =	vmul.f32 v38, v2;
	v23 =	vmul.f32 v61, v28  }
0x1d6: {  	[tilespmem:s30+$0xFFFFFFD0] =	vst v35;
	v35 =	vsub.f32 v7, v60;
	v28 =	vmul.f32 v38, v4;
	v45 =	vmul.f32 v63, v27  }
0x1d7: {  	v27 =	vmul.f32 v40, v26;
	v26 =	vmul.f32 v48, v30;
	v25 =	vsub.f32 v6, v49  }
0x1d8: {  	v52 =	vmul.f32 v38, v5;
	v30 =	vmul.f32 v38, v3;
	v63 =	vadd.f32 v58, v20  }
0x1d9: {  	[tilespmem:s30+$0xFFFFFFE0] =	vst v51;
	v61 =	vmul.f32 v36, v5;
	v55 =	vadd.f32 v25, v45;
	v25 =	vmul.f32 v53, v2  }
0x1da: {  	v20 =	vmul.f32 v37, v24;
	v24 =	vadd.f32 v62, v41;
	v29 =	vsub.f32 v8, v28;
	[tilespmem:s30+$0x20] =	vst v63  }
0x1db: {  	s9 =	simm.s32 $0x6980;
	s8 =	simm.s32 $0x16380;
	s2 =	simm.s32 $0x13180;
	v28 =	vsub.f32 v9, v52;
	v18 =	vmul.f32 v61, v18;
	v25 =	vsub.f32 v6, v25;
	[tilespmem:s30+$0xFFFFFF80] =	vst v55  }
.LBB2_13:
0x1dc: {  	s0 =	sadd.s32 $0x6, s28  }
0x1dd: {  	v36 =	vld [tilespmem:s8+$0xFFFFFFD0];
	s11 =	sadd.s32 $0xFFFFFFFF, s28;
	v33 =	vsub.f32 v9, v33;
	v34 =	vsub.f32 v6, v34;
	v32 =	vmul.f32 v32, v5;
	s13 =	smov.u32 s28;
	s28 =	sadd.s32 $0x4, s28  }
0x1de: {  	v22 =	vmul.f32 v22, v3;
	s21 =	sand.u32 $0xF8, s28;
	s13 =	sadd.s32 $0x5, s13;
	v37 =	vld [tilespmem:s9+$0xFFFFFFC0];
	s31 =	sand.u32 $0x7, s11;
	v20 =	vadd.f32 v29, v20;
	v29 =	vadd.f32 v35, v31  }
0x1df: {  	v16 =	vmul.f32 v21, v16;
	s11 =	sand.u32 $0x4, s28;
	s21 =	sadd.s32 s21, s29;
	s13 =	sand.u32 $0x5, s13;
	v31 =	vld [tilespmem:s8+$0x10];
	v27 =	vadd.f32 v34, v27;
	[tilespmem:s30+$0x60] =	vst v24;
	v21 =	vsub.f32 v9, v32  }
0x1e0: {  	v30 =	vsub.f32 v7, v30;
	v26 =	vadd.f32 v28, v26;
	s0 =	sand.u32 $0x6, s0;
	v15 =	vmul.f32 v22, v15;
	s11 =	sadd.s32 s11, s21;
	s13 =	sadd.s32 s13, s21;
	v24 =	vld [tilespmem:s9+$0x40];
	[tilespmem:s30+$0x10] =	vst v29  }
0x1e1: {  	p1 =	slt.u32 s28, $0xC4;
	s0 =	sadd.s32 s0, s21;
	s21 =	sadd.s32 s31, s21;
	v22 =	vld [tilespmem:s8+$0x40];
	[tilespmem:s30+$0x40] =	vst v27;
	v16 =	vadd.f32 v21, v16  }
0x1e2: {  	v23 =	vadd.f32 v30, v23;
	v18 =	vadd.f32 v33, v18;
	v21 =	vld [tilespmem:s8+$0xFFFFFFC0];
	[tilespmem:s30+$0xFFFFFFA0] =	vst v20  }
0x1e3: {  	v14 =	vmul.f32 v19, v14;
	v20 =	vld [tilespmem:s9+$0xFFFFFFD0];
	[tilespmem:s30+$0x70] =	vst v16  }
0x1e4: {  	v16 =	vld [tilespmem:s13+$0x0];
	[tilespmem:s30+$0xFFFFFFB0] =	vst v26  }
0x1e5: {  	v14 =	vadd.f32 v25, v14;
	v19 =	vld [tilespmem:s8+$0xFFFFFFE0];
	[tilespmem:s30+$0xFFFFFF90] =	vst v23  }
0x1e6: {  	v15 =	vadd.f32 v17, v15;
	v23 =	vld [tilespmem:s9+$0xFFFFFFE0];
	[tilespmem:s30+$0x30] =	vst v18  }
0x1e7: {  	v17 =	vld [tilespmem:s8+$0xFFFFFFF0];
	[tilespmem:s30+$0x0] =	vst v14  }
0x1e8: {  	v14 =	vadd.f32 v36, v20;
	v20 =	vld [tilespmem:s9+$0xFFFFFFF0];
	[tilespmem:s30+$0x50] =	vst v15;
	s30 =	smov.u32 s2  }
0x1e9: {  	v24 =	vadd.f32 v22, v24;
	v15 =	vperm.xlane v16, v0;
	v16 =	vld [tilespmem:s0+$0x0]  }
0x1ea: {  	v18 =	vadd.f32 v21, v37;
	v25 =	vld [tilespmem:s9+$0x10]  }
0x1eb: {  	v21 =	vmul.f32 v15, v10;
	v22 =	vmul.f32 v15, v11;
	v19 =	vadd.f32 v19, v23;
	v26 =	vld [tilespmem:s8+$0x0]  }
0x1ec: {  	v23 =	vmul.f32 v15, v12;
	v27 =	vld [tilespmem:s9+$0x0]  }
0x1ed: {  	v15 =	vmul.f32 v15, v13;
	v18 =	vadd.f32 v18, v21;
	v17 =	vadd.f32 v17, v20;
	v20 =	vld [tilespmem:s8+$0x30]  }
0x1ee: {  	v21 =	vadd.f32 v14, v22;
	v22 =	vadd.f32 v19, v23;
	v19 =	vld [tilespmem:s8+$0x20]  }
0x1ef: {  	v23 =	vadd.f32 v17, v15;
	v14 =	vmul.f32 v18, v18;
	v15 =	vperm.xlane v16, v0;
	v16 =	vld [tilespmem:s9+$0x20]  }
0x1f0: {  	v17 =	vadd.f32 v21, v18;
	v28 =	vmul.f32 v21, v21;
	v25 =	vadd.f32 v31, v25;
	v29 =	vld [tilespmem:s9+$0x30]  }
0x1f1: {  	v30 =	vmul.f32 v23, v23;
	v26 =	vadd.f32 v26, v27;
	v27 =	vmul.f32 v15, v10;
	v31 =	vld [tilespmem:s21+$0x0]  }
0x1f2: {  	v32 =	vmul.f32 v22, v22;
	v17 =	vadd.f32 v22, v17;
	v28 =	vadd.f32 v28, v14;
	v33 =	vld [tilespmem:s8+$0x70]  }
0x1f3: {  	v14 =	vadd.f32 v26, v27;
	v26 =	vmul.f32 v15, v11;
	v27 =	vmul.f32 v15, v12;
	v34 =	vld [tilespmem:s8+$0x50]  }
0x1f4: {  	v28 =	vadd.f32 v32, v28;
	v15 =	vmul.f32 v15, v13;
	v16 =	vadd.f32 v19, v16;
	v32 =	vld [tilespmem:s9+$0x50]  }
0x1f5: {  	v35 =	vadd.f32 v23, v17;
	v17 =	vadd.f32 v25, v26;
	v25 =	vmul.f32 v14, v14;
	v26 =	vld [tilespmem:s8+$0x60]  }
0x1f6: {  	v19 =	vadd.f32 v16, v27;
	v16 =	vadd.f32 v20, v29;
	v27 =	vperm.xlane v31, v0;
	v29 =	vld [tilespmem:s9+$0x60]  }
0x1f7: {  	v28 =	vadd.f32 v30, v28;
	v30 =	vadd.f32 v17, v14;
	v31 =	vmul.f32 v17, v17;
	v36 =	vld [tilespmem:s9+$0x70];
	(xrf2) =	vadd.scan.msk.f32 $0xffff, v35  }
0x1f8: {  	v35 =	vld [tilespmem:s11+$0x0];
	v37 =	vmul.f32 v19, v19;
	v38 =	vmul.f32 v27, v10  }
0x1f9: {  	v20 =	vadd.f32 v16, v15;
	v15 =	vmul.f32 v27, v11;
	v16 =	vmul.f32 v27, v13;
	v39 =	vld [tilespmem:s8+$0xFFFFFFA0]  }
0x1fa: {  	v27 =	vmul.f32 v27, v12;
	v25 =	vadd.f32 v31, v25;
	v31 =	vadd.f32 v34, v32;
	v40 =	vld [tilespmem:s8+$0xFFFFFF90];
	(xrf2) =	vadd.scan.msk.f32 $0xffff, v28  }
0x1fb: {  	v30 =	vadd.f32 v19, v30;
	v32 =	vmul.f32 v20, v20;
	v28 =	vld [tilespmem:s8+$0xFFFFFF80];
	v29 =	vadd.f32 v26, v29  }
0x1fc: {  	v37 =	vadd.f32 v37, v25;
	v15 =	vadd.f32 v31, v15;
	v34 =	vld [tilespmem:s9+$0xFFFFFF80]  }
0x1fd: {  	v26 =	vadd.f32 v24, v38;
	v31 =	vperm.xlane v35, v0;
	v35 =	vld [tilespmem:s9+$0xFFFFFF90];
	v25 =	vadd.f32 v29, v27  }
0x1fe: {  	v27 =	vadd.f32 v32, v37;
	v29 =	vadd.f32 v33, v36;
	v32 =	vmul.f32 v15, v15;
	v24 =	vld [tilespmem:s9+$0xFFFFFFA0]  }
0x1ff: {  	v42 =	vadd.f32 v15, v26;
	v33 =	vmul.f32 v31, v11;
	v36 =	vld [tilespmem:s8+$0xFFFFFFB0];
	v38 =	vmul.f32 v25, v25  }
0x200: {  	v30 =	vadd.f32 v20, v30;
	v16 =	vadd.f32 v29, v16;
	v29 =	vmul.f32 v26, v26;
	v41 =	vld [tilespmem:s9+$0xFFFFFFB0];
	(xrf2) =	vadd.scan.msk.f32 $0xffff, v27  }
0x201: {  	v27 =	vadd.f32 v28, v34;
	v28 =	vmul.f32 v31, v10;
	v34 =	vadd.f32 v25, v42;
	v37, _, _ =	vpop (xrf2)  }
0x202: {  	v29 =	vadd.f32 v32, v29;
	v35 =	vadd.f32 v40, v35;
	v40 =	vmul.f32 v31, v12  }
0x203: {  	v24 =	vadd.f32 v39, v24;
	v32 =	vadd.f32 v16, v34  }
0x204: {  	v27 =	vadd.f32 v27, v28;
	v28 =	vadd.f32 v38, v29;
	v34 =	vmul.f32 v16, v16;
	v38, _, _ =	vpop (xrf2);
	(xrf2) =	vadd.scan.msk.f32 $0xffff, v30  }
0x205: {  	v31 =	vmul.f32 v31, v13;
	v24 =	vadd.f32 v24, v40;
	v30 =	vadd.f32 v36, v41  }
0x206: {  	v29 =	vadd.f32 v35, v33;
	v33 =	vmul.f32 v27, v27;
	v34 =	vadd.f32 v34, v28  }
0x207: {  	v28 =	vadd.f32 v30, v31;
	(xrf2) =	vadd.scan.msk.f32 $0xffff, v32  }
0x208: {  	v30 =	vadd.f32 v29, v27;
	v31 =	vmul.f32 v29, v29;
	v32 =	vmul.f32 v24, v24;
	_ =	sdelay $0x1  }
0x209: {  	v30 =	vadd.f32 v24, v30;
	v31 =	vadd.f32 v31, v33;
	v33 =	vmul.f32 v28, v28;
	v35, _, _ =	vpop (xrf2);
	(xrf2) =	vadd.scan.msk.f32 $0xffff, v34  }
0x20a: {  	v35 =	vperm.xlane v35, v1  }
0x20b: {  	v30 =	vadd.f32 v28, v30;
	v31 =	vadd.f32 v32, v31  }
0x20c: {  	v32 =	vmul.f32 $1.562500000e-02, v35  }
0x20d: {  	v35 =	vadd.f32 v33, v31;
	v33 =	vperm.xlane v37, v1;
	(xrf2) =	vadd.scan.msk.f32 $0xffff, v30;
	v34, _, _ =	vpop (xrf2)  }
0x20e: {  	v30 =	vperm.xlane v38, v1  }
0x20f: {  	v33 =	vmul.f32 $1.562500000e-02, v33  }
0x210: {  	v36 =	vmul.f32 $1.562500000e-02, v30;
	(xrf2) =	vadd.scan.msk.f32 $0xffff, v35;
	v31, _, _ =	vpop (xrf2)  }
0x211: {  	v35 =	vmul.f32 v33, v33  }
0x212: {  	v31 =	vperm.xlane v31, v1  }
0x213: {  	v35 =	vsub.f32 v36, v35;
	v30, _, _ =	vpop (xrf2)  }
0x214: {  	v36 =	vperm.xlane v30, v1;
	v30 =	vmul.f32 $1.562500000e-02, v31  }
0x215: {  	v39 =	vperm.xlane v34, v1;
	v31 =	vadd.f32 $9.999999740e-06, v35  }
0x216: {  	v35 =	vmul.f32 $1.562500000e-02, v36;
	v36 =	vmul.f32 v30, v30  }
0x217: {  	v37 =	vshra.s32 v31, $0x1;
	v38 =	vmul.f32 $5.000000000e-01, v31;
	v31 =	vmul.f32 $1.562500000e-02, v39;
	v34, _, _ =	vpop (xrf2)  }
0x218: {  	v37 =	vsub.s32 $0x5F3759DF, v37;
	v34 =	vperm.xlane v34, v1;
	v35 =	vsub.f32 v35, v36  }
0x219: {  	v36 =	vmul.f32 v37, v38;
	v39 =	vmul.f32 v31, v31  }
0x21a: {  	v34 =	vmul.f32 $1.562500000e-02, v34;
	v35 =	vadd.f32 $9.999999740e-06, v35;
	v40, _, _ =	vpop (xrf2)  }
0x21b: {  	v36 =	vmul.f32 v37, v36;
	v32 =	vsub.f32 v32, v39;
	v40 =	vperm.xlane v40, v1  }
0x21c: {  	v39 =	vshra.s32 v35, $0x1  }
0x21d: {  	v36 =	vsub.f32 $1.500000000e+00, v36;
	v32 =	vadd.f32 $9.999999740e-06, v32;
	v35 =	vmul.f32 $5.000000000e-01, v35  }
0x21e: {  	v41 =	vmul.f32 v34, v34;
	v40 =	vmul.f32 $1.562500000e-02, v40;
	v39 =	vsub.s32 $0x5F3759DF, v39  }
0x21f: {  	v36 =	vmul.f32 v37, v36;
	v37 =	vshra.s32 v32, $0x1;
	v32 =	vmul.f32 $5.000000000e-01, v32  }
0x220: {  	v40 =	vsub.f32 v40, v41;
	v37 =	vsub.s32 $0x5F3759DF, v37;
	v41 =	vmul.f32 v39, v35  }
0x221: {  	v38 =	vmul.f32 v36, v38;
	v42 =	vmul.f32 v37, v32  }
0x222: {  	v40 =	vadd.f32 $9.999999740e-06, v40;
	v41 =	vmul.f32 v39, v41  }
0x223: {  	v38 =	vmul.f32 v38, v36;
	v42 =	vmul.f32 v37, v42  }
0x224: {  	v43 =	vshra.s32 v40, $0x1;
	v40 =	vmul.f32 $5.000000000e-01, v40;
	v41 =	vsub.f32 $1.500000000e+00, v41  }
0x225: {  	v43 =	vsub.s32 $0x5F3759DF, v43;
	v38 =	vsub.f32 $1.500000000e+00, v38;
	v42 =	vsub.f32 $1.500000000e+00, v42  }
0x226: {  	v44 =	vmul.f32 v43, v40;
	v39 =	vmul.f32 v39, v41  }
0x227: {  	v36 =	vmul.f32 v38, v36;
	v37 =	vmul.f32 v37, v42  }
0x228: {  	v38 =	vmul.f32 v43, v44;
	v35 =	vmul.f32 v39, v35  }
0x229: {  	v33 =	vmul.f32 v36, v33;
	v41 =	vmul.f32 v36, v5  }
0x22a: {  	v42 =	vmul.f32 v36, v4;
	v38 =	vsub.f32 $1.500000000e+00, v38  }
0x22b: {  	v35 =	vmul.f32 v35, v39;
	v44 =	vmul.f32 v33, v2  }
0x22c: {  	v38 =	vmul.f32 v43, v38;
	v43 =	vmul.f32 v33, v3  }
0x22d: {  	v45 =	vmul.f32 v33, v4;
	v33 =	vmul.f32 v33, v5;
	v44 =	vsub.f32 v6, v44  }
0x22e: {  	v23 =	vmul.f32 v41, v23;
	v40 =	vmul.f32 v38, v40;
	v43 =	vsub.f32 v7, v43  }
0x22f: {  	v41 =	vmul.f32 v36, v3;
	v45 =	vsub.f32 v8, v45;
	v33 =	vsub.f32 v9, v33  }
0x230: {  	v42 =	vmul.f32 v42, v22;
	v22 =	vsub.f32 $1.500000000e+00, v35;
	v40 =	vmul.f32 v40, v38  }
0x231: {  	v21 =	vmul.f32 v41, v21;
	v23 =	vadd.f32 v33, v23  }
0x232: {  	v22 =	vmul.f32 v22, v39;
	v33 =	vsub.f32 $1.500000000e+00, v40  }
0x233: {  	v35 =	vadd.f32 v43, v21;
	[tilespmem:s2+$0xFFFFFFF0] =	vst v23;
	v23 =	vmul.f32 v37, v32  }
0x234: {  	v21 =	vmul.f32 v22, v5;
	v33 =	vmul.f32 v33, v38;
	v32 =	vadd.f32 v45, v42  }
0x235: {  	v36 =	vmul.f32 v36, v2;
	[tilespmem:s2+$0xFFFFFFD0] =	vst v35;
	v35 =	vmul.f32 v22, v2  }
0x236: {  	v34 =	vmul.f32 v33, v34;
	v38 =	vmul.f32 v33, v3;
	[tilespmem:s2+$0xFFFFFFE0] =	vst v32  }
0x237: {  	v18 =	vmul.f32 v36, v18;
	v32 =	vmul.f32 v33, v2  }
0x238: {  	v36 =	vmul.f32 v33, v5;
	v39 =	vmul.f32 v23, v37  }
0x239: {  	v18 =	vadd.f32 v44, v18;
	v40 =	vmul.f32 v34, v2;
	v23 =	vmul.f32 v38, v29  }
0x23a: {  	v29 =	vmul.f32 v34, v4;
	v38 =	vsub.f32 $1.500000000e+00, v39;
	v39 =	vmul.f32 v22, v4  }
0x23b: {  	v32 =	vmul.f32 v32, v27;
	v27 =	vmul.f32 v35, v26;
	v40 =	vsub.f32 v6, v40  }
0x23c: {  	v26 =	vmul.f32 v36, v28;
	v29 =	vsub.f32 v8, v29;
	v35 =	vmul.f32 v38, v37  }
0x23d: {  	v36 =	vmul.f32 v39, v25;
	v28 =	vadd.f32 v40, v32;
	v32 =	vmul.f32 v22, v30;
	[tilespmem:s2+$0xFFFFFFC0] =	vst v18  }
0x23e: {  	v37 =	vmul.f32 v35, v31;
	v18 =	vmul.f32 v34, v5  }
0x23f: {  	v38 =	vmul.f32 v33, v4;
	v31 =	vmul.f32 v35, v3;
	[tilespmem:s2+$0xFFFFFF80] =	vst v28  }
0x240: {  	v30 =	vmul.f32 v34, v3;
	v28 =	vsub.f32 v9, v18;
	v18 =	vmul.f32 v37, v2  }
0x241: {  	v33 =	vmul.f32 v35, v4;
	v34 =	vmul.f32 v37, v4  }
0x242: {  	v31 =	vmul.f32 v31, v17;
	v17 =	vmul.f32 v32, v4;
	v25 =	vsub.f32 v6, v18  }
.Ltmp7:
0x243: {  	v39 =	vmul.f32 v32, v3;
	v18 =	vmul.f32 v33, v19;
	v19 =	vsub.f32 v8, v34;
	(pc) =	sbr.rel @p1 .LBB2_13-.Ltmp7, $4  }
0x244: {  	v41 =	vmul.f32 v35, v5;
	v40 =	vmul.f32 v37, v3;
	v42 =	vsub.f32 v8, v17  }
0x245: {  	v33 =	vmul.f32 v37, v5;
	v34 =	vmul.f32 v32, v2;
	v43 =	vadd.f32 v19, v18  }
0x246: {  	v17 =	vsub.f32 v7, v39;
	v19 =	vmul.f32 v35, v2;
	v18 =	vmul.f32 v41, v20  }
0x247: {  	s8 =	sadd.s32 $0x100, s8;
	s9 =	sadd.s32 $0x100, s9;
	s2 =	sadd.s32 $0x100, s2;
	v20 =	vmul.f32 v38, v24;
	v35 =	vsub.f32 v7, v40;
	v24 =	vadd.f32 v42, v36;
	[tilespmem:s30+$0x20] =	vst v43  }
0x248: {  	v26 =	vadd.f32 v28, v26  }
0x249: {  	v34 =	vsub.f32 v6, v34;
	v31 =	vadd.f32 v35, v31;
	[tilespmem:s30+$0x60] =	vst v24  }
0x24a: {  	v32 =	vmul.f32 v32, v5;
	v14 =	vmul.f32 v19, v14;
	v20 =	vadd.f32 v29, v20;
	[tilespmem:s30+$0xFFFFFFB0] =	vst v26  }
0x24b: {  	v22 =	vmul.f32 v22, v3;
	v24 =	vsub.f32 v7, v30;
	v27 =	vadd.f32 v34, v27;
	[tilespmem:s30+$0x10] =	vst v31  }
0x24c: {  	v16 =	vmul.f32 v21, v16;
	v21 =	vsub.f32 v9, v32;
	v14 =	vadd.f32 v25, v14;
	[tilespmem:s30+$0xFFFFFFA0] =	vst v20  }
0x24d: {  	v15 =	vmul.f32 v22, v15;
	v20 =	vadd.f32 v24, v23;
	[tilespmem:s30+$0x40] =	vst v27  }
0x24e: {  	v16 =	vadd.f32 v21, v16;
	v21 =	vsub.f32 v9, v33;
	[tilespmem:s30+$0x0] =	vst v14  }
0x24f: {  	s0 =	sadd.s32 s5, s26;
	v15 =	vadd.f32 v17, v15;
	[tilespmem:s30+$0xFFFFFF90] =	vst v20  }
0x250: {  	s0 =	smul.u32 $0x640, s0;
	[tilespmem:s30+$0x70] =	vst v16;
	v16 =	vadd.f32 v21, v18  }
0x251: {  	[tilespmem:s30+$0x50] =	vst v15  }
0x252: {  	s0 =	sadd.s32 s4, s0;
	[tilespmem:s30+$0x30] =	vst v16  }
0x253: {  	[hbm4b:s0+s6] =	stream.linear.scatter [tilespmem:s14], [sflag:$0x6], $0x3200, $0x38;
	[tilespmem:$0x19500] =	vst v63  }
0x254: {  	s2 =	simm.s32 @!p0 $0x60;
	s8 =	simm.s32 @!p0 $0x6800;
	s0 =	sadd.s32 @!p0 $0x438, s25  }
0x255: {  	[tilespmem:s8], [sflag:$0x2] =	stream.indirect.gather @!p0 [hbm4b:s7+s2], $0x40, s0, s2, $0xb8;
	[tilespmem:$0x19500] =	vst v63  }
0x256: {  	s0 =	sadd.s32 @!p0 $0x498, s25;
	s2 =	simm.s32 @!p0 $0x68;
	s8 =	simm.s32 @!p0 $0x8000  }
0x257: {  	[tilespmem:s8], [sflag:$0x2] =	stream.indirect.gather @!p0 [hbm4b:s7+s2], $0x40, s0, s2, $0xb8;
	[tilespmem:$0x19500] =	vst v63  }
0x258: {  	_ =	swait.ge [sflag:s15], $0x1800  }
0x259: {  	[sflag:s15] =	ssyncset.done $0x0  }
0x25a: {  	[sflag:s15] =	ssyncadd.s32 $0xFFFFE800  }
0x25b: {  	_ =	swait.ge [sflag:s15], $0x1A00  }
0x25c: {  	[sflag:s15] =	ssyncset.done $0x0  }
0x25d: {  	[sflag:s15] =	ssyncadd.s32 $0xFFFFE600  }
0x25e: {  	_ =	swait.ge [sflag:s16], $0x3200  }
0x25f: {  	[sflag:s16] =	ssyncset.done $0x0  }
0x260: {  	s8 =	simm.s32 $0x16280;
	[sflag:s16] =	ssyncadd.s32 $0xFFFFCE00  }
0x261: {  	s26 =	sor.u32 $0x2, s24;
	s2 =	simm.s32 $0x9A80;
	v14 =	vld [tilespmem:s8+$0xFFFFFFD0]  }
0x262: {  	s31 =	smul.u32 $0x360, s26;
	v15 =	vld [tilespmem:s2+$0xFFFFFFC0]  }
0x263: {  	v16 =	vld [tilespmem:s8+$0x10]  }
0x264: {  	s28 =	simm.s32 $0x0;
	s0 =	sshra.s32 s31, $0x2;
	v17 =	vld [tilespmem:s2+$0x40]  }
0x265: {  	s11 =	simm.s32 $0x1;
	s9 =	sand.u32 $0xF8, s28;
	s29 =	sadd.s32 $0x1B00, s0;
	v18 =	vld [tilespmem:s8+$0x40]  }
0x266: {  	s11 =	sand.u32 $0x5, s11;
	s9 =	sadd.s32 s9, s29;
	v19 =	vld [tilespmem:s8+$0xFFFFFFC0]  }
0x267: {  	s0 =	sadd.s32 s11, s9;
	v20 =	vld [tilespmem:s2+$0xFFFFFFD0]  }
0x268: {  	v21 =	vld [tilespmem:s0+$0x0]  }
0x269: {  	v22 =	vld [tilespmem:s8+$0xFFFFFFE0]  }
0x26a: {  	v23 =	vld [tilespmem:s2+$0xFFFFFFE0]  }
0x26b: {  	v24 =	vld [tilespmem:s8+$0xFFFFFFF0]  }
0x26c: {  	v25 =	vld [tilespmem:s2+$0xFFFFFFF0]  }
0x26d: {  	s13 =	simm.s32 $0x2;
	v27 =	vld [tilespmem:s2+$0x10]  }
0x26e: {  	s0 =	sand.u32 $0x6, s13;
	v59 =	vld [tilespmem:s8+$0xFFFFFF80]  }
0x26f: {  	v42 =	vld [tilespmem:s2+$0xFFFFFF80];
	s0 =	sadd.s32 s0, s9;
	v21 =	vperm.xlane v21, v0  }
0x270: {  	v26 =	vld [tilespmem:s0+$0x0];
	v14 =	vadd.f32 v14, v20  }
0x271: {  	v20 =	vld [tilespmem:s8+$0x0];
	v28 =	vadd.f32 v18, v17;
	v15 =	vadd.f32 v19, v15;
	v17 =	vmul.f32 v21, v10  }
0x272: {  	v18 =	vld [tilespmem:s2+$0x0];
	v22 =	vadd.f32 v22, v23;
	v19 =	vmul.f32 v21, v11;
	v23 =	vmul.f32 v21, v12  }
0x273: {  	s21 =	simm.s32 $0xFFFFFFFB;
	v29 =	vld [tilespmem:s8+$0x30];
	v17 =	vadd.f32 v15, v17;
	v15 =	vadd.f32 v24, v25;
	v24 =	vmul.f32 v21, v13  }
0x274: {  	s0 =	sand.u32 $0x7, s21;
	v16 =	vadd.f32 v16, v27;
	v25 =	vld [tilespmem:s8+$0x20];
	v21 =	vadd.f32 v14, v19  }
0x275: {  	s0 =	sadd.s32 s0, s9;
	v22 =	vadd.f32 v22, v23;
	v19 =	vld [tilespmem:s2+$0x20];
	v23 =	vadd.f32 v15, v24;
	v15 =	vperm.xlane v26, v0  }
0x276: {  	v27 =	vld [tilespmem:s0+$0x0];
	v35 =	vadd.f32 v59, v42;
	v14 =	vmul.f32 v17, v17;
	v30 =	vmul.f32 v21, v21  }
0x277: {  	v18 =	vadd.f32 v20, v18;
	v24 =	vld [tilespmem:s2+$0x30];
	v26 =	vadd.f32 v21, v17;
	v20 =	vmul.f32 v15, v10  }
0x278: {  	v53 =	vld [tilespmem:s8+$0x70];
	v54 =	vmul.f32 v22, v22;
	v31 =	vmul.f32 v23, v23;
	v30 =	vadd.f32 v30, v14  }
0x279: {  	v55 =	vld [tilespmem:s8+$0x50];
	v26 =	vadd.f32 v22, v26;
	v14 =	vadd.f32 v18, v20;
	v18 =	vmul.f32 v15, v11  }
0x27a: {  	v56 =	vld [tilespmem:s2+$0x50];
	v25 =	vadd.f32 v25, v19;
	v20 =	vmul.f32 v15, v12;
	v30 =	vadd.f32 v54, v30  }
0x27b: {  	v57 =	vld [tilespmem:s8+$0x60];
	v15 =	vmul.f32 v15, v13;
	v36 =	vadd.f32 v23, v26;
	v19 =	vadd.f32 v16, v18  }
0x27c: {  	s31 =	sand.u32 $0x4, s28;
	v26 =	vld [tilespmem:s2+$0x60];
	v20 =	vadd.f32 v25, v20;
	v18 =	vadd.f32 v29, v24;
	v24 =	vperm.xlane v27, v0  }
0x27d: {  	s0 =	sadd.s32 s31, s9;
	v16 =	vmul.f32 v14, v14;
	v27 =	vld [tilespmem:s2+$0x70];
	v29 =	vadd.f32 v31, v30;
	v30 =	vmul.f32 v19, v19  }
0x27e: {  	v31 =	vld [tilespmem:s0+$0x0];
	v25 =	vadd.f32 v19, v14;
	v37 =	vmul.f32 v20, v20;
	v38 =	vmul.f32 v24, v10  }
0x27f: {  	v18 =	vadd.f32 v18, v15;
	v15 =	vmul.f32 v24, v11;
	v16 =	vadd.f32 v30, v16  }
0x280: {  	v39 =	vld [tilespmem:s8+$0xFFFFFFA0];
	v58 =	vmul.f32 v24, v12;
	v30 =	vadd.f32 v55, v56;
	v41 =	vadd.f32 v20, v25  }
0x281: {  	v40 =	vld [tilespmem:s8+$0xFFFFFF90];
	v25 =	vadd.f32 v57, v26;
	v60 =	vmul.f32 v18, v18;
	v16 =	vadd.f32 v37, v16  }
0x282: {  	v24 =	vmul.f32 v24, v13;
	v26 =	vadd.f32 v28, v38;
	v28 =	vld [tilespmem:s2+$0xFFFFFFA0];
	v15 =	vadd.f32 v30, v15  }
0x283: {  	v30 =	vperm.xlane v31, v0;
	v31 =	vld [tilespmem:s2+$0xFFFFFF90];
	v33 =	vadd.f32 v60, v16;
	v16 =	vadd.f32 v53, v27  }
0x284: {  	v25 =	vadd.f32 v25, v58;
	v45 =	vadd.f32 v18, v41  }
0x285: {  	v63 =	vld [tilespmem:s8+$0xFFFFFFB0];
	v27 =	vmul.f32 v15, v15;
	v16 =	vadd.f32 v16, v24;
	v24 =	vmul.f32 v26, v26  }
0x286: {  	v43 =	vld [tilespmem:s2+$0xFFFFFFB0];
	v61 =	vmul.f32 v30, v11;
	v62 =	vadd.f32 v15, v26;
	v46 =	vmul.f32 v25, v25  }
0x287: {  	(xrf2) =	vadd.scan.msk.f32 $0xffff, v36;
	v47 =	vmul.f32 v30, v10;
	v28 =	vadd.f32 v39, v28;
	v24 =	vadd.f32 v27, v24  }
0x288: {  	v48 =	vmul.f32 v30, v12;
	v34 =	vadd.f32 v25, v62;
	v31 =	vadd.f32 v40, v31  }
0x289: {  	(xrf2) =	vadd.scan.msk.f32 $0xffff, v29;
	v30 =	vmul.f32 v30, v13;
	v27 =	vadd.f32 v35, v47;
	v29 =	vadd.f32 v46, v24  }
0x28a: {  	v49 =	vmul.f32 v16, v16;
	v24 =	vadd.f32 v28, v48;
	v28 =	vadd.f32 v31, v61  }
0x28b: {  	(xrf2) =	vadd.scan.msk.f32 $0xffff, v33;
	v34 =	vadd.f32 v16, v34;
	v31 =	vadd.f32 v63, v43;
	v50 =	vmul.f32 v27, v27  }
0x28c: {  	(xrf2) =	vadd.scan.msk.f32 $0xffff, v45;
	v29 =	vadd.f32 v49, v29;
	v51 =	vadd.f32 v28, v27;
	v52 =	vmul.f32 v28, v28  }
0x28d: {  	(xrf2) =	vadd.scan.msk.f32 $0xffff, v34;
	v30 =	vadd.f32 v31, v30  }
0x28e: {  	v31 =	vmul.f32 v24, v24;
	v33 =	vadd.f32 v24, v51;
	v32 =	vadd.f32 v52, v50;
	(xrf2) =	vadd.scan.msk.f32 $0xffff, v29;
	_ =	sdelay $0x1  }
0x28f: {  	v29 =	vmul.f32 v30, v30;
	v33 =	vadd.f32 v30, v33;
	v31 =	vadd.f32 v31, v32  }
0x290: {  	v53, _, _ =	vpop (xrf2)  }
0x291: {  	v29 =	vadd.f32 v29, v31;
	v31 =	vperm.xlane v53, v1;
	(xrf2) =	vadd.scan.msk.f32 $0xffff, v33  }
0x292: {  	v54, _, _ =	vpop (xrf2)  }
0x293: {  	v32 =	vperm.xlane v54, v1;
	v31 =	vmul.f32 $1.562500000e-02, v31  }
0x294: {  	v55, _, _ =	vpop (xrf2);
	(xrf2) =	vadd.scan.msk.f32 $0xffff, v29  }
0x295: {  	v32 =	vmul.f32 $1.562500000e-02, v32;
	v29, _, _ =	vpop (xrf2);
	v57 =	vmul.f32 v31, v31  }
0x296: {  	v56, _, _ =	vpop (xrf2)  }
0x297: {  	v33 =	vperm.xlane v55, v1;
	v29 =	vperm.xlane v29, v1;
	v32 =	vsub.f32 v32, v57;
	v58, _, _ =	vpop (xrf2)  }
0x298: {  	v34 =	vperm.xlane v56, v1;
	v35 =	vperm.xlane v58, v1  }
0x299: {  	v33 =	vmul.f32 $1.562500000e-02, v33;
	v29 =	vmul.f32 $1.562500000e-02, v29;
	v32 =	vadd.f32 $9.999999740e-06, v32  }
0x29a: {  	v34 =	vmul.f32 $1.562500000e-02, v34;
	v35 =	vmul.f32 $1.562500000e-02, v35  }
0x29b: {  	v63 =	vmul.f32 v29, v29;
	v60 =	vshra.s32 v32, $0x1;
	v32 =	vmul.f32 $5.000000000e-01, v32;
	v61, _, _ =	vpop (xrf2)  }
0x29c: {  	v59 =	vmul.f32 v34, v34;
	v38 =	vperm.xlane v61, v1;
	v37 =	vsub.s32 $0x5F3759DF, v60  }
0x29d: {  	v62 =	vmul.f32 v37, v32  }
0x29e: {  	v33 =	vsub.f32 v33, v63;
	v35 =	vsub.f32 v35, v59;
	v44, _, _ =	vpop (xrf2);
	v38 =	vmul.f32 $1.562500000e-02, v38  }
0x29f: {  	v40 =	vperm.xlane v44, v1;
	v36 =	vmul.f32 v37, v62  }
0x2a0: {  	v33 =	vadd.f32 $9.999999740e-06, v33;
	v35 =	vadd.f32 $9.999999740e-06, v35  }
0x2a1: {  	v45 =	vmul.f32 $1.562500000e-02, v40;
	v46 =	vmul.f32 v38, v38;
	v36 =	vsub.f32 $1.500000000e+00, v36  }
0x2a2: {  	v49 =	vshra.s32 v33, $0x1;
	v47 =	vshra.s32 v35, $0x1;
	v35 =	vmul.f32 $5.000000000e-01, v35  }
0x2a3: {  	v33 =	vmul.f32 $5.000000000e-01, v33;
	v48 =	vsub.s32 $0x5F3759DF, v47;
	v36 =	vmul.f32 v37, v36  }
0x2a4: {  	v39 =	vsub.f32 v45, v46;
	v37 =	vsub.s32 $0x5F3759DF, v49;
	v41 =	vmul.f32 v48, v35  }
0x2a5: {  	v50 =	vmul.f32 v37, v33;
	v32 =	vmul.f32 v36, v32  }
0x2a6: {  	v39 =	vadd.f32 $9.999999740e-06, v39;
	v41 =	vmul.f32 v48, v41  }
0x2a7: {  	v42 =	vmul.f32 v37, v50;
	v32 =	vmul.f32 v32, v36  }
0x2a8: {  	v51 =	vshra.s32 v39, $0x1;
	v39 =	vmul.f32 $5.000000000e-01, v39;
	v41 =	vsub.f32 $1.500000000e+00, v41  }
0x2a9: {  	v43 =	vsub.s32 $0x5F3759DF, v51;
	v42 =	vsub.f32 $1.500000000e+00, v42;
	v32 =	vsub.f32 $1.500000000e+00, v32  }
0x2aa: {  	v44 =	vmul.f32 v43, v39;
	v40 =	vmul.f32 v48, v41  }
0x2ab: {  	v52 =	vmul.f32 v37, v42;
	v32 =	vmul.f32 v32, v36  }
0x2ac: {  	v44 =	vmul.f32 v43, v44;
	v35 =	vmul.f32 v40, v35  }
0x2ad: {  	v33 =	vmul.f32 v52, v33;
	v31 =	vmul.f32 v32, v31  }
0x2ae: {  	v53 =	vsub.f32 $1.500000000e+00, v44;
	v54 =	vmul.f32 v32, v5;
	v55 =	vmul.f32 v32, v4  }
0x2af: {  	v35 =	vmul.f32 v35, v40;
	v58 =	vmul.f32 v32, v3  }
0x2b0: {  	v32 =	vmul.f32 v32, v2;
	v37 =	vmul.f32 v43, v53  }
0x2b1: {  	v33 =	vmul.f32 v33, v52;
	v56 =	vmul.f32 v31, v2  }
0x2b2: {  	v57 =	vmul.f32 v31, v3;
	v45 =	vmul.f32 v31, v4  }
0x2b3: {  	v31 =	vmul.f32 v31, v5;
	v35 =	vsub.f32 $1.500000000e+00, v35;
	v23 =	vmul.f32 v54, v23  }
0x2b4: {  	v42 =	vmul.f32 v55, v22;
	v39 =	vmul.f32 v37, v39  }
0x2b5: {  	v59 =	vmul.f32 v58, v21;
	v33 =	vsub.f32 $1.500000000e+00, v33;
	v22 =	vmul.f32 v35, v40  }
0x2b6: {  	v17 =	vmul.f32 v32, v17;
	v60 =	vsub.f32 v7, v57;
	v39 =	vmul.f32 v39, v37  }
0x2b7: {  	v31 =	vsub.f32 v9, v31;
	v36 =	vmul.f32 v33, v52;
	v21 =	vmul.f32 v22, v5  }
0x2b8: {  	v43 =	vsub.f32 v6, v56;
	v40 =	vmul.f32 v22, v2;
	v50 =	vmul.f32 v22, v4  }
0x2b9: {  	v31 =	vadd.f32 v31, v23;
	v32 =	vmul.f32 v22, v34;
	v53 =	vmul.f32 v36, v29  }
0x2ba: {  	v39 =	vsub.f32 $1.500000000e+00, v39;
	v54 =	vmul.f32 v36, v3;
	v56 =	vmul.f32 v36, v4  }
0x2bb: {  	v35 =	vadd.f32 v60, v59;
	v41 =	vmul.f32 v50, v25;
	v59 =	vmul.f32 v32, v3  }
0x2bc: {  	s30 =	simm.s32 $0xFE80;
	v34 =	vmul.f32 v32, v2;
	v37 =	vmul.f32 v39, v37  }
0x2bd: {  	[tilespmem:s30+$0xFFFFFFF0] =	vst v31;
	v57 =	vmul.f32 v53, v4;
	v31 =	vmul.f32 v54, v19  }
0x2be: {  	v62 =	vsub.f32 v8, v45;
	v19 =	vmul.f32 v32, v4;
	v20 =	vmul.f32 v56, v20  }
0x2bf: {  	v17 =	vadd.f32 v43, v17;
	v60 =	vmul.f32 v53, v3;
	v33 =	vmul.f32 v53, v5  }
0x2c0: {  	v51 =	vadd.f32 v62, v42;
	v38 =	vmul.f32 v37, v38;
	v61 =	vmul.f32 v37, v3  }
0x2c1: {  	[tilespmem:s30+$0xFFFFFFC0] =	vst v17;
	v17 =	vsub.f32 v7, v59;
	v63 =	vmul.f32 v37, v2;
	v48 =	vmul.f32 v37, v5  }
0x2c2: {  	v37 =	vmul.f32 v37, v4;
	v62 =	vsub.f32 v8, v19;
	v19 =	vmul.f32 v36, v2  }
0x2c3: {  	v58 =	vsub.f32 v8, v57;
	v49 =	vmul.f32 v38, v2;
	v23 =	vmul.f32 v61, v28  }
0x2c4: {  	[tilespmem:s30+$0xFFFFFFD0] =	vst v35;
	v35 =	vsub.f32 v7, v60;
	v28 =	vmul.f32 v38, v4;
	v45 =	vmul.f32 v63, v27  }
0x2c5: {  	v27 =	vmul.f32 v40, v26;
	v26 =	vmul.f32 v48, v30;
	v25 =	vsub.f32 v6, v49  }
0x2c6: {  	v52 =	vmul.f32 v38, v5;
	v30 =	vmul.f32 v38, v3;
	v63 =	vadd.f32 v58, v20  }
0x2c7: {  	[tilespmem:s30+$0xFFFFFFE0] =	vst v51;
	v61 =	vmul.f32 v36, v5;
	v55 =	vadd.f32 v25, v45;
	v25 =	vmul.f32 v53, v2  }
0x2c8: {  	v20 =	vmul.f32 v37, v24;
	v24 =	vadd.f32 v62, v41;
	v29 =	vsub.f32 v8, v28;
	[tilespmem:s30+$0x20] =	vst v63  }
0x2c9: {  	s9 =	simm.s32 $0x9B80;
	s8 =	simm.s32 $0x16380;
	s2 =	simm.s32 $0xFF80;
	v28 =	vsub.f32 v9, v52;
	v18 =	vmul.f32 v61, v18;
	v25 =	vsub.f32 v6, v25;
	[tilespmem:s30+$0xFFFFFF80] =	vst v55  }
.LBB2_15:
0x2ca: {  	s0 =	sadd.s32 $0x6, s28  }
0x2cb: {  	v36 =	vld [tilespmem:s8+$0xFFFFFFD0];
	s11 =	sadd.s32 $0xFFFFFFFF, s28;
	v33 =	vsub.f32 v9, v33;
	v34 =	vsub.f32 v6, v34;
	v32 =	vmul.f32 v32, v5;
	s13 =	smov.u32 s28;
	s28 =	sadd.s32 $0x4, s28  }
0x2cc: {  	v22 =	vmul.f32 v22, v3;
	s21 =	sand.u32 $0xF8, s28;
	s13 =	sadd.s32 $0x5, s13;
	v37 =	vld [tilespmem:s9+$0xFFFFFFC0];
	s31 =	sand.u32 $0x7, s11;
	v20 =	vadd.f32 v29, v20;
	v29 =	vadd.f32 v35, v31  }
0x2cd: {  	v16 =	vmul.f32 v21, v16;
	s11 =	sand.u32 $0x4, s28;
	s21 =	sadd.s32 s21, s29;
	s13 =	sand.u32 $0x5, s13;
	v31 =	vld [tilespmem:s8+$0x10];
	v27 =	vadd.f32 v34, v27;
	[tilespmem:s30+$0x60] =	vst v24;
	v21 =	vsub.f32 v9, v32  }
0x2ce: {  	v30 =	vsub.f32 v7, v30;
	v26 =	vadd.f32 v28, v26;
	s0 =	sand.u32 $0x6, s0;
	v15 =	vmul.f32 v22, v15;
	s11 =	sadd.s32 s11, s21;
	s13 =	sadd.s32 s13, s21;
	v24 =	vld [tilespmem:s9+$0x40];
	[tilespmem:s30+$0x10] =	vst v29  }
0x2cf: {  	p1 =	slt.u32 s28, $0xC4;
	s0 =	sadd.s32 s0, s21;
	s21 =	sadd.s32 s31, s21;
	v22 =	vld [tilespmem:s8+$0x40];
	[tilespmem:s30+$0x40] =	vst v27;
	v16 =	vadd.f32 v21, v16  }
0x2d0: {  	v23 =	vadd.f32 v30, v23;
	v18 =	vadd.f32 v33, v18;
	v21 =	vld [tilespmem:s8+$0xFFFFFFC0];
	[tilespmem:s30+$0xFFFFFFA0] =	vst v20  }
0x2d1: {  	v14 =	vmul.f32 v19, v14;
	v20 =	vld [tilespmem:s9+$0xFFFFFFD0];
	[tilespmem:s30+$0x70] =	vst v16  }
0x2d2: {  	v16 =	vld [tilespmem:s13+$0x0];
	[tilespmem:s30+$0xFFFFFFB0] =	vst v26  }
0x2d3: {  	v14 =	vadd.f32 v25, v14;
	v19 =	vld [tilespmem:s8+$0xFFFFFFE0];
	[tilespmem:s30+$0xFFFFFF90] =	vst v23  }
0x2d4: {  	v15 =	vadd.f32 v17, v15;
	v23 =	vld [tilespmem:s9+$0xFFFFFFE0];
	[tilespmem:s30+$0x30] =	vst v18  }
0x2d5: {  	v17 =	vld [tilespmem:s8+$0xFFFFFFF0];
	[tilespmem:s30+$0x0] =	vst v14  }
0x2d6: {  	v14 =	vadd.f32 v36, v20;
	v20 =	vld [tilespmem:s9+$0xFFFFFFF0];
	[tilespmem:s30+$0x50] =	vst v15;
	s30 =	smov.u32 s2  }
0x2d7: {  	v24 =	vadd.f32 v22, v24;
	v15 =	vperm.xlane v16, v0;
	v16 =	vld [tilespmem:s0+$0x0]  }
0x2d8: {  	v18 =	vadd.f32 v21, v37;
	v25 =	vld [tilespmem:s9+$0x10]  }
0x2d9: {  	v21 =	vmul.f32 v15, v10;
	v22 =	vmul.f32 v15, v11;
	v19 =	vadd.f32 v19, v23;
	v26 =	vld [tilespmem:s8+$0x0]  }
0x2da: {  	v23 =	vmul.f32 v15, v12;
	v27 =	vld [tilespmem:s9+$0x0]  }
0x2db: {  	v15 =	vmul.f32 v15, v13;
	v18 =	vadd.f32 v18, v21;
	v17 =	vadd.f32 v17, v20;
	v20 =	vld [tilespmem:s8+$0x30]  }
0x2dc: {  	v21 =	vadd.f32 v14, v22;
	v22 =	vadd.f32 v19, v23;
	v19 =	vld [tilespmem:s8+$0x20]  }
0x2dd: {  	v23 =	vadd.f32 v17, v15;
	v14 =	vmul.f32 v18, v18;
	v15 =	vperm.xlane v16, v0;
	v16 =	vld [tilespmem:s9+$0x20]  }
0x2de: {  	v17 =	vadd.f32 v21, v18;
	v28 =	vmul.f32 v21, v21;
	v25 =	vadd.f32 v31, v25;
	v29 =	vld [tilespmem:s9+$0x30]  }
0x2df: {  	v30 =	vmul.f32 v23, v23;
	v26 =	vadd.f32 v26, v27;
	v27 =	vmul.f32 v15, v10;
	v31 =	vld [tilespmem:s21+$0x0]  }
0x2e0: {  	v32 =	vmul.f32 v22, v22;
	v17 =	vadd.f32 v22, v17;
	v28 =	vadd.f32 v28, v14;
	v33 =	vld [tilespmem:s8+$0x70]  }
0x2e1: {  	v14 =	vadd.f32 v26, v27;
	v26 =	vmul.f32 v15, v11;
	v27 =	vmul.f32 v15, v12;
	v34 =	vld [tilespmem:s8+$0x50]  }
0x2e2: {  	v28 =	vadd.f32 v32, v28;
	v15 =	vmul.f32 v15, v13;
	v16 =	vadd.f32 v19, v16;
	v32 =	vld [tilespmem:s9+$0x50]  }
0x2e3: {  	v35 =	vadd.f32 v23, v17;
	v17 =	vadd.f32 v25, v26;
	v25 =	vmul.f32 v14, v14;
	v26 =	vld [tilespmem:s8+$0x60]  }
0x2e4: {  	v19 =	vadd.f32 v16, v27;
	v16 =	vadd.f32 v20, v29;
	v27 =	vperm.xlane v31, v0;
	v29 =	vld [tilespmem:s9+$0x60]  }
0x2e5: {  	v28 =	vadd.f32 v30, v28;
	v30 =	vadd.f32 v17, v14;
	v31 =	vmul.f32 v17, v17;
	v36 =	vld [tilespmem:s9+$0x70];
	(xrf2) =	vadd.scan.msk.f32 $0xffff, v35  }
0x2e6: {  	v35 =	vld [tilespmem:s11+$0x0];
	v37 =	vmul.f32 v19, v19;
	v38 =	vmul.f32 v27, v10  }
0x2e7: {  	v20 =	vadd.f32 v16, v15;
	v15 =	vmul.f32 v27, v11;
	v16 =	vmul.f32 v27, v13;
	v39 =	vld [tilespmem:s8+$0xFFFFFFA0]  }
0x2e8: {  	v27 =	vmul.f32 v27, v12;
	v25 =	vadd.f32 v31, v25;
	v31 =	vadd.f32 v34, v32;
	v40 =	vld [tilespmem:s8+$0xFFFFFF90];
	(xrf2) =	vadd.scan.msk.f32 $0xffff, v28  }
0x2e9: {  	v30 =	vadd.f32 v19, v30;
	v32 =	vmul.f32 v20, v20;
	v28 =	vld [tilespmem:s8+$0xFFFFFF80];
	v29 =	vadd.f32 v26, v29  }
0x2ea: {  	v37 =	vadd.f32 v37, v25;
	v15 =	vadd.f32 v31, v15;
	v34 =	vld [tilespmem:s9+$0xFFFFFF80]  }
0x2eb: {  	v26 =	vadd.f32 v24, v38;
	v31 =	vperm.xlane v35, v0;
	v35 =	vld [tilespmem:s9+$0xFFFFFF90];
	v25 =	vadd.f32 v29, v27  }
0x2ec: {  	v27 =	vadd.f32 v32, v37;
	v29 =	vadd.f32 v33, v36;
	v32 =	vmul.f32 v15, v15;
	v24 =	vld [tilespmem:s9+$0xFFFFFFA0]  }
0x2ed: {  	v42 =	vadd.f32 v15, v26;
	v33 =	vmul.f32 v31, v11;
	v36 =	vld [tilespmem:s8+$0xFFFFFFB0];
	v38 =	vmul.f32 v25, v25  }
0x2ee: {  	v30 =	vadd.f32 v20, v30;
	v16 =	vadd.f32 v29, v16;
	v29 =	vmul.f32 v26, v26;
	v41 =	vld [tilespmem:s9+$0xFFFFFFB0];
	(xrf2) =	vadd.scan.msk.f32 $0xffff, v27  }
0x2ef: {  	v27 =	vadd.f32 v28, v34;
	v28 =	vmul.f32 v31, v10;
	v34 =	vadd.f32 v25, v42;
	v37, _, _ =	vpop (xrf2)  }
0x2f0: {  	v29 =	vadd.f32 v32, v29;
	v35 =	vadd.f32 v40, v35;
	v40 =	vmul.f32 v31, v12  }
0x2f1: {  	v24 =	vadd.f32 v39, v24;
	v32 =	vadd.f32 v16, v34  }
0x2f2: {  	v27 =	vadd.f32 v27, v28;
	v28 =	vadd.f32 v38, v29;
	v34 =	vmul.f32 v16, v16;
	v38, _, _ =	vpop (xrf2);
	(xrf2) =	vadd.scan.msk.f32 $0xffff, v30  }
0x2f3: {  	v31 =	vmul.f32 v31, v13;
	v24 =	vadd.f32 v24, v40;
	v30 =	vadd.f32 v36, v41  }
0x2f4: {  	v29 =	vadd.f32 v35, v33;
	v33 =	vmul.f32 v27, v27;
	v34 =	vadd.f32 v34, v28  }
0x2f5: {  	v28 =	vadd.f32 v30, v31;
	(xrf2) =	vadd.scan.msk.f32 $0xffff, v32  }
0x2f6: {  	v30 =	vadd.f32 v29, v27;
	v31 =	vmul.f32 v29, v29;
	v32 =	vmul.f32 v24, v24;
	_ =	sdelay $0x1  }
0x2f7: {  	v30 =	vadd.f32 v24, v30;
	v31 =	vadd.f32 v31, v33;
	v33 =	vmul.f32 v28, v28;
	v35, _, _ =	vpop (xrf2);
	(xrf2) =	vadd.scan.msk.f32 $0xffff, v34  }
0x2f8: {  	v35 =	vperm.xlane v35, v1  }
0x2f9: {  	v30 =	vadd.f32 v28, v30;
	v31 =	vadd.f32 v32, v31  }
0x2fa: {  	v32 =	vmul.f32 $1.562500000e-02, v35  }
0x2fb: {  	v35 =	vadd.f32 v33, v31;
	v33 =	vperm.xlane v37, v1;
	(xrf2) =	vadd.scan.msk.f32 $0xffff, v30;
	v34, _, _ =	vpop (xrf2)  }
0x2fc: {  	v30 =	vperm.xlane v38, v1  }
0x2fd: {  	v33 =	vmul.f32 $1.562500000e-02, v33  }
0x2fe: {  	v36 =	vmul.f32 $1.562500000e-02, v30;
	(xrf2) =	vadd.scan.msk.f32 $0xffff, v35;
	v31, _, _ =	vpop (xrf2)  }
0x2ff: {  	v35 =	vmul.f32 v33, v33  }
0x300: {  	v31 =	vperm.xlane v31, v1  }
0x301: {  	v35 =	vsub.f32 v36, v35;
	v30, _, _ =	vpop (xrf2)  }
0x302: {  	v36 =	vperm.xlane v30, v1;
	v30 =	vmul.f32 $1.562500000e-02, v31  }
0x303: {  	v39 =	vperm.xlane v34, v1;
	v31 =	vadd.f32 $9.999999740e-06, v35  }
0x304: {  	v35 =	vmul.f32 $1.562500000e-02, v36;
	v36 =	vmul.f32 v30, v30  }
0x305: {  	v37 =	vshra.s32 v31, $0x1;
	v38 =	vmul.f32 $5.000000000e-01, v31;
	v31 =	vmul.f32 $1.562500000e-02, v39;
	v34, _, _ =	vpop (xrf2)  }
0x306: {  	v37 =	vsub.s32 $0x5F3759DF, v37;
	v34 =	vperm.xlane v34, v1;
	v35 =	vsub.f32 v35, v36  }
0x307: {  	v36 =	vmul.f32 v37, v38;
	v39 =	vmul.f32 v31, v31  }
0x308: {  	v34 =	vmul.f32 $1.562500000e-02, v34;
	v35 =	vadd.f32 $9.999999740e-06, v35;
	v40, _, _ =	vpop (xrf2)  }
0x309: {  	v36 =	vmul.f32 v37, v36;
	v32 =	vsub.f32 v32, v39;
	v40 =	vperm.xlane v40, v1  }
0x30a: {  	v39 =	vshra.s32 v35, $0x1  }
0x30b: {  	v36 =	vsub.f32 $1.500000000e+00, v36;
	v32 =	vadd.f32 $9.999999740e-06, v32;
	v35 =	vmul.f32 $5.000000000e-01, v35  }
0x30c: {  	v41 =	vmul.f32 v34, v34;
	v40 =	vmul.f32 $1.562500000e-02, v40;
	v39 =	vsub.s32 $0x5F3759DF, v39  }
0x30d: {  	v36 =	vmul.f32 v37, v36;
	v37 =	vshra.s32 v32, $0x1;
	v32 =	vmul.f32 $5.000000000e-01, v32  }
0x30e: {  	v40 =	vsub.f32 v40, v41;
	v37 =	vsub.s32 $0x5F3759DF, v37;
	v41 =	vmul.f32 v39, v35  }
0x30f: {  	v38 =	vmul.f32 v36, v38;
	v42 =	vmul.f32 v37, v32  }
0x310: {  	v40 =	vadd.f32 $9.999999740e-06, v40;
	v41 =	vmul.f32 v39, v41  }
0x311: {  	v38 =	vmul.f32 v38, v36;
	v42 =	vmul.f32 v37, v42  }
0x312: {  	v43 =	vshra.s32 v40, $0x1;
	v40 =	vmul.f32 $5.000000000e-01, v40;
	v41 =	vsub.f32 $1.500000000e+00, v41  }
0x313: {  	v43 =	vsub.s32 $0x5F3759DF, v43;
	v38 =	vsub.f32 $1.500000000e+00, v38;
	v42 =	vsub.f32 $1.500000000e+00, v42  }
0x314: {  	v44 =	vmul.f32 v43, v40;
	v39 =	vmul.f32 v39, v41  }
0x315: {  	v36 =	vmul.f32 v38, v36;
	v37 =	vmul.f32 v37, v42  }
0x316: {  	v38 =	vmul.f32 v43, v44;
	v35 =	vmul.f32 v39, v35  }
0x317: {  	v33 =	vmul.f32 v36, v33;
	v41 =	vmul.f32 v36, v5  }
0x318: {  	v42 =	vmul.f32 v36, v4;
	v38 =	vsub.f32 $1.500000000e+00, v38  }
0x319: {  	v35 =	vmul.f32 v35, v39;
	v44 =	vmul.f32 v33, v2  }
0x31a: {  	v38 =	vmul.f32 v43, v38;
	v43 =	vmul.f32 v33, v3  }
0x31b: {  	v45 =	vmul.f32 v33, v4;
	v33 =	vmul.f32 v33, v5;
	v44 =	vsub.f32 v6, v44  }
0x31c: {  	v23 =	vmul.f32 v41, v23;
	v40 =	vmul.f32 v38, v40;
	v43 =	vsub.f32 v7, v43  }
0x31d: {  	v41 =	vmul.f32 v36, v3;
	v45 =	vsub.f32 v8, v45;
	v33 =	vsub.f32 v9, v33  }
0x31e: {  	v42 =	vmul.f32 v42, v22;
	v22 =	vsub.f32 $1.500000000e+00, v35;
	v40 =	vmul.f32 v40, v38  }
0x31f: {  	v21 =	vmul.f32 v41, v21;
	v23 =	vadd.f32 v33, v23  }
0x320: {  	v22 =	vmul.f32 v22, v39;
	v33 =	vsub.f32 $1.500000000e+00, v40  }
0x321: {  	v35 =	vadd.f32 v43, v21;
	[tilespmem:s2+$0xFFFFFFF0] =	vst v23;
	v23 =	vmul.f32 v37, v32  }
0x322: {  	v21 =	vmul.f32 v22, v5;
	v33 =	vmul.f32 v33, v38;
	v32 =	vadd.f32 v45, v42  }
0x323: {  	v36 =	vmul.f32 v36, v2;
	[tilespmem:s2+$0xFFFFFFD0] =	vst v35;
	v35 =	vmul.f32 v22, v2  }
0x324: {  	v34 =	vmul.f32 v33, v34;
	v38 =	vmul.f32 v33, v3;
	[tilespmem:s2+$0xFFFFFFE0] =	vst v32  }
0x325: {  	v18 =	vmul.f32 v36, v18;
	v32 =	vmul.f32 v33, v2  }
0x326: {  	v36 =	vmul.f32 v33, v5;
	v39 =	vmul.f32 v23, v37  }
0x327: {  	v18 =	vadd.f32 v44, v18;
	v40 =	vmul.f32 v34, v2;
	v23 =	vmul.f32 v38, v29  }
0x328: {  	v29 =	vmul.f32 v34, v4;
	v38 =	vsub.f32 $1.500000000e+00, v39;
	v39 =	vmul.f32 v22, v4  }
0x329: {  	v32 =	vmul.f32 v32, v27;
	v27 =	vmul.f32 v35, v26;
	v40 =	vsub.f32 v6, v40  }
0x32a: {  	v26 =	vmul.f32 v36, v28;
	v29 =	vsub.f32 v8, v29;
	v35 =	vmul.f32 v38, v37  }
0x32b: {  	v36 =	vmul.f32 v39, v25;
	v28 =	vadd.f32 v40, v32;
	v32 =	vmul.f32 v22, v30;
	[tilespmem:s2+$0xFFFFFFC0] =	vst v18  }
0x32c: {  	v37 =	vmul.f32 v35, v31;
	v18 =	vmul.f32 v34, v5  }
0x32d: {  	v38 =	vmul.f32 v33, v4;
	v31 =	vmul.f32 v35, v3;
	[tilespmem:s2+$0xFFFFFF80] =	vst v28  }
0x32e: {  	v30 =	vmul.f32 v34, v3;
	v28 =	vsub.f32 v9, v18;
	v18 =	vmul.f32 v37, v2  }
0x32f: {  	v33 =	vmul.f32 v35, v4;
	v34 =	vmul.f32 v37, v4  }
0x330: {  	v31 =	vmul.f32 v31, v17;
	v17 =	vmul.f32 v32, v4;
	v25 =	vsub.f32 v6, v18  }
.Ltmp8:
0x331: {  	v39 =	vmul.f32 v32, v3;
	v18 =	vmul.f32 v33, v19;
	v19 =	vsub.f32 v8, v34;
	(pc) =	sbr.rel @p1 .LBB2_15-.Ltmp8, $4  }
0x332: {  	v41 =	vmul.f32 v35, v5;
	v40 =	vmul.f32 v37, v3;
	v42 =	vsub.f32 v8, v17  }
0x333: {  	v33 =	vmul.f32 v37, v5;
	v34 =	vmul.f32 v32, v2;
	v43 =	vadd.f32 v19, v18  }
0x334: {  	v17 =	vsub.f32 v7, v39;
	v19 =	vmul.f32 v35, v2;
	v18 =	vmul.f32 v41, v20  }
0x335: {  	s8 =	sadd.s32 $0x100, s8;
	s9 =	sadd.s32 $0x100, s9;
	s2 =	sadd.s32 $0x100, s2;
	v20 =	vmul.f32 v38, v24;
	v35 =	vsub.f32 v7, v40;
	v24 =	vadd.f32 v42, v36;
	[tilespmem:s30+$0x20] =	vst v43  }
0x336: {  	v26 =	vadd.f32 v28, v26  }
0x337: {  	v34 =	vsub.f32 v6, v34;
	v31 =	vadd.f32 v35, v31;
	[tilespmem:s30+$0x60] =	vst v24  }
0x338: {  	v32 =	vmul.f32 v32, v5;
	v14 =	vmul.f32 v19, v14;
	v20 =	vadd.f32 v29, v20;
	[tilespmem:s30+$0xFFFFFFB0] =	vst v26  }
0x339: {  	v22 =	vmul.f32 v22, v3;
	v24 =	vsub.f32 v7, v30;
	v27 =	vadd.f32 v34, v27;
	[tilespmem:s30+$0x10] =	vst v31  }
0x33a: {  	v16 =	vmul.f32 v21, v16;
	v21 =	vsub.f32 v9, v32;
	v14 =	vadd.f32 v25, v14;
	[tilespmem:s30+$0xFFFFFFA0] =	vst v20  }
0x33b: {  	v15 =	vmul.f32 v22, v15;
	v20 =	vadd.f32 v24, v23;
	[tilespmem:s30+$0x40] =	vst v27  }
0x33c: {  	v16 =	vadd.f32 v21, v16;
	v21 =	vsub.f32 v9, v33;
	[tilespmem:s30+$0x0] =	vst v14  }
0x33d: {  	s0 =	sadd.s32 s5, s26;
	v15 =	vadd.f32 v17, v15;
	[tilespmem:s30+$0xFFFFFF90] =	vst v20  }
0x33e: {  	s0 =	smul.u32 $0x640, s0;
	[tilespmem:s30+$0x70] =	vst v16;
	v16 =	vadd.f32 v21, v18  }
0x33f: {  	[tilespmem:s30+$0x50] =	vst v15  }
0x340: {  	s0 =	sadd.s32 s4, s0;
	[tilespmem:s30+$0x30] =	vst v16  }
0x341: {  	[hbm4b:s0+s6] =	stream.linear.scatter [tilespmem:s3], [sflag:$0x5], $0x3200, $0x38;
	[tilespmem:$0x19500] =	vst v63  }
0x342: {  	s2 =	simm.s32 @!p0 $0x60;
	s8 =	simm.s32 @!p0 $0x9A00;
	s0 =	sadd.s32 @!p0 $0x510, s25  }
0x343: {  	[tilespmem:s8], [sflag:$0x3] =	stream.indirect.gather @!p0 [hbm4b:s7+s2], $0x40, s0, s2, $0xb8;
	[tilespmem:$0x19500] =	vst v63  }
0x344: {  	s0 =	sadd.s32 @!p0 $0x570, s25;
	s2 =	simm.s32 @!p0 $0x68;
	s8 =	simm.s32 @!p0 $0xB200  }
0x345: {  	[tilespmem:s8], [sflag:$0x3] =	stream.indirect.gather @!p0 [hbm4b:s7+s2], $0x40, s0, s2, $0xb8;
	[tilespmem:$0x19500] =	vst v63  }
0x346: {  	_ =	swait.ge [sflag:s18], $0x1800  }
0x347: {  	[sflag:s18] =	ssyncset.done $0x0  }
0x348: {  	[sflag:s18] =	ssyncadd.s32 $0xFFFFE800  }
0x349: {  	_ =	swait.ge [sflag:s18], $0x1A00  }
0x34a: {  	[sflag:s18] =	ssyncset.done $0x0  }
0x34b: {  	[sflag:s18] =	ssyncadd.s32 $0xFFFFE600  }
0x34c: {  	_ =	swait.ge [sflag:s20], $0x3200  }
0x34d: {  	[sflag:s20] =	ssyncset.done $0x0  }
0x34e: {  	s8 =	simm.s32 $0x16280;
	[sflag:s20] =	ssyncadd.s32 $0xFFFFCE00  }
0x34f: {  	s24 =	sor.u32 $0x3, s24;
	s2 =	simm.s32 $0xCC80;
	v14 =	vld [tilespmem:s8+$0xFFFFFFD0]  }
0x350: {  	s11 =	smul.u32 $0x360, s24;
	v15 =	vld [tilespmem:s2+$0xFFFFFFC0]  }
0x351: {  	v16 =	vld [tilespmem:s8+$0x10]  }
0x352: {  	s25 =	simm.s32 $0x0;
	s0 =	sshra.s32 s11, $0x2;
	v17 =	vld [tilespmem:s2+$0x40]  }
0x353: {  	s13 =	sand.u32 $0xF8, s25;
	s11 =	simm.s32 $0x1;
	s26 =	sadd.s32 $0x1B00, s0;
	v18 =	vld [tilespmem:s8+$0x40]  }
0x354: {  	s21 =	sand.u32 $0x5, s11;
	s9 =	sadd.s32 s13, s26;
	v19 =	vld [tilespmem:s8+$0xFFFFFFC0]  }
0x355: {  	s0 =	sadd.s32 s21, s9;
	v20 =	vld [tilespmem:s2+$0xFFFFFFD0]  }
0x356: {  	v21 =	vld [tilespmem:s0+$0x0]  }
0x357: {  	v22 =	vld [tilespmem:s8+$0xFFFFFFE0]  }
0x358: {  	v23 =	vld [tilespmem:s2+$0xFFFFFFE0]  }
0x359: {  	v24 =	vld [tilespmem:s8+$0xFFFFFFF0]  }
0x35a: {  	v25 =	vld [tilespmem:s2+$0xFFFFFFF0]  }
0x35b: {  	s29 =	simm.s32 $0x2;
	v27 =	vld [tilespmem:s2+$0x10]  }
0x35c: {  	s0 =	sand.u32 $0x6, s29;
	v59 =	vld [tilespmem:s8+$0xFFFFFF80]  }
0x35d: {  	v42 =	vld [tilespmem:s2+$0xFFFFFF80];
	s0 =	sadd.s32 s0, s9;
	v21 =	vperm.xlane v21, v0  }
0x35e: {  	v26 =	vld [tilespmem:s0+$0x0];
	v14 =	vadd.f32 v14, v20  }
0x35f: {  	v20 =	vld [tilespmem:s8+$0x0];
	v28 =	vadd.f32 v18, v17;
	v15 =	vadd.f32 v19, v15;
	v17 =	vmul.f32 v21, v10  }
0x360: {  	v18 =	vld [tilespmem:s2+$0x0];
	v22 =	vadd.f32 v22, v23;
	v19 =	vmul.f32 v21, v11;
	v23 =	vmul.f32 v21, v12  }
0x361: {  	s30 =	simm.s32 $0xFFFFFFFB;
	v29 =	vld [tilespmem:s8+$0x30];
	v17 =	vadd.f32 v15, v17;
	v15 =	vadd.f32 v24, v25;
	v24 =	vmul.f32 v21, v13  }
0x362: {  	s0 =	sand.u32 $0x7, s30;
	v16 =	vadd.f32 v16, v27;
	v25 =	vld [tilespmem:s8+$0x20];
	v21 =	vadd.f32 v14, v19  }
0x363: {  	s0 =	sadd.s32 s0, s9;
	v22 =	vadd.f32 v22, v23;
	v19 =	vld [tilespmem:s2+$0x20];
	v23 =	vadd.f32 v15, v24;
	v15 =	vperm.xlane v26, v0  }
0x364: {  	v27 =	vld [tilespmem:s0+$0x0];
	v35 =	vadd.f32 v59, v42;
	v14 =	vmul.f32 v17, v17;
	v30 =	vmul.f32 v21, v21  }
0x365: {  	v18 =	vadd.f32 v20, v18;
	v24 =	vld [tilespmem:s2+$0x30];
	v26 =	vadd.f32 v21, v17;
	v20 =	vmul.f32 v15, v10  }
0x366: {  	v53 =	vld [tilespmem:s8+$0x70];
	v54 =	vmul.f32 v22, v22;
	v31 =	vmul.f32 v23, v23;
	v30 =	vadd.f32 v30, v14  }
0x367: {  	v55 =	vld [tilespmem:s8+$0x50];
	v26 =	vadd.f32 v22, v26;
	v14 =	vadd.f32 v18, v20;
	v18 =	vmul.f32 v15, v11  }
0x368: {  	v56 =	vld [tilespmem:s2+$0x50];
	v25 =	vadd.f32 v25, v19;
	v20 =	vmul.f32 v15, v12;
	v30 =	vadd.f32 v54, v30  }
0x369: {  	v57 =	vld [tilespmem:s8+$0x60];
	v15 =	vmul.f32 v15, v13;
	v36 =	vadd.f32 v23, v26;
	v19 =	vadd.f32 v16, v18  }
0x36a: {  	s31 =	sand.u32 $0x4, s25;
	v26 =	vld [tilespmem:s2+$0x60];
	v20 =	vadd.f32 v25, v20;
	v18 =	vadd.f32 v29, v24;
	v24 =	vperm.xlane v27, v0  }
0x36b: {  	s0 =	sadd.s32 s31, s9;
	v16 =	vmul.f32 v14, v14;
	v27 =	vld [tilespmem:s2+$0x70];
	v29 =	vadd.f32 v31, v30;
	v30 =	vmul.f32 v19, v19  }
0x36c: {  	v31 =	vld [tilespmem:s0+$0x0];
	v25 =	vadd.f32 v19, v14;
	v37 =	vmul.f32 v20, v20;
	v38 =	vmul.f32 v24, v10  }
0x36d: {  	v18 =	vadd.f32 v18, v15;
	v15 =	vmul.f32 v24, v11;
	v16 =	vadd.f32 v30, v16  }
0x36e: {  	v39 =	vld [tilespmem:s8+$0xFFFFFFA0];
	v58 =	vmul.f32 v24, v12;
	v30 =	vadd.f32 v55, v56;
	v41 =	vadd.f32 v20, v25  }
0x36f: {  	v40 =	vld [tilespmem:s8+$0xFFFFFF90];
	v25 =	vadd.f32 v57, v26;
	v60 =	vmul.f32 v18, v18;
	v16 =	vadd.f32 v37, v16  }
0x370: {  	v24 =	vmul.f32 v24, v13;
	v26 =	vadd.f32 v28, v38;
	v28 =	vld [tilespmem:s2+$0xFFFFFFA0];
	v15 =	vadd.f32 v30, v15  }
0x371: {  	v30 =	vperm.xlane v31, v0;
	v31 =	vld [tilespmem:s2+$0xFFFFFF90];
	v33 =	vadd.f32 v60, v16;
	v16 =	vadd.f32 v53, v27  }
0x372: {  	v25 =	vadd.f32 v25, v58;
	v45 =	vadd.f32 v18, v41  }
0x373: {  	v63 =	vld [tilespmem:s8+$0xFFFFFFB0];
	v27 =	vmul.f32 v15, v15;
	v16 =	vadd.f32 v16, v24;
	v24 =	vmul.f32 v26, v26  }
0x374: {  	v43 =	vld [tilespmem:s2+$0xFFFFFFB0];
	v61 =	vmul.f32 v30, v11;
	v62 =	vadd.f32 v15, v26;
	v46 =	vmul.f32 v25, v25  }
0x375: {  	(xrf2) =	vadd.scan.msk.f32 $0xffff, v36;
	v47 =	vmul.f32 v30, v10;
	v28 =	vadd.f32 v39, v28;
	v24 =	vadd.f32 v27, v24  }
0x376: {  	v48 =	vmul.f32 v30, v12;
	v34 =	vadd.f32 v25, v62;
	v31 =	vadd.f32 v40, v31  }
0x377: {  	(xrf2) =	vadd.scan.msk.f32 $0xffff, v29;
	v30 =	vmul.f32 v30, v13;
	v27 =	vadd.f32 v35, v47;
	v29 =	vadd.f32 v46, v24  }
0x378: {  	v49 =	vmul.f32 v16, v16;
	v24 =	vadd.f32 v28, v48;
	v28 =	vadd.f32 v31, v61  }
0x379: {  	(xrf2) =	vadd.scan.msk.f32 $0xffff, v33;
	v34 =	vadd.f32 v16, v34;
	v31 =	vadd.f32 v63, v43;
	v50 =	vmul.f32 v27, v27  }
0x37a: {  	(xrf2) =	vadd.scan.msk.f32 $0xffff, v45;
	v29 =	vadd.f32 v49, v29;
	v51 =	vadd.f32 v28, v27;
	v52 =	vmul.f32 v28, v28  }
0x37b: {  	(xrf2) =	vadd.scan.msk.f32 $0xffff, v34;
	v30 =	vadd.f32 v31, v30  }
0x37c: {  	v31 =	vmul.f32 v24, v24;
	v33 =	vadd.f32 v24, v51;
	v32 =	vadd.f32 v52, v50;
	(xrf2) =	vadd.scan.msk.f32 $0xffff, v29;
	_ =	sdelay $0x1  }
0x37d: {  	v29 =	vmul.f32 v30, v30;
	v33 =	vadd.f32 v30, v33;
	v31 =	vadd.f32 v31, v32  }
0x37e: {  	v53, _, _ =	vpop (xrf2)  }
0x37f: {  	v29 =	vadd.f32 v29, v31;
	v31 =	vperm.xlane v53, v1;
	(xrf2) =	vadd.scan.msk.f32 $0xffff, v33  }
0x380: {  	v54, _, _ =	vpop (xrf2)  }
0x381: {  	v32 =	vperm.xlane v54, v1;
	v31 =	vmul.f32 $1.562500000e-02, v31  }
0x382: {  	v55, _, _ =	vpop (xrf2);
	(xrf2) =	vadd.scan.msk.f32 $0xffff, v29  }
0x383: {  	v32 =	vmul.f32 $1.562500000e-02, v32;
	v29, _, _ =	vpop (xrf2);
	v57 =	vmul.f32 v31, v31  }
0x384: {  	v56, _, _ =	vpop (xrf2)  }
0x385: {  	v33 =	vperm.xlane v55, v1;
	v29 =	vperm.xlane v29, v1;
	v32 =	vsub.f32 v32, v57;
	v58, _, _ =	vpop (xrf2)  }
0x386: {  	v34 =	vperm.xlane v56, v1;
	v35 =	vperm.xlane v58, v1  }
0x387: {  	v33 =	vmul.f32 $1.562500000e-02, v33;
	v29 =	vmul.f32 $1.562500000e-02, v29;
	v32 =	vadd.f32 $9.999999740e-06, v32  }
0x388: {  	v34 =	vmul.f32 $1.562500000e-02, v34;
	v35 =	vmul.f32 $1.562500000e-02, v35  }
0x389: {  	v63 =	vmul.f32 v29, v29;
	v60 =	vshra.s32 v32, $0x1;
	v32 =	vmul.f32 $5.000000000e-01, v32;
	v61, _, _ =	vpop (xrf2)  }
0x38a: {  	v59 =	vmul.f32 v34, v34;
	v38 =	vperm.xlane v61, v1;
	v37 =	vsub.s32 $0x5F3759DF, v60  }
0x38b: {  	v62 =	vmul.f32 v37, v32  }
0x38c: {  	v33 =	vsub.f32 v33, v63;
	v35 =	vsub.f32 v35, v59;
	v44, _, _ =	vpop (xrf2);
	v38 =	vmul.f32 $1.562500000e-02, v38  }
0x38d: {  	v40 =	vperm.xlane v44, v1;
	v36 =	vmul.f32 v37, v62  }
0x38e: {  	v33 =	vadd.f32 $9.999999740e-06, v33;
	v35 =	vadd.f32 $9.999999740e-06, v35  }
0x38f: {  	v45 =	vmul.f32 $1.562500000e-02, v40;
	v46 =	vmul.f32 v38, v38;
	v36 =	vsub.f32 $1.500000000e+00, v36  }
0x390: {  	v49 =	vshra.s32 v33, $0x1;
	v47 =	vshra.s32 v35, $0x1;
	v35 =	vmul.f32 $5.000000000e-01, v35  }
0x391: {  	v33 =	vmul.f32 $5.000000000e-01, v33;
	v48 =	vsub.s32 $0x5F3759DF, v47;
	v36 =	vmul.f32 v37, v36  }
0x392: {  	v39 =	vsub.f32 v45, v46;
	v37 =	vsub.s32 $0x5F3759DF, v49;
	v41 =	vmul.f32 v48, v35  }
0x393: {  	v50 =	vmul.f32 v37, v33;
	v32 =	vmul.f32 v36, v32  }
0x394: {  	v39 =	vadd.f32 $9.999999740e-06, v39;
	v41 =	vmul.f32 v48, v41  }
0x395: {  	v42 =	vmul.f32 v37, v50;
	v32 =	vmul.f32 v32, v36  }
0x396: {  	v51 =	vshra.s32 v39, $0x1;
	v39 =	vmul.f32 $5.000000000e-01, v39;
	v41 =	vsub.f32 $1.500000000e+00, v41  }
0x397: {  	v43 =	vsub.s32 $0x5F3759DF, v51;
	v42 =	vsub.f32 $1.500000000e+00, v42;
	v32 =	vsub.f32 $1.500000000e+00, v32  }
0x398: {  	v44 =	vmul.f32 v43, v39;
	v40 =	vmul.f32 v48, v41  }
0x399: {  	v52 =	vmul.f32 v37, v42;
	v32 =	vmul.f32 v32, v36  }
0x39a: {  	v44 =	vmul.f32 v43, v44;
	v35 =	vmul.f32 v40, v35  }
0x39b: {  	v33 =	vmul.f32 v52, v33;
	v31 =	vmul.f32 v32, v31  }
0x39c: {  	v53 =	vsub.f32 $1.500000000e+00, v44;
	v54 =	vmul.f32 v32, v5;
	v55 =	vmul.f32 v32, v4  }
0x39d: {  	v35 =	vmul.f32 v35, v40;
	v58 =	vmul.f32 v32, v3  }
0x39e: {  	v32 =	vmul.f32 v32, v2;
	v37 =	vmul.f32 v43, v53  }
0x39f: {  	v33 =	vmul.f32 v33, v52;
	v56 =	vmul.f32 v31, v2  }
0x3a0: {  	v57 =	vmul.f32 v31, v3;
	v45 =	vmul.f32 v31, v4  }
0x3a1: {  	v31 =	vmul.f32 v31, v5;
	v35 =	vsub.f32 $1.500000000e+00, v35;
	v23 =	vmul.f32 v54, v23  }
0x3a2: {  	v42 =	vmul.f32 v55, v22;
	v39 =	vmul.f32 v37, v39  }
0x3a3: {  	v59 =	vmul.f32 v58, v21;
	v33 =	vsub.f32 $1.500000000e+00, v33;
	v22 =	vmul.f32 v35, v40  }
0x3a4: {  	v17 =	vmul.f32 v32, v17;
	v60 =	vsub.f32 v7, v57;
	v39 =	vmul.f32 v39, v37  }
0x3a5: {  	v31 =	vsub.f32 v9, v31;
	v36 =	vmul.f32 v33, v52;
	v21 =	vmul.f32 v22, v5  }
0x3a6: {  	v43 =	vsub.f32 v6, v56;
	v40 =	vmul.f32 v22, v2;
	v50 =	vmul.f32 v22, v4  }
0x3a7: {  	v31 =	vadd.f32 v31, v23;
	v32 =	vmul.f32 v22, v34;
	v53 =	vmul.f32 v36, v29  }
0x3a8: {  	v39 =	vsub.f32 $1.500000000e+00, v39;
	v54 =	vmul.f32 v36, v3;
	v56 =	vmul.f32 v36, v4  }
0x3a9: {  	v35 =	vadd.f32 v60, v59;
	v41 =	vmul.f32 v50, v25;
	v59 =	vmul.f32 v32, v3  }
0x3aa: {  	s28 =	simm.s32 $0x13080;
	v34 =	vmul.f32 v32, v2;
	v37 =	vmul.f32 v39, v37  }
0x3ab: {  	[tilespmem:s28+$0xFFFFFFF0] =	vst v31;
	v57 =	vmul.f32 v53, v4;
	v31 =	vmul.f32 v54, v19  }
0x3ac: {  	v62 =	vsub.f32 v8, v45;
	v19 =	vmul.f32 v32, v4;
	v20 =	vmul.f32 v56, v20  }
0x3ad: {  	v17 =	vadd.f32 v43, v17;
	v60 =	vmul.f32 v53, v3;
	v33 =	vmul.f32 v53, v5  }
0x3ae: {  	v51 =	vadd.f32 v62, v42;
	v38 =	vmul.f32 v37, v38;
	v61 =	vmul.f32 v37, v3  }
0x3af: {  	[tilespmem:s28+$0xFFFFFFC0] =	vst v17;
	v17 =	vsub.f32 v7, v59;
	v63 =	vmul.f32 v37, v2;
	v48 =	vmul.f32 v37, v5  }
0x3b0: {  	v37 =	vmul.f32 v37, v4;
	v62 =	vsub.f32 v8, v19;
	v19 =	vmul.f32 v36, v2  }
0x3b1: {  	v58 =	vsub.f32 v8, v57;
	v49 =	vmul.f32 v38, v2;
	v23 =	vmul.f32 v61, v28  }
0x3b2: {  	[tilespmem:s28+$0xFFFFFFD0] =	vst v35;
	v35 =	vsub.f32 v7, v60;
	v28 =	vmul.f32 v38, v4;
	v45 =	vmul.f32 v63, v27  }
0x3b3: {  	v27 =	vmul.f32 v40, v26;
	v26 =	vmul.f32 v48, v30;
	v25 =	vsub.f32 v6, v49  }
0x3b4: {  	v52 =	vmul.f32 v38, v5;
	v30 =	vmul.f32 v38, v3;
	v63 =	vadd.f32 v58, v20  }
0x3b5: {  	[tilespmem:s28+$0xFFFFFFE0] =	vst v51;
	v61 =	vmul.f32 v36, v5;
	v55 =	vadd.f32 v25, v45;
	v25 =	vmul.f32 v53, v2  }
0x3b6: {  	v20 =	vmul.f32 v37, v24;
	v24 =	vadd.f32 v62, v41;
	v29 =	vsub.f32 v8, v28;
	[tilespmem:s28+$0x20] =	vst v63  }
0x3b7: {  	s9 =	simm.s32 $0xCD80;
	s8 =	simm.s32 $0x16380;
	s2 =	simm.s32 $0x13180;
	v28 =	vsub.f32 v9, v52;
	v18 =	vmul.f32 v61, v18;
	v25 =	vsub.f32 v6, v25;
	[tilespmem:s28+$0xFFFFFF80] =	vst v55  }
.LBB2_17:
0x3b8: {  	s0 =	sadd.s32 $0x6, s25  }
0x3b9: {  	v36 =	vld [tilespmem:s8+$0xFFFFFFD0];
	s11 =	sadd.s32 $0xFFFFFFFF, s25;
	v33 =	vsub.f32 v9, v33;
	v34 =	vsub.f32 v6, v34;
	v32 =	vmul.f32 v32, v5;
	s13 =	smov.u32 s25;
	s25 =	sadd.s32 $0x4, s25  }
0x3ba: {  	v22 =	vmul.f32 v22, v3;
	s21 =	sand.u32 $0xF8, s25;
	s13 =	sadd.s32 $0x5, s13;
	v37 =	vld [tilespmem:s9+$0xFFFFFFC0];
	s29 =	sand.u32 $0x7, s11;
	v20 =	vadd.f32 v29, v20;
	v29 =	vadd.f32 v35, v31  }
0x3bb: {  	v16 =	vmul.f32 v21, v16;
	s11 =	sand.u32 $0x4, s25;
	s21 =	sadd.s32 s21, s26;
	s13 =	sand.u32 $0x5, s13;
	v31 =	vld [tilespmem:s8+$0x10];
	v27 =	vadd.f32 v34, v27;
	[tilespmem:s28+$0x60] =	vst v24;
	v21 =	vsub.f32 v9, v32  }
0x3bc: {  	v30 =	vsub.f32 v7, v30;
	v26 =	vadd.f32 v28, v26;
	s0 =	sand.u32 $0x6, s0;
	v15 =	vmul.f32 v22, v15;
	s11 =	sadd.s32 s11, s21;
	s13 =	sadd.s32 s13, s21;
	v24 =	vld [tilespmem:s9+$0x40];
	[tilespmem:s28+$0x10] =	vst v29  }
0x3bd: {  	p1 =	slt.u32 s25, $0xC4;
	s0 =	sadd.s32 s0, s21;
	s21 =	sadd.s32 s29, s21;
	v22 =	vld [tilespmem:s8+$0x40];
	[tilespmem:s28+$0x40] =	vst v27;
	v16 =	vadd.f32 v21, v16  }
0x3be: {  	v23 =	vadd.f32 v30, v23;
	v18 =	vadd.f32 v33, v18;
	v21 =	vld [tilespmem:s8+$0xFFFFFFC0];
	[tilespmem:s28+$0xFFFFFFA0] =	vst v20  }
0x3bf: {  	v14 =	vmul.f32 v19, v14;
	v20 =	vld [tilespmem:s9+$0xFFFFFFD0];
	[tilespmem:s28+$0x70] =	vst v16  }
0x3c0: {  	v16 =	vld [tilespmem:s13+$0x0];
	[tilespmem:s28+$0xFFFFFFB0] =	vst v26  }
0x3c1: {  	v14 =	vadd.f32 v25, v14;
	v19 =	vld [tilespmem:s8+$0xFFFFFFE0];
	[tilespmem:s28+$0xFFFFFF90] =	vst v23  }
0x3c2: {  	v15 =	vadd.f32 v17, v15;
	v23 =	vld [tilespmem:s9+$0xFFFFFFE0];
	[tilespmem:s28+$0x30] =	vst v18  }
0x3c3: {  	v17 =	vld [tilespmem:s8+$0xFFFFFFF0];
	[tilespmem:s28+$0x0] =	vst v14  }
0x3c4: {  	v14 =	vadd.f32 v36, v20;
	v20 =	vld [tilespmem:s9+$0xFFFFFFF0];
	[tilespmem:s28+$0x50] =	vst v15;
	s28 =	smov.u32 s2  }
0x3c5: {  	v24 =	vadd.f32 v22, v24;
	v15 =	vperm.xlane v16, v0;
	v16 =	vld [tilespmem:s0+$0x0]  }
0x3c6: {  	v18 =	vadd.f32 v21, v37;
	v25 =	vld [tilespmem:s9+$0x10]  }
0x3c7: {  	v21 =	vmul.f32 v15, v10;
	v22 =	vmul.f32 v15, v11;
	v19 =	vadd.f32 v19, v23;
	v26 =	vld [tilespmem:s8+$0x0]  }
0x3c8: {  	v23 =	vmul.f32 v15, v12;
	v27 =	vld [tilespmem:s9+$0x0]  }
0x3c9: {  	v15 =	vmul.f32 v15, v13;
	v18 =	vadd.f32 v18, v21;
	v17 =	vadd.f32 v17, v20;
	v20 =	vld [tilespmem:s8+$0x30]  }
0x3ca: {  	v21 =	vadd.f32 v14, v22;
	v22 =	vadd.f32 v19, v23;
	v19 =	vld [tilespmem:s8+$0x20]  }
0x3cb: {  	v23 =	vadd.f32 v17, v15;
	v14 =	vmul.f32 v18, v18;
	v15 =	vperm.xlane v16, v0;
	v16 =	vld [tilespmem:s9+$0x20]  }
0x3cc: {  	v17 =	vadd.f32 v21, v18;
	v28 =	vmul.f32 v21, v21;
	v25 =	vadd.f32 v31, v25;
	v29 =	vld [tilespmem:s9+$0x30]  }
0x3cd: {  	v30 =	vmul.f32 v23, v23;
	v26 =	vadd.f32 v26, v27;
	v27 =	vmul.f32 v15, v10;
	v31 =	vld [tilespmem:s21+$0x0]  }
0x3ce: {  	v32 =	vmul.f32 v22, v22;
	v17 =	vadd.f32 v22, v17;
	v28 =	vadd.f32 v28, v14;
	v33 =	vld [tilespmem:s8+$0x70]  }
0x3cf: {  	v14 =	vadd.f32 v26, v27;
	v26 =	vmul.f32 v15, v11;
	v27 =	vmul.f32 v15, v12;
	v34 =	vld [tilespmem:s8+$0x50]  }
0x3d0: {  	v28 =	vadd.f32 v32, v28;
	v15 =	vmul.f32 v15, v13;
	v16 =	vadd.f32 v19, v16;
	v32 =	vld [tilespmem:s9+$0x50]  }
0x3d1: {  	v35 =	vadd.f32 v23, v17;
	v17 =	vadd.f32 v25, v26;
	v25 =	vmul.f32 v14, v14;
	v26 =	vld [tilespmem:s8+$0x60]  }
0x3d2: {  	v19 =	vadd.f32 v16, v27;
	v16 =	vadd.f32 v20, v29;
	v27 =	vperm.xlane v31, v0;
	v29 =	vld [tilespmem:s9+$0x60]  }
0x3d3: {  	v28 =	vadd.f32 v30, v28;
	v30 =	vadd.f32 v17, v14;
	v31 =	vmul.f32 v17, v17;
	v36 =	vld [tilespmem:s9+$0x70];
	(xrf2) =	vadd.scan.msk.f32 $0xffff, v35  }
0x3d4: {  	v35 =	vld [tilespmem:s11+$0x0];
	v37 =	vmul.f32 v19, v19;
	v38 =	vmul.f32 v27, v10  }
0x3d5: {  	v20 =	vadd.f32 v16, v15;
	v15 =	vmul.f32 v27, v11;
	v16 =	vmul.f32 v27, v13;
	v39 =	vld [tilespmem:s8+$0xFFFFFFA0]  }
0x3d6: {  	v27 =	vmul.f32 v27, v12;
	v25 =	vadd.f32 v31, v25;
	v31 =	vadd.f32 v34, v32;
	v40 =	vld [tilespmem:s8+$0xFFFFFF90];
	(xrf2) =	vadd.scan.msk.f32 $0xffff, v28  }
0x3d7: {  	v30 =	vadd.f32 v19, v30;
	v32 =	vmul.f32 v20, v20;
	v28 =	vld [tilespmem:s8+$0xFFFFFF80];
	v29 =	vadd.f32 v26, v29  }
0x3d8: {  	v37 =	vadd.f32 v37, v25;
	v15 =	vadd.f32 v31, v15;
	v34 =	vld [tilespmem:s9+$0xFFFFFF80]  }
0x3d9: {  	v26 =	vadd.f32 v24, v38;
	v31 =	vperm.xlane v35, v0;
	v35 =	vld [tilespmem:s9+$0xFFFFFF90];
	v25 =	vadd.f32 v29, v27  }
0x3da: {  	v27 =	vadd.f32 v32, v37;
	v29 =	vadd.f32 v33, v36;
	v32 =	vmul.f32 v15, v15;
	v24 =	vld [tilespmem:s9+$0xFFFFFFA0]  }
0x3db: {  	v42 =	vadd.f32 v15, v26;
	v33 =	vmul.f32 v31, v11;
	v36 =	vld [tilespmem:s8+$0xFFFFFFB0];
	v38 =	vmul.f32 v25, v25  }
0x3dc: {  	v30 =	vadd.f32 v20, v30;
	v16 =	vadd.f32 v29, v16;
	v29 =	vmul.f32 v26, v26;
	v41 =	vld [tilespmem:s9+$0xFFFFFFB0];
	(xrf2) =	vadd.scan.msk.f32 $0xffff, v27  }
0x3dd: {  	v27 =	vadd.f32 v28, v34;
	v28 =	vmul.f32 v31, v10;
	v34 =	vadd.f32 v25, v42;
	v37, _, _ =	vpop (xrf2)  }
0x3de: {  	v29 =	vadd.f32 v32, v29;
	v35 =	vadd.f32 v40, v35;
	v40 =	vmul.f32 v31, v12  }
0x3df: {  	v24 =	vadd.f32 v39, v24;
	v32 =	vadd.f32 v16, v34  }
0x3e0: {  	v27 =	vadd.f32 v27, v28;
	v28 =	vadd.f32 v38, v29;
	v34 =	vmul.f32 v16, v16;
	v38, _, _ =	vpop (xrf2);
	(xrf2) =	vadd.scan.msk.f32 $0xffff, v30  }
0x3e1: {  	v31 =	vmul.f32 v31, v13;
	v24 =	vadd.f32 v24, v40;
	v30 =	vadd.f32 v36, v41  }
0x3e2: {  	v29 =	vadd.f32 v35, v33;
	v33 =	vmul.f32 v27, v27;
	v34 =	vadd.f32 v34, v28  }
0x3e3: {  	v28 =	vadd.f32 v30, v31;
	(xrf2) =	vadd.scan.msk.f32 $0xffff, v32  }
0x3e4: {  	v30 =	vadd.f32 v29, v27;
	v31 =	vmul.f32 v29, v29;
	v32 =	vmul.f32 v24, v24;
	_ =	sdelay $0x1  }
0x3e5: {  	v30 =	vadd.f32 v24, v30;
	v31 =	vadd.f32 v31, v33;
	v33 =	vmul.f32 v28, v28;
	v35, _, _ =	vpop (xrf2);
	(xrf2) =	vadd.scan.msk.f32 $0xffff, v34  }
0x3e6: {  	v35 =	vperm.xlane v35, v1  }
0x3e7: {  	v30 =	vadd.f32 v28, v30;
	v31 =	vadd.f32 v32, v31  }
0x3e8: {  	v32 =	vmul.f32 $1.562500000e-02, v35  }
0x3e9: {  	v35 =	vadd.f32 v33, v31;
	v33 =	vperm.xlane v37, v1;
	(xrf2) =	vadd.scan.msk.f32 $0xffff, v30;
	v34, _, _ =	vpop (xrf2)  }
0x3ea: {  	v30 =	vperm.xlane v38, v1  }
0x3eb: {  	v33 =	vmul.f32 $1.562500000e-02, v33  }
0x3ec: {  	v36 =	vmul.f32 $1.562500000e-02, v30;
	(xrf2) =	vadd.scan.msk.f32 $0xffff, v35;
	v31, _, _ =	vpop (xrf2)  }
0x3ed: {  	v35 =	vmul.f32 v33, v33  }
0x3ee: {  	v31 =	vperm.xlane v31, v1  }
0x3ef: {  	v35 =	vsub.f32 v36, v35;
	v30, _, _ =	vpop (xrf2)  }
0x3f0: {  	v36 =	vperm.xlane v30, v1;
	v30 =	vmul.f32 $1.562500000e-02, v31  }
0x3f1: {  	v39 =	vperm.xlane v34, v1;
	v31 =	vadd.f32 $9.999999740e-06, v35  }
0x3f2: {  	v35 =	vmul.f32 $1.562500000e-02, v36;
	v36 =	vmul.f32 v30, v30  }
0x3f3: {  	v37 =	vshra.s32 v31, $0x1;
	v38 =	vmul.f32 $5.000000000e-01, v31;
	v31 =	vmul.f32 $1.562500000e-02, v39;
	v34, _, _ =	vpop (xrf2)  }
0x3f4: {  	v37 =	vsub.s32 $0x5F3759DF, v37;
	v34 =	vperm.xlane v34, v1;
	v35 =	vsub.f32 v35, v36  }
0x3f5: {  	v36 =	vmul.f32 v37, v38;
	v39 =	vmul.f32 v31, v31  }
0x3f6: {  	v34 =	vmul.f32 $1.562500000e-02, v34;
	v35 =	vadd.f32 $9.999999740e-06, v35;
	v40, _, _ =	vpop (xrf2)  }
0x3f7: {  	v36 =	vmul.f32 v37, v36;
	v32 =	vsub.f32 v32, v39;
	v40 =	vperm.xlane v40, v1  }
0x3f8: {  	v39 =	vshra.s32 v35, $0x1  }
0x3f9: {  	v36 =	vsub.f32 $1.500000000e+00, v36;
	v32 =	vadd.f32 $9.999999740e-06, v32;
	v35 =	vmul.f32 $5.000000000e-01, v35  }
0x3fa: {  	v41 =	vmul.f32 v34, v34;
	v40 =	vmul.f32 $1.562500000e-02, v40;
	v39 =	vsub.s32 $0x5F3759DF, v39  }
0x3fb: {  	v36 =	vmul.f32 v37, v36;
	v37 =	vshra.s32 v32, $0x1;
	v32 =	vmul.f32 $5.000000000e-01, v32  }
0x3fc: {  	v40 =	vsub.f32 v40, v41;
	v37 =	vsub.s32 $0x5F3759DF, v37;
	v41 =	vmul.f32 v39, v35  }
0x3fd: {  	v38 =	vmul.f32 v36, v38;
	v42 =	vmul.f32 v37, v32  }
0x3fe: {  	v40 =	vadd.f32 $9.999999740e-06, v40;
	v41 =	vmul.f32 v39, v41  }
0x3ff: {  	v38 =	vmul.f32 v38, v36;
	v42 =	vmul.f32 v37, v42  }
0x400: {  	v43 =	vshra.s32 v40, $0x1;
	v40 =	vmul.f32 $5.000000000e-01, v40;
	v41 =	vsub.f32 $1.500000000e+00, v41  }
0x401: {  	v43 =	vsub.s32 $0x5F3759DF, v43;
	v38 =	vsub.f32 $1.500000000e+00, v38;
	v42 =	vsub.f32 $1.500000000e+00, v42  }
0x402: {  	v44 =	vmul.f32 v43, v40;
	v39 =	vmul.f32 v39, v41  }
0x403: {  	v36 =	vmul.f32 v38, v36;
	v37 =	vmul.f32 v37, v42  }
0x404: {  	v38 =	vmul.f32 v43, v44;
	v35 =	vmul.f32 v39, v35  }
0x405: {  	v33 =	vmul.f32 v36, v33;
	v41 =	vmul.f32 v36, v5  }
0x406: {  	v42 =	vmul.f32 v36, v4;
	v38 =	vsub.f32 $1.500000000e+00, v38  }
0x407: {  	v35 =	vmul.f32 v35, v39;
	v44 =	vmul.f32 v33, v2  }
0x408: {  	v38 =	vmul.f32 v43, v38;
	v43 =	vmul.f32 v33, v3  }
0x409: {  	v45 =	vmul.f32 v33, v4;
	v33 =	vmul.f32 v33, v5;
	v44 =	vsub.f32 v6, v44  }
0x40a: {  	v23 =	vmul.f32 v41, v23;
	v40 =	vmul.f32 v38, v40;
	v43 =	vsub.f32 v7, v43  }
0x40b: {  	v41 =	vmul.f32 v36, v3;
	v45 =	vsub.f32 v8, v45;
	v33 =	vsub.f32 v9, v33  }
0x40c: {  	v42 =	vmul.f32 v42, v22;
	v22 =	vsub.f32 $1.500000000e+00, v35;
	v40 =	vmul.f32 v40, v38  }
0x40d: {  	v21 =	vmul.f32 v41, v21;
	v23 =	vadd.f32 v33, v23  }
0x40e: {  	v22 =	vmul.f32 v22, v39;
	v33 =	vsub.f32 $1.500000000e+00, v40  }
0x40f: {  	v35 =	vadd.f32 v43, v21;
	[tilespmem:s2+$0xFFFFFFF0] =	vst v23;
	v23 =	vmul.f32 v37, v32  }
0x410: {  	v21 =	vmul.f32 v22, v5;
	v33 =	vmul.f32 v33, v38;
	v32 =	vadd.f32 v45, v42  }
0x411: {  	v36 =	vmul.f32 v36, v2;
	[tilespmem:s2+$0xFFFFFFD0] =	vst v35;
	v35 =	vmul.f32 v22, v2  }
0x412: {  	v34 =	vmul.f32 v33, v34;
	v38 =	vmul.f32 v33, v3;
	[tilespmem:s2+$0xFFFFFFE0] =	vst v32  }
0x413: {  	v18 =	vmul.f32 v36, v18;
	v32 =	vmul.f32 v33, v2  }
0x414: {  	v36 =	vmul.f32 v33, v5;
	v39 =	vmul.f32 v23, v37  }
0x415: {  	v18 =	vadd.f32 v44, v18;
	v40 =	vmul.f32 v34, v2;
	v23 =	vmul.f32 v38, v29  }
0x416: {  	v29 =	vmul.f32 v34, v4;
	v38 =	vsub.f32 $1.500000000e+00, v39;
	v39 =	vmul.f32 v22, v4  }
0x417: {  	v32 =	vmul.f32 v32, v27;
	v27 =	vmul.f32 v35, v26;
	v40 =	vsub.f32 v6, v40  }
0x418: {  	v26 =	vmul.f32 v36, v28;
	v29 =	vsub.f32 v8, v29;
	v35 =	vmul.f32 v38, v37  }
0x419: {  	v36 =	vmul.f32 v39, v25;
	v28 =	vadd.f32 v40, v32;
	v32 =	vmul.f32 v22, v30;
	[tilespmem:s2+$0xFFFFFFC0] =	vst v18  }
0x41a: {  	v37 =	vmul.f32 v35, v31;
	v18 =	vmul.f32 v34, v5  }
0x41b: {  	v38 =	vmul.f32 v33, v4;
	v31 =	vmul.f32 v35, v3;
	[tilespmem:s2+$0xFFFFFF80] =	vst v28  }
0x41c: {  	v30 =	vmul.f32 v34, v3;
	v28 =	vsub.f32 v9, v18;
	v18 =	vmul.f32 v37, v2  }
0x41d: {  	v33 =	vmul.f32 v35, v4;
	v34 =	vmul.f32 v37, v4  }
0x41e: {  	v31 =	vmul.f32 v31, v17;
	v17 =	vmul.f32 v32, v4;
	v25 =	vsub.f32 v6, v18  }
.Ltmp9:
0x41f: {  	v39 =	vmul.f32 v32, v3;
	v18 =	vmul.f32 v33, v19;
	v19 =	vsub.f32 v8, v34;
	(pc) =	sbr.rel @p1 .LBB2_17-.Ltmp9, $4  }
0x420: {  	v41 =	vmul.f32 v35, v5;
	v40 =	vmul.f32 v37, v3;
	v42 =	vsub.f32 v8, v17  }
0x421: {  	v33 =	vmul.f32 v37, v5;
	v34 =	vmul.f32 v32, v2;
	v43 =	vadd.f32 v19, v18  }
0x422: {  	v17 =	vsub.f32 v7, v39;
	v19 =	vmul.f32 v35, v2;
	v18 =	vmul.f32 v41, v20  }
0x423: {  	s8 =	sadd.s32 $0x100, s8;
	s9 =	sadd.s32 $0x100, s9;
	s2 =	sadd.s32 $0x100, s2;
	v20 =	vmul.f32 v38, v24;
	v35 =	vsub.f32 v7, v40;
	v24 =	vadd.f32 v42, v36;
	[tilespmem:s28+$0x20] =	vst v43  }
0x424: {  	v26 =	vadd.f32 v28, v26  }
0x425: {  	v34 =	vsub.f32 v6, v34;
	v31 =	vadd.f32 v35, v31;
	[tilespmem:s28+$0x60] =	vst v24  }
0x426: {  	v60 =	vsub.f32 v7, v30;
	v20 =	vadd.f32 v29, v20;
	[tilespmem:s28+$0xFFFFFFB0] =	vst v26  }
0x427: {  	v32 =	vmul.f32 v32, v5;
	v61 =	vsub.f32 v9, v33;
	v27 =	vadd.f32 v34, v27;
	[tilespmem:s28+$0x10] =	vst v31  }
0x428: {  	v22 =	vmul.f32 v22, v3;
	v14 =	vmul.f32 v19, v14;
	v62 =	vadd.f32 v60, v23;
	[tilespmem:s28+$0xFFFFFFA0] =	vst v20  }
0x429: {  	v16 =	vmul.f32 v21, v16;
	v59 =	vsub.f32 v9, v32;
	v63 =	vadd.f32 v61, v18;
	[tilespmem:s28+$0x40] =	vst v27  }
0x42a: {  	v15 =	vmul.f32 v22, v15;
	v14 =	vadd.f32 v25, v14;
	[tilespmem:s28+$0xFFFFFF90] =	vst v62  }
.Ltmp10:
0x42b: {  	s0 =	sadd.s32 s5, s24;
	v16 =	vadd.f32 v59, v16;
	[tilespmem:s28+$0x30] =	vst v63;
	(pc) =	sbr.rel @p0 .LBB2_20-.Ltmp10, $4  }
0x42c: {  	s0 =	smul.u32 $0x640, s0;
	v15 =	vadd.f32 v17, v15;
	[tilespmem:s28+$0x0] =	vst v14  }
0x42d: {  	[tilespmem:s28+$0x70] =	vst v16  }
0x42e: {  	s0 =	sadd.s32 s4, s0;
	[tilespmem:s28+$0x50] =	vst v15  }
0x42f: {  	[hbm4b:s0+s6] =	stream.linear.scatter [tilespmem:s14], [sflag:$0x6], $0x3200, $0x38;
	[tilespmem:$0x19500] =	vst v63  }
.Ltmp11:
0x430: {  	(pc) =	sbr.rel .LBB2_10-.Ltmp11, $4  }
0x431: {  	s0 =	sadd.s32 $0x5E8, s23;
	s2 =	simm.s32 $0xCC00  }
0x432: {  	[tilespmem:s2], [sflag:$0x4] =	stream.indirect.gather [hbm4b:s7+s17], $0x40, s0, s17, $0xb8;
	[tilespmem:$0x19500] =	vst v63  }
0x433: {  	s30 =	sadd.s32 $0x648, s23;
	s31 =	simm.s32 $0xE400;
	s22 =	sadd.s32 $0x1, s22  }
0x434: {  	[tilespmem:s31], [sflag:$0x4] =	stream.indirect.gather [hbm4b:s7+s19], $0x40, s30, s19, $0xb8;
	[tilespmem:$0x19500] =	vst v63  }
.LBB2_21:
0x435: {  	_ =	sfence.sel $0x180000  }
0x436: {  	[bflag:$0x0] =	sbarrier.arrive $0xFFFF  }
0x437: {  	_ =	strace $0x90000047  }
0x438: {  	s0 =	stileid.u32;
	[bflag:$0x2] =	sbarrier.arrive $0xFFFF  }
0x439: {  	p0 =	sne.s32 s0, $0x0;
	s0 =	rddreg [dreg:$0x4]  }
0x43a: {  	s0 =	sadd.s32 @!p0 $0x100000, s0  }
0x43b: {  	[sflag:s0] =	ssyncadd.tile.s32 @!p0 $0x1;
	_ =	shalt  }
.Lfunc_end2:
_tile_overlayer_lowered:
.L_overlay_start_2:
0x43c: {  	(tag) =	ssettag $0x2  }
0x43d: {  	s0 =	rddreg [dreg:$0x0];
	s2 =	stileid.u32  }
0x43e: {  	s1 =	rddreg [dreg:$0x1];
	p0 =	sne.s32 s2, $0x0  }
0x43f: {  	s3 =	rddreg [dreg:$0x2];
	[bflag:$0x3] =	sbarrier.arrive $0xFFFF;
	s2 =	simm.s32 @!p0 $0x1C07  }
0x440: {  	[timem:s3], [sflag:s2] =	dma.local @!p0 [hbm:s0], s1  }
0x441: {  	s0 =	simm.s32 @!p0 $0x7  }
0x442: {  	_ =	swait.ge @!p0 [sflag:s0], s1  }
0x443: {  	s1 =	ssub.s32 @!p0 $0x0, s1;
	[sflag:s0] =	ssyncset.done @!p0 $0x0  }
0x444: {  	[sflag:s0] =	ssyncadd.s32 @!p0 s1  }
0x445: {  	[bflag:$0x3] =	sbarrier.arrive $0xFFFF  }
0x446: {  	_ =	shalt  }

// kernel: sparse-core-data-format-call.cloned.1.call-start
scs
called_computation_lowered:
.L_overlay_start_0:
0x0: {  	s2 =	sld [smem:$0x3FD9]  }
0x1: {  	s3 =	sld [smem:$0x3FFE];
	_ =	sdelay $0x1  }
0x2: {  	s1 =	srdreg.scid  }
0x3: {  	s0 =	sand.u32 $0x1, s1  }
0x4: {  	s18 =	sshll.u32 s0, $0xA;
	s2 =	sadd.s32 s3, s2  }
0x5: {  	s2 =	sadd.s32 s2, s18  }
0x6: {  	[smem:$0x3FC1] =	sst s2  }
0x7: {  	_ = 	snop  }
0x8: {  	s2 =	sld [smem:$0x3FD0];
	(tm) =	ssettm $0x1  }
0x9: {  	s19 =	sld [smem:$0x3FFB];
	_ =	sdelay $0x3  }
0xa: {  	_ =	strace s19  }
0xb: {  	s3 =	sld [smem:$0x3FFC];
	_ =	sdelay $0x3  }
0xc: {  	_ =	strace s3  }
0xd: {  	s3 =	sld [smem:$0x3FFD];
	_ =	sdelay $0x3  }
0xe: {  	_ =	strace s3  }
0xf: {  	_ =	strace $0x8FFFFFFF  }
0x10: {  	s20 =	sld [smem:$0x3FDB];
	_ =	sdelay $0x1  }
0x11: {  	s4 =	simm.s32 $_scs_section_size  }
0x12: {  	s5 =	simm.s32 $_size__tile_overlayer_lowered;
	s6 =	simm.s32 $_tile_overlayer_lowered  }
0x13: {  	s23 =	simm.s32 $0x1BFF;
	s22 =	sshll.u32 s6, $0x1;
	s3 =	sadd.s32 s4, s20  }
0x14: {  	s7 =	simm.s32 $0x0;
	s21 =	sshll.u32 s5, $0x1;
	s5 =	sadd.s32 s22, s3  }
0x15: {  	[timem:s7], [sflag:s23] =	dma.local [hbm:s5], s21  }
0x16: {  	_ =	swait.ge [sflag:s23], s21  }
0x17: {  	s4 =	ssub.s32 $0x0, s21;
	[sflag:s23] =	ssyncset.done $0x0  }
0x18: {  	[sflag:s23] =	ssyncadd.s32 s4;
	_ =	sdelay $0x1  }
0x19: {  	s24 =	simm.s32 $0x1B8B  }
0x1a: {  	_ =	swait.ge [sflag:s24], $0x1  }
0x1b: {  	[sflag:s24] =	ssyncset.done $0x0  }
0x1c: {  	s26 =	simm.s32 $0x1B8E;
	s25 =	sld [smem:$0x3FFE];
	[sflag:s24] =	ssyncadd.s32 $0xFFFFFFFF  }
0x1d: {  	s27 =	simm.s32 $execute0_lowered;
	[smem:$0x3FD2] =	sst s26  }
0x1e: {  	s5 =	sshll.u32 s27, $0x1;
	_ =	strace $0x80000049;
	[dreg:$0x1] =	wrdreg $0xFFFFFFFF  }
0x1f: {  	s28 =	simm.s32 $_size_execute0_lowered;
	s3 =	sadd.s32 s3, s5;
	[dreg:$0x0] =	wrdreg $0x0  }
0x20: {  	s5 =	sshll.u32 s28, $0x1;
	[dreg:$0x2] =	wrdreg s3  }
0x21: {  	[dreg:$0x3] =	wrdreg s5  }
0x22: {  	[dreg:$0x4] =	wrdreg $0xC0  }
0x23: {  	_ =	task [dreg:s7], $0x5FFFF  }
0x24: {  	[dreg:$0x1] =	wrdreg $0xFFFFFFFF  }
0x25: {  	[dreg:$0x0] =	wrdreg $0x60  }
0x26: {  	[dreg:$0x2] =	wrdreg s25  }
0x27: {  	[dreg:$0x3] =	wrdreg s2  }
0x28: {  	[dreg:$0x4] =	wrdreg $0x9  }
0x29: {  	_ =	task.clear_ibuf [dreg:s7], $0x5FFFF;
	_ =	strace $0x90000049  }
0x2a: {  	s29 =	simm.s32 $0x9;
	_ =	strace $0x8000004B  }
0x2b: {  	_ =	swait.ge [sflag:s29], $0x1  }
0x2c: {  	[sflag:s29] =	ssyncadd.s32 $0xFFFFFFFF  }
0x2d: {  	_ =	strace $0x9000004B  }
0x2e: {  	_ =	sfence  }
0x2f: {  	s30 =	sld [smem:$0x0];
	_ =	sdelay $0x2  }
0x30: {  	s31 =	sshll.u32 s1, $0xD;
	s1 =	sshrl.u32 s1, $0x2  }
0x31: {  	s3 =	sand.u32 $0x4000, s31;
	s1 =	sadd.s32 s1, s30  }
0x32: {  	s0 =	sor.u32 s3, s0;
	s1 =	sshll.u32 s1, $0x11  }
0x33: {  	s0 =	sor.u32 s1, s0  }
0x34: {  	s0 =	sadd.s32 $0x8F2B, s0  }
0x35: {  	[sflag:s0] =	ssyncadd.remote.s32 $0x1  }
0x36: {  	_ =	sfence.sel $0xFFFF  }
0x37: {  	[dreg:$0x0] =	wrdreg $0xFFFFFFFF;
	(pc) =	sbr.abs _section_cstart, $3  }
0x38: {  	[dreg:$0x1] =	wrdreg $0xFFFFFFFF  }
0x39: {  	_ =	task.clear_ibuf [dreg:s7], $0x2FFFF;
	_ =	strace $0x9FFFFFFF  }
0x3a: {  	(tm) =	ssettm $0x7FFFFFFF  }
0x3b: {  	_ =	shalt  }
tec
execute0_lowered:
.L_overlay_start_1:
0x0: {  	(tag) =	ssettag $0x1  }
0x1: {  	s0 =	stileid.u32;
	s6 =	rddreg [dreg:$0x0]  }
0x2: {  	s2 =	rddreg [dreg:$0x1];
	s5 =	srdreg.scid  }
0x3: {  	s31 =	simm.s32 $0x2;
	s13 =	simm.s32 $0x0;
	s1 =	sshll.u32 s0, $0x7  }
0x4: {  	s14 =	simm.s32 $0x0;
	s12 =	simm.s32 $0x0;
	s3 =	sand.u32 $0x380, s1  }
0x5: {  	s5 =	sshll.u32 s5, $0x4;
	s6 =	sadd.s32 $0x800, s6;
	s4 =	ssub.s32 $0x400, s3  }
0x6: {  	s1 =	rddreg [dreg:$0x2];
	_ =	strace $0x8000004A;
	s7 =	sand.u32 $0x380, s4  }
0x7: {  	s5 =	sand.u32 $0x10, s5;
	p0 =	sne.s32 s7, $0x0;
	s7 =	simm.s32 $0x1  }
.Ltmp0:
0x8: {  	s8 =	sshrl.u32 s4, $0xA;
	s7 =	simm.s32 @!p0 $0x0;
	(pc) =	sbr.rel .LBB1_1-.Ltmp0, $4  }
0x9: {  	s9 =	sor.u32 s0, s5;
	s4 =	simm.s32 $0x1;
	s30 =	sadd.s32 s7, s8  }
0xa: {  	s11 =	smov.u32 s3;
	[sflag:s4] =	ssyncpa.u1 $0x0;
	s5 =	smul.u32 $0x32, s30  }
0xb: {  	[sflag:s31] =	ssyncpa.u1 $0x0;
	p0 =	por $0x0, $0x0;
	s7 =	sshrl.u32 s9, $0x3  }
0xc: {  	s9 =	simm.s32 $0x2000;
	s10 =	smov.u32 s7;
	s8 =	sor.u32 $0x1, s5  }
.LBB1_4:
0xd: {  	s17 =	sand.u32 $0x1F80, s14;
	s13 =	sshll.u32 s13, $0xD  }
0xe: {  	[tilespmem:s16+$0x810 ss:$0x81] =	vst.msk $0xffff, v2;
	s18 =	sshrl.u32 s14, $0x3;
	s31 =	sand.u32 $0x7, s14;
	s17 =	sadd.s32 s2, s17  }
0xf: {  	[tilespmem:s16+$0x1020 ss:$0x81] =	vst.msk $0xffff, v0;
	s18 =	sand.u32 $0xF, s18;
	s14 =	sshll.u32 s31, $0x12;
	s13 =	sadd.s32 s13, s17  }
0x10: {  	[tilespmem:s16+$0x0 ss:$0x81] =	vst.msk $0xffff, v1;
	s14 =	sor.u32 $0x400, s14;
	s13 =	sadd.s32 s18, s13  }
0x11: {  	[hbm4b:s13+s14] =	stream.strided.scatter [tilespmem:s15], [sflag:$0x2], $0x2000, s9, s14, $0x20;
	[tilespmem:$0x8080] =	vst v63  }
.LBB1_5:
0x12: {  	s15 =	sadd.s32 $0x4, s10  }
0x13: {  	s13 =	sadd.s32 $0x400, s11;
	s17 =	smov.u32 s11;
	p2 =	sgt.s32 s15, $0xC7  }
0x14: {  	s17 =	smov.u32 @p2 s13  }
0x15: {  	s15 =	smov.u32 @p2 s7;
	p2 =	sgt.s32 s17, $0x3FF  }
0x16: {  	s17 =	smov.u32 @p2 s3;
	p2 =	sne.s32 s12, s8  }
.Ltmp1:
0x17: {  	p1 =	slt.u32 s12, $0x2;
	(pc) =	sbr.rel @!p2 .LBB1_6-.Ltmp1, $4  }
0x18: {  	s16 =	simm.s32 @!p1 $0x2  }
0x19: {  	s14 =	smov.u32 s11;
	p0 =	por !p0, !p0;
	_ =	swait.ge @!p1 [sflag:s16], $0x2000  }
0x1a: {  	s13 =	smov.u32 s10;
	[sflag:s16] =	ssyncset.done @!p1 $0x0;
	s10 =	smov.u32 s15  }
0x1b: {  	s12 =	sadd.s32 $0x1, s12;
	[sflag:s16] =	ssyncadd.s32 @!p1 $0xFFFFE000;
	s11 =	smov.u32 s17  }
.LBB1_1:
0x1c: {  	p1 =	sge.u32 s12, s5  }
0x1d: {  	s15 =	sand.u32 @!p1 $0x1FFFFFF, s10  }
0x1e: {  	s16 =	smulhi.u32 @!p1 $0x147AE15, s15;
	_ =	sdelay $0x1  }
0x1f: {  	s16 =	smul.u32 @!p1 $0xC8, s16  }
0x20: {  	s17 =	sxor.u32 @!p1 $0xFFFFFFFF, s12;
	s18 =	smul.u32 @!p1 $0xC80, s11  }
0x21: {  	s31 =	sadd.s32 $0xFFFFFFFF, s12;
	s17 =	sshll.u32 @!p1 s17, $0xD;
	s15 =	ssub.s32 @!p1 s15, s16  }
0x22: {  	s16 =	sand.u32 @!p1 $0x2000, s17;
	s17 =	sadd.s32 @!p1 s6, s18;
	s15 =	sshll.u32 @!p1 s15, $0x4  }
0x23: {  	s18 =	simm.s32 @!p1 $0x6400;
	s15 =	sadd.s32 @!p1 s15, s17;
	s17 =	simm.s32 @!p1 $0x40  }
0x24: {  	[tilespmem:s16], [sflag:$0x1] =	stream.strided.gather @!p1 [hbm4b:s15+s17], $0x2000, s18, s17, $0x38;
	[tilespmem:$0x8080] =	vst v63  }
0x25: {  	p1 =	sge.u32 s31, s5  }
.Ltmp2:
0x26: {  	_ = 	snop;
	(pc) =	sbr.rel @p1 .LBB1_5-.Ltmp2, $1  }
0x27: {  	_ =	sdelay $0x3  }
0x28: {  	s15 =	simm.s32 $0x1  }
0x29: {  	_ =	swait.ge [sflag:s4], $0x2000;
	s15 =	simm.s32 @!p0 $0x0  }
0x2a: {  	[sflag:s4] =	ssyncset.done $0x0;
	s16 =	sshll.u32 s15, $0xD  }
0x2b: {  	[sflag:s4] =	ssyncadd.s32 $0xFFFFE000;
	s19 =	sor.u32 $0x20, s16  }
0x2c: {  	s15 =	smul.u32 $0x8100, s15;
	v3 =	vld [tilespmem:s19+$0x10]  }
0x2d: {  	s30 =	sand.u32 $0x1, s12;
	v2 =	vld [tilespmem:s19+$0xFFFFFFF0]  }
0x2e: {  	s16 =	smul.u32 $0x8100, s30;
	s15 =	sshrl.u32 s15, $0x2;
	v0 =	vld [tilespmem:s19+$0x0]  }
0x2f: {  	v1 =	vld [tilespmem:s19+$0xFFFFFFE0];
	s17 =	sor.u32 $0x4000, s15  }
0x30: {  	s31 =	sshrl.u32 s16, $0x2;
	s16 =	sadd.s32 $0x0, s17  }
0x31: {  	s18 =	simm.s32 $0x4;
	s19 =	sadd.s32 $0x40, s19;
	s15 =	sor.u32 $0x4000, s31;
	[tilespmem:s16+$0x1830 ss:$0x81] =	vst.msk $0xffff, v3  }
.LBB1_3:
0x32: {  	v3 =	vld [tilespmem:s19+$0x10];
	p1 =	sne.s32 s18, $0x1FC;
	[tilespmem:s16+$0x810 ss:$0x81] =	vst.msk $0xffff, v2;
	s20 =	smov.u32 s18;
	s18 =	sadd.s32 $0x4, s18  }
.Ltmp3:
0x33: {  	v2 =	vld [tilespmem:s19+$0xFFFFFFF0];
	[tilespmem:s16+$0x1020 ss:$0x81] =	vst.msk $0xffff, v0;
	(pc) =	sbr.rel @p1 .LBB1_3-.Ltmp3, $4  }
0x34: {  	v0 =	vld [tilespmem:s19+$0x0];
	[tilespmem:s16+$0x0 ss:$0x81] =	vst.msk $0xffff, v1  }
0x35: {  	s16 =	sshra.s32 s20, $0x2;
	v1 =	vld [tilespmem:s19+$0xFFFFFFE0]  }
0x36: {  	s16 =	sadd.s32 s16, s17  }
0x37: {  	s19 =	sadd.s32 $0x40, s19;
	[tilespmem:s16+$0x1830 ss:$0x81] =	vst.msk $0xffff, v3  }
.Ltmp4:
0x38: {  	_ = 	snop;
	(pc) =	sbr.rel .LBB1_4-.Ltmp4, $1  }
0x39: {  	_ =	sdelay $0x3  }
.LBB1_6:
0x3a: {  	_ =	sfence.sel $0x180000  }
0x3b: {  	s2 =	simm.s32 $0x1;
	[bflag:$0x0] =	sbarrier.arrive $0xFFFF  }
0x3c: {  	s31 =	simm.s32 $0x2;
	[sflag:s2] =	ssyncpa.u1 $0x1  }
0x3d: {  	[sflag:s31] =	ssyncpa.u1 $0x1  }
0x3e: {  	p0 =	sne.s32 s0, $0x0;
	_ =	strace $0x9000004A  }
0x3f: {  	s0 =	sadd.s32 @!p0 $0x100000, s1;
	[bflag:$0x2] =	sbarrier.arrive $0xFFFF  }
0x40: {  	[sflag:s0] =	ssyncadd.tile.s32 @!p0 $0x1;
	_ =	shalt  }
.Lfunc_end1:
_tile_overlayer_lowered:
.L_overlay_start_2:
0x41: {  	(tag) =	ssettag $0x2  }
0x42: {  	s0 =	rddreg [dreg:$0x0];
	s2 =	stileid.u32  }
0x43: {  	s1 =	rddreg [dreg:$0x1];
	p0 =	sne.s32 s2, $0x0  }
0x44: {  	s3 =	rddreg [dreg:$0x2];
	[bflag:$0x3] =	sbarrier.arrive $0xFFFF;
	s2 =	simm.s32 @!p0 $0x1C01  }
0x45: {  	[timem:s3], [sflag:s2] =	dma.local @!p0 [hbm:s0], s1  }
0x46: {  	s0 =	simm.s32 @!p0 $0x1  }
0x47: {  	_ =	swait.ge @!p0 [sflag:s0], s1  }
0x48: {  	s1 =	ssub.s32 @!p0 $0x0, s1;
	[sflag:s0] =	ssyncset.done @!p0 $0x0  }
0x49: {  	[sflag:s0] =	ssyncadd.s32 @!p0 s1  }
0x4a: {  	[bflag:$0x3] =	sbarrier.arrive $0xFFFF  }
0x4b: {  	_ =	shalt  }

</sc_bundles>
